<compile_context>
chip_gen: v7x
topology: tpu7x:2x2x1
jax: 0.10.2.dev20260603
libtpu: 0.0.44.dev20260713+nightly
codegen_flags: <defaults>
</compile_context>

<pallas_src>
import jax
import jax.numpy as jnp
from jax import lax
from jax.experimental import pallas as pl
from jax.experimental.pallas import tpu as pltpu
from jax.experimental.pallas import tpu_sc as plsc

T, N, E, D, H, R = 4, 10000, 320000, 128, 128, 16
NC, NS = 2, 16
NW = NC * NS
EPW = E // NW
BB = 80
NBLK = EPW // BB
EPS = E // NC
ZCH = 40
ZTW = 10
ZPT = N // ZTW
LG = H // 16
W32 = H // 2



TW = T * W32


def _gather(p_tab, q_tab, ridx, cidx, ne, bb):
    epw = ne // NW
    nblk = epw // bb

    def body(p_tab, q_tab, ridx, cidx, p_out, q_out,
             idx_r, idx_c, bp0, bq0, bp1, bq1, sem0, sem1):
        cid = lax.axis_index("c")
        sid = lax.axis_index("s")
        wid = sid * NC + cid

        def fire(bp, bq, sem, eb):
            pltpu.async_copy(p_tab.at[idx_r.at[pl.ds(eb, bb)]], bp, sem)
            pltpu.async_copy(q_tab.at[idx_c.at[pl.ds(eb, bb)]], bq, sem)

        def drain(bp, bq, sem):
            pltpu.make_async_copy(p_tab.at[idx_r.at[pl.ds(0, bb)]],
                                  bp, sem).wait()
            pltpu.make_async_copy(q_tab.at[idx_c.at[pl.ds(0, bb)]],
                                  bq, sem).wait()

        def store(bp, bq, base_out):
            pltpu.sync_copy(bp, p_out.at[pl.ds(base_out, bb)])
            pltpu.sync_copy(bq, q_out.at[pl.ds(base_out, bb)])

        base_e = wid * epw
        pltpu.sync_copy(ridx.at[pl.ds(base_e, epw)], idx_r)
        pltpu.sync_copy(cidx.at[pl.ds(base_e, epw)], idx_c)
        fire(bp0, bq0, sem0, 0)

        def pair(k, c):
            eb0 = 2 * k * bb
            fire(bp1, bq1, sem1, eb0 + bb)
            drain(bp0, bq0, sem0)
            store(bp0, bq0, base_e + eb0)
            fire(bp0, bq0, sem0, eb0 + 2 * bb)
            drain(bp1, bq1, sem1)
            store(bp1, bq1, base_e + eb0 + bb)
            return c

        lax.fori_loop(0, (nblk - 1) // 2, pair, 0)
        drain(bp0, bq0, sem0)
        store(bp0, bq0, base_e + (nblk - 1) * bb)

    return pl.kernel(
        body,
        out_type=(jax.ShapeDtypeStruct((ne, TW), jnp.int32),
                  jax.ShapeDtypeStruct((ne, TW), jnp.int32)),
        mesh=plsc.VectorSubcoreMesh(core_axis_name="c", subcore_axis_name="s"),
        scratch_types=[
            pltpu.VMEM((epw,), jnp.int32),
            pltpu.VMEM((epw,), jnp.int32),
            pltpu.VMEM((bb, TW), jnp.int32),
            pltpu.VMEM((bb, TW), jnp.int32),
            pltpu.VMEM((bb, TW), jnp.int32),
            pltpu.VMEM((bb, TW), jnp.int32),
            pltpu.SemaphoreType.DMA,
            pltpu.SemaphoreType.DMA,
        ],
    )(p_tab, q_tab, ridx, cidx)




def _scatter(e2, row3d, ne, bb):
    epw = ne // NW
    nblk = epw // bb
    eps = ne // NC

    def body(e2, row3d, parts, idx2d, buf, buf1, zbuf, acc, sem0, sem1):
        cid = lax.axis_index("c")
        sid = lax.axis_index("s")
        w = cid * NS + sid
        pltpu.sync_copy(row3d.at[w], idx2d)

        def zrow(r, c):
            for j in range(LG):
                zbuf[r, pl.ds(j * 16, 16)] = jnp.zeros((16,), jnp.float32)
            return c

        lax.fori_loop(0, ZCH, zrow, 0)

        tbase = cid * eps + sid * epw

        def fire(b, bf, sem, t):
            pltpu.async_copy(e2.at[t, pl.ds(tbase + b * bb, bb)], bf, sem)

        def drain(bf, sem, t):
            pltpu.make_async_copy(e2.at[t, pl.ds(tbase, bb)], bf, sem).wait()

        for t in range(T):
            @pl.when(sid < ZTW)
            def _zero():
                def zc(k, c):
                    pltpu.sync_copy(zbuf,
                                    acc.at[pl.ds(sid * ZPT + k * ZCH, ZCH)])
                    return c
                lax.fori_loop(0, ZPT // ZCH, zc, 0)

            plsc.subcore_barrier()
            fire(0, buf, sem0, t)

            def pair(k, c):
                b0 = 2 * k
                fire(b0 + 1, buf1, sem1, t)
                drain(buf, sem0, t)
                pltpu.sync_copy(buf, acc.at[idx2d.at[b0]], add=True)
                fire(b0 + 2, buf, sem0, t)
                drain(buf1, sem1, t)
                pltpu.sync_copy(buf1, acc.at[idx2d.at[b0 + 1]], add=True)
                return c

            lax.fori_loop(0, (nblk - 1) // 2, pair, 0)
            drain(buf, sem0, t)
            pltpu.sync_copy(buf, acc.at[idx2d.at[nblk - 1]], add=True)
            plsc.subcore_barrier()

            @pl.when(sid < ZTW)
            def _readback():
                def rb(k, c):
                    off = sid * ZPT + k * ZCH
                    pltpu.sync_copy(acc.at[pl.ds(off, ZCH)],
                                    parts.at[t, cid, pl.ds(off, ZCH)])
                    return c
                lax.fori_loop(0, ZPT // ZCH, rb, 0)

            plsc.subcore_barrier()

    return pl.kernel(
        body,
        out_type=jax.ShapeDtypeStruct((T, NC, N, H), jnp.float32),
        mesh=plsc.VectorSubcoreMesh(core_axis_name="c", subcore_axis_name="s"),
        scratch_types=[
            pltpu.VMEM((nblk, bb), jnp.int32),
            pltpu.VMEM((bb, H), jnp.float32),
            pltpu.VMEM((bb, H), jnp.float32),
            pltpu.VMEM((ZCH, H), jnp.float32),
            pltpu.VMEM_SHARED((N, H), jnp.float32),
            pltpu.SemaphoreType.DMA,
            pltpu.SemaphoreType.DMA,
        ],
    )(e2, row3d)



BA = 2000


def _pack_bf16_pairs(x):
    xi = lax.bitcast_convert_type(x, jnp.int32)
    rne = xi + 0x7FFF + (lax.shift_right_logical(xi, 16) & 1)
    xb = lax.shift_right_logical(rne, 16)
    return xb[:, :W32] | (xb[:, W32:] << 16)


def _tables_tc(h_ref, wa_ref, wb_ref, p_ref, q_ref):
    for t in range(T):
        hb = h_ref[t]
        pf = jnp.dot(hb, wa_ref[...], preferred_element_type=jnp.float32)
        qf = jnp.dot(hb, wb_ref[...], preferred_element_type=jnp.float32)
        p_ref[:, t * W32:(t + 1) * W32] = _pack_bf16_pairs(pf)
        q_ref[:, t * W32:(t + 1) * W32] = _pack_bf16_pairs(qf)


def _tables(h, wa, wb):
    return pl.pallas_call(
        _tables_tc,
        grid=(N // BA,),
        in_specs=[
            pl.BlockSpec((T, BA, D), lambda j: (0, j, 0)),
            pl.BlockSpec((D, H), lambda j: (0, 0)),
            pl.BlockSpec((D, H), lambda j: (0, 0)),
        ],
        out_specs=[pl.BlockSpec((BA, TW), lambda j: (j, 0))] * 2,
        out_shape=[jax.ShapeDtypeStruct((N, TW), jnp.int32)] * 2,
    )(h, wa, wb)



BC = 2000


def _unpack_sum(pw, qw):
    plo = lax.bitcast_convert_type(pw << 16, jnp.float32)
    phi = lax.bitcast_convert_type(pw & jnp.int32(-65536), jnp.float32)
    qlo = lax.bitcast_convert_type(qw << 16, jnp.float32)
    qhi = lax.bitcast_convert_type(qw & jnp.int32(-65536), jnp.float32)
    return jnp.concatenate([plo + qlo, phi + qhi], axis=1)


def _edge_tc(p_ref, q_ref, rad_ref, wc_ref, b1_ref, w2_ref, b2_ref, e2_ref):
    p = p_ref[...]
    q = q_ref[...]
    for t in range(T):
        g = _unpack_sum(p[:, t * W32:(t + 1) * W32],
                        q[:, t * W32:(t + 1) * W32])
        e1 = (g
              + jnp.dot(rad_ref[t], wc_ref[...],
                        preferred_element_type=jnp.float32)
              + b1_ref[...])
        e1 = jnp.maximum(e1, 0.0)
        e2 = jnp.dot(e1, w2_ref[...], preferred_element_type=jnp.float32)
        e2_ref[t] = jnp.maximum(e2 + b2_ref[...], 0.0)


def _edge_mlp(p_rows, q_rows, radial, wc, b1, w2, b2, ne, off):
    return pl.pallas_call(
        _edge_tc,
        grid=(ne // BC,),
        in_specs=[
            pl.BlockSpec((BC, TW), lambda i: (i, 0)),
            pl.BlockSpec((BC, TW), lambda i: (i, 0)),
            pl.BlockSpec((T, BC, R), lambda i, off=off: (0, i + off, 0)),
            pl.BlockSpec((R, H), lambda i: (0, 0)),
            pl.BlockSpec((1, H), lambda i: (0, 0)),
            pl.BlockSpec((H, H), lambda i: (0, 0)),
            pl.BlockSpec((1, H), lambda i: (0, 0)),
        ],
        out_specs=pl.BlockSpec((T, BC, H), lambda i: (0, i, 0)),
        out_shape=jax.ShapeDtypeStruct((T, ne, H), jnp.float32),
    )(p_rows, q_rows, radial, wc, b1, w2, b2)



BN = 2000


def _node_tc(oth_ref, h_ref, pa_ref, wn1_ref, bn1_ref, wn2_ref,
             bn2_ref, hout_ref, a_ref):
    oth = oth_ref[0]
    hb = h_ref[0]
    agg = pa_ref[0, 0] + pa_ref[0, 1]
    a = jnp.concatenate([oth, hb, agg], axis=1)
    a_ref[0] = a
    z = jnp.maximum(
        jnp.dot(a, wn1_ref[...], preferred_element_type=jnp.float32)
        + bn1_ref[...], 0.0)
    o = jnp.dot(z, wn2_ref[...], preferred_element_type=jnp.float32) \
        + bn2_ref[...]
    hout_ref[0] = hb + o


def _node_mlp(others, h, parts_a, wn1, bn1, wn2, bn2):
    return pl.pallas_call(
        _node_tc,
        grid=(T, N // BN),
        in_specs=[
            pl.BlockSpec((1, BN, H), lambda t, j: (t, j, 0)),
            pl.BlockSpec((1, BN, D), lambda t, j: (t, j, 0)),
            pl.BlockSpec((1, NC, BN, H), lambda t, j: (t, 0, j, 0)),
            pl.BlockSpec((H + D + H, H), lambda t, j: (0, 0)),
            pl.BlockSpec((1, H), lambda t, j: (0, 0)),
            pl.BlockSpec((H, D), lambda t, j: (0, 0)),
            pl.BlockSpec((1, D), lambda t, j: (0, 0)),
        ],
        out_specs=[
            pl.BlockSpec((1, BN, D), lambda t, j: (t, j, 0)),
            pl.BlockSpec((1, BN, H + D + H), lambda t, j: (t, j, 0)),
        ],
        out_shape=[
            jax.ShapeDtypeStruct((T, N, D), jnp.float32),
            jax.ShapeDtypeStruct((T, N, H + D + H), jnp.float32),
        ],
    )(others, h, parts_a, wn1, bn1, wn2, bn2)




def kernel(h, edge_index, radial, others,
           We1, be1, We2, be2, Wn1, bn1, Wn2, bn2):
    row = edge_index[0]
    col = edge_index[1]

    p32, q32 = _tables(h, We1[:D], We1[D:2 * D])
    pr, qr = _gather(p32, q32, row, col, E, BB)
    e2 = _edge_mlp(pr, qr, radial, We1[2 * D:], be1.reshape(1, H),
                   We2, be2.reshape(1, H), E, 0)
    parts = _scatter(e2, row.reshape(NW, NBLK, BB), E, BB)
    h_out, a_out = _node_mlp(others, h, parts, Wn1,
                             bn1.reshape(1, H), Wn2, bn2.reshape(1, D))
    return h_out, a_out

# --- scband reference (transcript-rebuilt; emitter-appended) ---
"""Pipeline reference for scband-gmnlayer-x-pooling2-28432683499989 (READ-ONLY COPY).

The authoritative reference and input builder live on the scoring server;
editing this copy changes nothing except your own understanding.
"""

import jax, jax.numpy as jnp
import numpy as np

T, N, E, D, H, R = 4, 10000, 320000, 128, 128, 16

def setup_inputs(seed: int = 0) -> dict:
    key = jax.random.key(seed)
    ks = jax.random.split(key, 16)
    h = jax.random.normal(ks[0], (T, N, D), dtype=jnp.float32)
    edge_index = jax.random.randint(ks[1], (2, E), 0, N, dtype=jnp.int32)
    radial = jax.random.normal(ks[2], (T, E, R), dtype=jnp.float32)
    others = jax.random.normal(ks[3], (T, N, H), dtype=jnp.float32)
    # edge_mlp: Linear(2*D + 16, H), ReLU, Linear(H, H), ReLU
    We1 = jax.random.normal(ks[4], (2 * D + R, H), dtype=jnp.float32) * 0.05
    be1 = jnp.zeros((H,), dtype=jnp.float32)
    We2 = jax.random.normal(ks[5], (H, H), dtype=jnp.float32) * 0.05
    be2 = jnp.zeros((H,), dtype=jnp.float32)
    # node_mlp: Linear(H + D + 0 + H, H), ReLU, Linear(H, output_nf=D)
    Wn1 = jax.random.normal(ks[6], (H + D + H, H), dtype=jnp.float32) * 0.05
    bn1 = jnp.zeros((H,), dtype=jnp.float32)
    Wn2 = jax.random.normal(ks[7], (H, D), dtype=jnp.float32) * 0.05
    bn2 = jnp.zeros((D,), dtype=jnp.float32)
    return {"h": h, "edge_index": edge_index, "radial": radial, "others": others,
            "We1": We1, "be1": be1, "We2": We2, "be2": be2,
            "Wn1": Wn1, "bn1": bn1, "Wn2": Wn2, "bn2": bn2}

def reference(h, edge_index, radial, others, We1, be1, We2, be2, Wn1, bn1, Wn2, bn2):
    row = edge_index[0]
    col = edge_index[1]
    n_nodes = h.shape[1]

    def step(h_i, radial_i, others_i):
        # edge_model: source/target gather + edge MLP (attention=False, edge_attr=None)
        source_i = jnp.take(h_i, row, axis=0)
        target_i = jnp.take(h_i, col, axis=0)
        e = jnp.concatenate([source_i, target_i, radial_i], axis=1)
        e = jax.nn.relu(e @ We1 + be1)
        e = jax.nn.relu(e @ We2 + be2)
        # node_model: unsorted_segment_sum over row, cat([others, x, agg]), node MLP, residual
        agg = jax.ops.segment_sum(e, row, num_segments=n_nodes)
        a = jnp.concatenate([others_i, h_i, agg], axis=1)
        o = jax.nn.relu(a @ Wn1 + bn1) @ Wn2 + bn2
        return h_i + o, a

    h_out, agg_out = jax.vmap(step)(h, radial, others)
    return h_out, agg_out

if __name__ == "__main__":
    import jax
    _d = setup_inputs()
    print(jax.jit(kernel)(*tuple(_d.values())))

</pallas_src>

<mosaic_0001>
#map = affine_map<(d0, d1) -> (0, 0)>
#map1 = affine_map<(d0, d1) -> (0)>
module attributes {stable_mosaic.version = 14 : i64} {
  func.func @body(%arg0: i32, %arg1: i32, %arg2: memref<10000x256xi32, #tpu.memory_space<hbm>>, %arg3: memref<10000x256xi32, #tpu.memory_space<hbm>>, %arg4: memref<320000xi32, #tpu.memory_space<hbm>>, %arg5: memref<320000xi32, #tpu.memory_space<hbm>>, %arg6: memref<320000x256xi32, #tpu.memory_space<hbm>>, %arg7: memref<320000x256xi32, #tpu.memory_space<hbm>>, %arg8: memref<10000xi32, #tpu.memory_space<vmem>>, %arg9: memref<10000xi32, #tpu.memory_space<vmem>>, %arg10: memref<80x256xi32, #tpu.memory_space<vmem>>, %arg11: memref<80x256xi32, #tpu.memory_space<vmem>>, %arg12: memref<80x256xi32, #tpu.memory_space<vmem>>, %arg13: memref<80x256xi32, #tpu.memory_space<vmem>>, %arg14: memref<!tpu.dma_semaphore, #tpu.memory_space<semaphore_mem>>, %arg15: memref<!tpu.dma_semaphore, #tpu.memory_space<semaphore_mem>>) attributes {dimension_semantics = [#tpu.dimension_semantics<core_parallel>, #tpu.dimension_semantics<subcore_parallel>], iteration_bounds = array<i64: 2, 16>, scalar_prefetch = 0 : i64, scratch_operands = 8 : i64, tpu.core_type = #tpu.core_type<sc_vector_subcore>, window_params = [{transform_indices = #map}, {transform_indices = #map}, {transform_indices = #map1}, {transform_indices = #map1}, {transform_indices = #map}, {transform_indices = #map}]} {
    %mul3A = arith.constant 2 : i32
    %mul3A_0 = arith.muli %arg1, %mul3A : i32
    %add3A = arith.addi %mul3A_0, %arg0 : i32
    %mul3A_1 = arith.constant 10000 : i32
    %mul3A_2 = arith.muli %add3A, %mul3A_1 : i32
    "tpu.region"() ({
      %run_scoped3A = tpu.sem_alloc : memref<!tpu.dma_semaphore, #tpu.memory_space<semaphore_mem>>
      %dma_start3A_28 = tpu.memref_slice %arg4[%mul3A_2] : memref<320000xi32, #tpu.memory_space<hbm>> -> memref<10000xi32, #tpu.memory_space<hbm>>
      %dma_start3A_29 = tpu.memref_slice %arg4[%mul3A_2] : memref<320000xi32, #tpu.memory_space<hbm>> -> memref<10000xi32, #tpu.memory_space<hbm>>
      tpu.enqueue_dma source(%dma_start3A_29 : memref<10000xi32, #tpu.memory_space<hbm>>) target(%arg8 : memref<10000xi32, #tpu.memory_space<vmem>>) target_semaphore(%run_scoped3A : memref<!tpu.dma_semaphore, #tpu.memory_space<semaphore_mem>>)
      %dma_wait3A_30 = tpu.memref_slice %arg4[%mul3A_2] : memref<320000xi32, #tpu.memory_space<hbm>> -> memref<10000xi32, #tpu.memory_space<hbm>>
      %dma_wait3A_31 = tpu.memref_slice %arg4[%mul3A_2] : memref<320000xi32, #tpu.memory_space<hbm>> -> memref<10000xi32, #tpu.memory_space<hbm>>
      tpu.wait_dma2 semaphore(%run_scoped3A : memref<!tpu.dma_semaphore, #tpu.memory_space<semaphore_mem>>) src(%dma_wait3A_31 : memref<10000xi32, #tpu.memory_space<hbm>>) dst(%arg8 : memref<10000xi32, #tpu.memory_space<vmem>>)
      tpu.yield
    }) : () -> ()
    "tpu.region"() ({
      %run_scoped3A = tpu.sem_alloc : memref<!tpu.dma_semaphore, #tpu.memory_space<semaphore_mem>>
      %dma_start3A_28 = tpu.memref_slice %arg5[%mul3A_2] : memref<320000xi32, #tpu.memory_space<hbm>> -> memref<10000xi32, #tpu.memory_space<hbm>>
      %dma_start3A_29 = tpu.memref_slice %arg5[%mul3A_2] : memref<320000xi32, #tpu.memory_space<hbm>> -> memref<10000xi32, #tpu.memory_space<hbm>>
      tpu.enqueue_dma source(%dma_start3A_29 : memref<10000xi32, #tpu.memory_space<hbm>>) target(%arg9 : memref<10000xi32, #tpu.memory_space<vmem>>) target_semaphore(%run_scoped3A : memref<!tpu.dma_semaphore, #tpu.memory_space<semaphore_mem>>)
      %dma_wait3A_30 = tpu.memref_slice %arg5[%mul3A_2] : memref<320000xi32, #tpu.memory_space<hbm>> -> memref<10000xi32, #tpu.memory_space<hbm>>
      %dma_wait3A_31 = tpu.memref_slice %arg5[%mul3A_2] : memref<320000xi32, #tpu.memory_space<hbm>> -> memref<10000xi32, #tpu.memory_space<hbm>>
      tpu.wait_dma2 semaphore(%run_scoped3A : memref<!tpu.dma_semaphore, #tpu.memory_space<semaphore_mem>>) src(%dma_wait3A_31 : memref<10000xi32, #tpu.memory_space<hbm>>) dst(%arg9 : memref<10000xi32, #tpu.memory_space<vmem>>)
      tpu.yield
    }) : () -> ()
    %dma_start3A = arith.constant 0 : i32
    %dma_start3A_3 = tpu.memref_slice %arg8[%dma_start3A] : memref<10000xi32, #tpu.memory_space<vmem>> -> memref<80xi32, #tpu.memory_space<vmem>>
    %dma_start3A_4 = arith.constant 0 : i32
    %dma_start3A_5 = arith.constant 0 : i32
    %dma_start3A_6 = tpu.memref_slice %arg2[%dma_start3A_4, %dma_start3A_5] : memref<10000x256xi32, #tpu.memory_space<hbm>> -> memref<10000x256xi32, #tpu.memory_space<hbm>>
    tpu.enqueue_indirect_dma source(%dma_start3A_6 : memref<10000x256xi32, #tpu.memory_space<hbm>>) target(%arg10 : memref<80x256xi32, #tpu.memory_space<vmem>>) offsets(%dma_start3A_3 : memref<80xi32, #tpu.memory_space<vmem>>) semaphore(%arg14 : memref<!tpu.dma_semaphore, #tpu.memory_space<semaphore_mem>>)
    %dma_start3A_7 = arith.constant 0 : i32
    %dma_start3A_8 = tpu.memref_slice %arg9[%dma_start3A_7] : memref<10000xi32, #tpu.memory_space<vmem>> -> memref<80xi32, #tpu.memory_space<vmem>>
    %dma_start3A_9 = arith.constant 0 : i32
    %dma_start3A_10 = arith.constant 0 : i32
    %dma_start3A_11 = tpu.memref_slice %arg3[%dma_start3A_9, %dma_start3A_10] : memref<10000x256xi32, #tpu.memory_space<hbm>> -> memref<10000x256xi32, #tpu.memory_space<hbm>>
    tpu.enqueue_indirect_dma source(%dma_start3A_11 : memref<10000x256xi32, #tpu.memory_space<hbm>>) target(%arg11 : memref<80x256xi32, #tpu.memory_space<vmem>>) offsets(%dma_start3A_8 : memref<80xi32, #tpu.memory_space<vmem>>) semaphore(%arg14 : memref<!tpu.dma_semaphore, #tpu.memory_space<semaphore_mem>>)
    %scan3A = arith.constant 0 : i32
    %scan3A_12 = arith.constant 0 : i32
    %scan3A_13 = arith.constant 62 : i32
    %scan3A_14 = arith.addi %scan3A_12, %scan3A_13 : i32
    %scan3A_15 = arith.constant 1 : i32
    scf.for %scan3A_28 = %scan3A_12 to %scan3A_14 step %scan3A_15  : i32 {
      %mul3A_29 = arith.constant 2 : i32
      %mul3A_30 = arith.muli %mul3A_29, %scan3A_28 : i32
      %mul3A_31 = arith.constant 80 : i32
      %mul3A_32 = arith.muli %mul3A_30, %mul3A_31 : i32
      %add3A_33 = arith.constant 80 : i32
      %add3A_34 = arith.addi %mul3A_32, %add3A_33 : i32
      %dma_start3A_35 = tpu.memref_slice %arg8[%add3A_34] : memref<10000xi32, #tpu.memory_space<vmem>> -> memref<80xi32, #tpu.memory_space<vmem>>
      %dma_start3A_36 = arith.constant 0 : i32
      %dma_start3A_37 = arith.constant 0 : i32
      %dma_start3A_38 = tpu.memref_slice %arg2[%dma_start3A_36, %dma_start3A_37] : memref<10000x256xi32, #tpu.memory_space<hbm>> -> memref<10000x256xi32, #tpu.memory_space<hbm>>
      tpu.enqueue_indirect_dma source(%dma_start3A_38 : memref<10000x256xi32, #tpu.memory_space<hbm>>) target(%arg12 : memref<80x256xi32, #tpu.memory_space<vmem>>) offsets(%dma_start3A_35 : memref<80xi32, #tpu.memory_space<vmem>>) semaphore(%arg15 : memref<!tpu.dma_semaphore, #tpu.memory_space<semaphore_mem>>)
      %dma_start3A_39 = tpu.memref_slice %arg9[%add3A_34] : memref<10000xi32, #tpu.memory_space<vmem>> -> memref<80xi32, #tpu.memory_space<vmem>>
      %dma_start3A_40 = arith.constant 0 : i32
      %dma_start3A_41 = arith.constant 0 : i32
      %dma_start3A_42 = tpu.memref_slice %arg3[%dma_start3A_40, %dma_start3A_41] : memref<10000x256xi32, #tpu.memory_space<hbm>> -> memref<10000x256xi32, #tpu.memory_space<hbm>>
      tpu.enqueue_indirect_dma source(%dma_start3A_42 : memref<10000x256xi32, #tpu.memory_space<hbm>>) target(%arg13 : memref<80x256xi32, #tpu.memory_space<vmem>>) offsets(%dma_start3A_39 : memref<80xi32, #tpu.memory_space<vmem>>) semaphore(%arg15 : memref<!tpu.dma_semaphore, #tpu.memory_space<semaphore_mem>>)
      %dma_wait3A_43 = arith.constant 0 : i32
      %dma_wait3A_44 = tpu.memref_slice %arg8[%dma_wait3A_43] : memref<10000xi32, #tpu.memory_space<vmem>> -> memref<80xi32, #tpu.memory_space<vmem>>
      %dma_wait3A_45 = arith.constant 0 : i32
      %dma_wait3A_46 = arith.constant 0 : i32
      %dma_wait3A_47 = tpu.memref_slice %arg2[%dma_wait3A_45, %dma_wait3A_46] : memref<10000x256xi32, #tpu.memory_space<hbm>> -> memref<10000x256xi32, #tpu.memory_space<hbm>>
      tpu.wait_indirect_dma semaphore(%arg14 : memref<!tpu.dma_semaphore, #tpu.memory_space<semaphore_mem>>) src(%dma_wait3A_47 : memref<10000x256xi32, #tpu.memory_space<hbm>>) dst(%arg10 : memref<80x256xi32, #tpu.memory_space<vmem>>)
      %dma_wait3A_48 = arith.constant 0 : i32
      %dma_wait3A_49 = tpu.memref_slice %arg9[%dma_wait3A_48] : memref<10000xi32, #tpu.memory_space<vmem>> -> memref<80xi32, #tpu.memory_space<vmem>>
      %dma_wait3A_50 = arith.constant 0 : i32
      %dma_wait3A_51 = arith.constant 0 : i32
      %dma_wait3A_52 = tpu.memref_slice %arg3[%dma_wait3A_50, %dma_wait3A_51] : memref<10000x256xi32, #tpu.memory_space<hbm>> -> memref<10000x256xi32, #tpu.memory_space<hbm>>
      tpu.wait_indirect_dma semaphore(%arg14 : memref<!tpu.dma_semaphore, #tpu.memory_space<semaphore_mem>>) src(%dma_wait3A_52 : memref<10000x256xi32, #tpu.memory_space<hbm>>) dst(%arg11 : memref<80x256xi32, #tpu.memory_space<vmem>>)
      %add3A_53 = arith.addi %mul3A_2, %mul3A_32 : i32
      "tpu.region"() ({
        %run_scoped3A = tpu.sem_alloc : memref<!tpu.dma_semaphore, #tpu.memory_space<semaphore_mem>>
        %dma_start3A_77 = arith.constant 0 : i32
        %dma_start3A_78 = tpu.memref_slice %arg6[%add3A_53, %dma_start3A_77] : memref<320000x256xi32, #tpu.memory_space<hbm>> -> memref<80x256xi32, #tpu.memory_space<hbm>>
        %dma_start3A_79 = arith.constant 0 : i32
        %dma_start3A_80 = tpu.memref_slice %arg6[%add3A_53, %dma_start3A_79] : memref<320000x256xi32, #tpu.memory_space<hbm>> -> memref<80x256xi32, #tpu.memory_space<hbm>>
        tpu.enqueue_dma source(%arg10 : memref<80x256xi32, #tpu.memory_space<vmem>>) target(%dma_start3A_80 : memref<80x256xi32, #tpu.memory_space<hbm>>) target_semaphore(%run_scoped3A : memref<!tpu.dma_semaphore, #tpu.memory_space<semaphore_mem>>)
        %dma_wait3A_81 = arith.constant 0 : i32
        %dma_wait3A_82 = tpu.memref_slice %arg6[%add3A_53, %dma_wait3A_81] : memref<320000x256xi32, #tpu.memory_space<hbm>> -> memref<80x256xi32, #tpu.memory_space<hbm>>
        %dma_wait3A_83 = arith.constant 0 : i32
        %dma_wait3A_84 = tpu.memref_slice %arg6[%add3A_53, %dma_wait3A_83] : memref<320000x256xi32, #tpu.memory_space<hbm>> -> memref<80x256xi32, #tpu.memory_space<hbm>>
        tpu.wait_dma2 semaphore(%run_scoped3A : memref<!tpu.dma_semaphore, #tpu.memory_space<semaphore_mem>>) src(%arg10 : memref<80x256xi32, #tpu.memory_space<vmem>>) dst(%dma_wait3A_84 : memref<80x256xi32, #tpu.memory_space<hbm>>)
        tpu.yield
      }) : () -> ()
      "tpu.region"() ({
        %run_scoped3A = tpu.sem_alloc : memref<!tpu.dma_semaphore, #tpu.memory_space<semaphore_mem>>
        %dma_start3A_77 = arith.constant 0 : i32
        %dma_start3A_78 = tpu.memref_slice %arg7[%add3A_53, %dma_start3A_77] : memref<320000x256xi32, #tpu.memory_space<hbm>> -> memref<80x256xi32, #tpu.memory_space<hbm>>
        %dma_start3A_79 = arith.constant 0 : i32
        %dma_start3A_80 = tpu.memref_slice %arg7[%add3A_53, %dma_start3A_79] : memref<320000x256xi32, #tpu.memory_space<hbm>> -> memref<80x256xi32, #tpu.memory_space<hbm>>
        tpu.enqueue_dma source(%arg11 : memref<80x256xi32, #tpu.memory_space<vmem>>) target(%dma_start3A_80 : memref<80x256xi32, #tpu.memory_space<hbm>>) target_semaphore(%run_scoped3A : memref<!tpu.dma_semaphore, #tpu.memory_space<semaphore_mem>>)
        %dma_wait3A_81 = arith.constant 0 : i32
        %dma_wait3A_82 = tpu.memref_slice %arg7[%add3A_53, %dma_wait3A_81] : memref<320000x256xi32, #tpu.memory_space<hbm>> -> memref<80x256xi32, #tpu.memory_space<hbm>>
        %dma_wait3A_83 = arith.constant 0 : i32
        %dma_wait3A_84 = tpu.memref_slice %arg7[%add3A_53, %dma_wait3A_83] : memref<320000x256xi32, #tpu.memory_space<hbm>> -> memref<80x256xi32, #tpu.memory_space<hbm>>
        tpu.wait_dma2 semaphore(%run_scoped3A : memref<!tpu.dma_semaphore, #tpu.memory_space<semaphore_mem>>) src(%arg11 : memref<80x256xi32, #tpu.memory_space<vmem>>) dst(%dma_wait3A_84 : memref<80x256xi32, #tpu.memory_space<hbm>>)
        tpu.yield
      }) : () -> ()
      %add3A_54 = arith.constant 160 : i32
      %add3A_55 = arith.addi %mul3A_32, %add3A_54 : i32
      %dma_start3A_56 = tpu.memref_slice %arg8[%add3A_55] : memref<10000xi32, #tpu.memory_space<vmem>> -> memref<80xi32, #tpu.memory_space<vmem>>
      %dma_start3A_57 = arith.constant 0 : i32
      %dma_start3A_58 = arith.constant 0 : i32
      %dma_start3A_59 = tpu.memref_slice %arg2[%dma_start3A_57, %dma_start3A_58] : memref<10000x256xi32, #tpu.memory_space<hbm>> -> memref<10000x256xi32, #tpu.memory_space<hbm>>
      tpu.enqueue_indirect_dma source(%dma_start3A_59 : memref<10000x256xi32, #tpu.memory_space<hbm>>) target(%arg10 : memref<80x256xi32, #tpu.memory_space<vmem>>) offsets(%dma_start3A_56 : memref<80xi32, #tpu.memory_space<vmem>>) semaphore(%arg14 : memref<!tpu.dma_semaphore, #tpu.memory_space<semaphore_mem>>)
      %dma_start3A_60 = tpu.memref_slice %arg9[%add3A_55] : memref<10000xi32, #tpu.memory_space<vmem>> -> memref<80xi32, #tpu.memory_space<vmem>>
      %dma_start3A_61 = arith.constant 0 : i32
      %dma_start3A_62 = arith.constant 0 : i32
      %dma_start3A_63 = tpu.memref_slice %arg3[%dma_start3A_61, %dma_start3A_62] : memref<10000x256xi32, #tpu.memory_space<hbm>> -> memref<10000x256xi32, #tpu.memory_space<hbm>>
      tpu.enqueue_indirect_dma source(%dma_start3A_63 : memref<10000x256xi32, #tpu.memory_space<hbm>>) target(%arg11 : memref<80x256xi32, #tpu.memory_space<vmem>>) offsets(%dma_start3A_60 : memref<80xi32, #tpu.memory_space<vmem>>) semaphore(%arg14 : memref<!tpu.dma_semaphore, #tpu.memory_space<semaphore_mem>>)
      %dma_wait3A_64 = arith.constant 0 : i32
      %dma_wait3A_65 = tpu.memref_slice %arg8[%dma_wait3A_64] : memref<10000xi32, #tpu.memory_space<vmem>> -> memref<80xi32, #tpu.memory_space<vmem>>
      %dma_wait3A_66 = arith.constant 0 : i32
      %dma_wait3A_67 = arith.constant 0 : i32
      %dma_wait3A_68 = tpu.memref_slice %arg2[%dma_wait3A_66, %dma_wait3A_67] : memref<10000x256xi32, #tpu.memory_space<hbm>> -> memref<10000x256xi32, #tpu.memory_space<hbm>>
      tpu.wait_indirect_dma semaphore(%arg15 : memref<!tpu.dma_semaphore, #tpu.memory_space<semaphore_mem>>) src(%dma_wait3A_68 : memref<10000x256xi32, #tpu.memory_space<hbm>>) dst(%arg12 : memref<80x256xi32, #tpu.memory_space<vmem>>)
      %dma_wait3A_69 = arith.constant 0 : i32
      %dma_wait3A_70 = tpu.memref_slice %arg9[%dma_wait3A_69] : memref<10000xi32, #tpu.memory_space<vmem>> -> memref<80xi32, #tpu.memory_space<vmem>>
      %dma_wait3A_71 = arith.constant 0 : i32
      %dma_wait3A_72 = arith.constant 0 : i32
      %dma_wait3A_73 = tpu.memref_slice %arg3[%dma_wait3A_71, %dma_wait3A_72] : memref<10000x256xi32, #tpu.memory_space<hbm>> -> memref<10000x256xi32, #tpu.memory_space<hbm>>
      tpu.wait_indirect_dma semaphore(%arg15 : memref<!tpu.dma_semaphore, #tpu.memory_space<semaphore_mem>>) src(%dma_wait3A_73 : memref<10000x256xi32, #tpu.memory_space<hbm>>) dst(%arg13 : memref<80x256xi32, #tpu.memory_space<vmem>>)
      %add3A_74 = arith.addi %mul3A_2, %mul3A_32 : i32
      %add3A_75 = arith.constant 80 : i32
      %add3A_76 = arith.addi %add3A_74, %add3A_75 : i32
      "tpu.region"() ({
        %run_scoped3A = tpu.sem_alloc : memref<!tpu.dma_semaphore, #tpu.memory_space<semaphore_mem>>
        %dma_start3A_77 = arith.constant 0 : i32
        %dma_start3A_78 = tpu.memref_slice %arg6[%add3A_76, %dma_start3A_77] : memref<320000x256xi32, #tpu.memory_space<hbm>> -> memref<80x256xi32, #tpu.memory_space<hbm>>
        %dma_start3A_79 = arith.constant 0 : i32
        %dma_start3A_80 = tpu.memref_slice %arg6[%add3A_76, %dma_start3A_79] : memref<320000x256xi32, #tpu.memory_space<hbm>> -> memref<80x256xi32, #tpu.memory_space<hbm>>
        tpu.enqueue_dma source(%arg12 : memref<80x256xi32, #tpu.memory_space<vmem>>) target(%dma_start3A_80 : memref<80x256xi32, #tpu.memory_space<hbm>>) target_semaphore(%run_scoped3A : memref<!tpu.dma_semaphore, #tpu.memory_space<semaphore_mem>>)
        %dma_wait3A_81 = arith.constant 0 : i32
        %dma_wait3A_82 = tpu.memref_slice %arg6[%add3A_76, %dma_wait3A_81] : memref<320000x256xi32, #tpu.memory_space<hbm>> -> memref<80x256xi32, #tpu.memory_space<hbm>>
        %dma_wait3A_83 = arith.constant 0 : i32
        %dma_wait3A_84 = tpu.memref_slice %arg6[%add3A_76, %dma_wait3A_83] : memref<320000x256xi32, #tpu.memory_space<hbm>> -> memref<80x256xi32, #tpu.memory_space<hbm>>
        tpu.wait_dma2 semaphore(%run_scoped3A : memref<!tpu.dma_semaphore, #tpu.memory_space<semaphore_mem>>) src(%arg12 : memref<80x256xi32, #tpu.memory_space<vmem>>) dst(%dma_wait3A_84 : memref<80x256xi32, #tpu.memory_space<hbm>>)
        tpu.yield
      }) : () -> ()
      "tpu.region"() ({
        %run_scoped3A = tpu.sem_alloc : memref<!tpu.dma_semaphore, #tpu.memory_space<semaphore_mem>>
        %dma_start3A_77 = arith.constant 0 : i32
        %dma_start3A_78 = tpu.memref_slice %arg7[%add3A_76, %dma_start3A_77] : memref<320000x256xi32, #tpu.memory_space<hbm>> -> memref<80x256xi32, #tpu.memory_space<hbm>>
        %dma_start3A_79 = arith.constant 0 : i32
        %dma_start3A_80 = tpu.memref_slice %arg7[%add3A_76, %dma_start3A_79] : memref<320000x256xi32, #tpu.memory_space<hbm>> -> memref<80x256xi32, #tpu.memory_space<hbm>>
        tpu.enqueue_dma source(%arg13 : memref<80x256xi32, #tpu.memory_space<vmem>>) target(%dma_start3A_80 : memref<80x256xi32, #tpu.memory_space<hbm>>) target_semaphore(%run_scoped3A : memref<!tpu.dma_semaphore, #tpu.memory_space<semaphore_mem>>)
        %dma_wait3A_81 = arith.constant 0 : i32
        %dma_wait3A_82 = tpu.memref_slice %arg7[%add3A_76, %dma_wait3A_81] : memref<320000x256xi32, #tpu.memory_space<hbm>> -> memref<80x256xi32, #tpu.memory_space<hbm>>
        %dma_wait3A_83 = arith.constant 0 : i32
        %dma_wait3A_84 = tpu.memref_slice %arg7[%add3A_76, %dma_wait3A_83] : memref<320000x256xi32, #tpu.memory_space<hbm>> -> memref<80x256xi32, #tpu.memory_space<hbm>>
        tpu.wait_dma2 semaphore(%run_scoped3A : memref<!tpu.dma_semaphore, #tpu.memory_space<semaphore_mem>>) src(%arg13 : memref<80x256xi32, #tpu.memory_space<vmem>>) dst(%dma_wait3A_84 : memref<80x256xi32, #tpu.memory_space<hbm>>)
        tpu.yield
      }) : () -> ()
    }
    %scan3A_16 = arith.constant 62 : i32
    %dma_wait3A = arith.constant 0 : i32
    %dma_wait3A_17 = tpu.memref_slice %arg8[%dma_wait3A] : memref<10000xi32, #tpu.memory_space<vmem>> -> memref<80xi32, #tpu.memory_space<vmem>>
    %dma_wait3A_18 = arith.constant 0 : i32
    %dma_wait3A_19 = arith.constant 0 : i32
    %dma_wait3A_20 = tpu.memref_slice %arg2[%dma_wait3A_18, %dma_wait3A_19] : memref<10000x256xi32, #tpu.memory_space<hbm>> -> memref<10000x256xi32, #tpu.memory_space<hbm>>
    tpu.wait_indirect_dma semaphore(%arg14 : memref<!tpu.dma_semaphore, #tpu.memory_space<semaphore_mem>>) src(%dma_wait3A_20 : memref<10000x256xi32, #tpu.memory_space<hbm>>) dst(%arg10 : memref<80x256xi32, #tpu.memory_space<vmem>>)
    %dma_wait3A_21 = arith.constant 0 : i32
    %dma_wait3A_22 = tpu.memref_slice %arg9[%dma_wait3A_21] : memref<10000xi32, #tpu.memory_space<vmem>> -> memref<80xi32, #tpu.memory_space<vmem>>
    %dma_wait3A_23 = arith.constant 0 : i32
    %dma_wait3A_24 = arith.constant 0 : i32
    %dma_wait3A_25 = tpu.memref_slice %arg3[%dma_wait3A_23, %dma_wait3A_24] : memref<10000x256xi32, #tpu.memory_space<hbm>> -> memref<10000x256xi32, #tpu.memory_space<hbm>>
    tpu.wait_indirect_dma semaphore(%arg14 : memref<!tpu.dma_semaphore, #tpu.memory_space<semaphore_mem>>) src(%dma_wait3A_25 : memref<10000x256xi32, #tpu.memory_space<hbm>>) dst(%arg11 : memref<80x256xi32, #tpu.memory_space<vmem>>)
    %add3A_26 = arith.constant 9920 : i32
    %add3A_27 = arith.addi %mul3A_2, %add3A_26 : i32
    "tpu.region"() ({
      %run_scoped3A = tpu.sem_alloc : memref<!tpu.dma_semaphore, #tpu.memory_space<semaphore_mem>>
      %dma_start3A_28 = arith.constant 0 : i32
      %dma_start3A_29 = tpu.memref_slice %arg6[%add3A_27, %dma_start3A_28] : memref<320000x256xi32, #tpu.memory_space<hbm>> -> memref<80x256xi32, #tpu.memory_space<hbm>>
      %dma_start3A_30 = arith.constant 0 : i32
      %dma_start3A_31 = tpu.memref_slice %arg6[%add3A_27, %dma_start3A_30] : memref<320000x256xi32, #tpu.memory_space<hbm>> -> memref<80x256xi32, #tpu.memory_space<hbm>>
      tpu.enqueue_dma source(%arg10 : memref<80x256xi32, #tpu.memory_space<vmem>>) target(%dma_start3A_31 : memref<80x256xi32, #tpu.memory_space<hbm>>) target_semaphore(%run_scoped3A : memref<!tpu.dma_semaphore, #tpu.memory_space<semaphore_mem>>)
      %dma_wait3A_32 = arith.constant 0 : i32
      %dma_wait3A_33 = tpu.memref_slice %arg6[%add3A_27, %dma_wait3A_32] : memref<320000x256xi32, #tpu.memory_space<hbm>> -> memref<80x256xi32, #tpu.memory_space<hbm>>
      %dma_wait3A_34 = arith.constant 0 : i32
      %dma_wait3A_35 = tpu.memref_slice %arg6[%add3A_27, %dma_wait3A_34] : memref<320000x256xi32, #tpu.memory_space<hbm>> -> memref<80x256xi32, #tpu.memory_space<hbm>>
      tpu.wait_dma2 semaphore(%run_scoped3A : memref<!tpu.dma_semaphore, #tpu.memory_space<semaphore_mem>>) src(%arg10 : memref<80x256xi32, #tpu.memory_space<vmem>>) dst(%dma_wait3A_35 : memref<80x256xi32, #tpu.memory_space<hbm>>)
      tpu.yield
    }) : () -> ()
    "tpu.region"() ({
      %run_scoped3A = tpu.sem_alloc : memref<!tpu.dma_semaphore, #tpu.memory_space<semaphore_mem>>
      %dma_start3A_28 = arith.constant 0 : i32
      %dma_start3A_29 = tpu.memref_slice %arg7[%add3A_27, %dma_start3A_28] : memref<320000x256xi32, #tpu.memory_space<hbm>> -> memref<80x256xi32, #tpu.memory_space<hbm>>
      %dma_start3A_30 = arith.constant 0 : i32
      %dma_start3A_31 = tpu.memref_slice %arg7[%add3A_27, %dma_start3A_30] : memref<320000x256xi32, #tpu.memory_space<hbm>> -> memref<80x256xi32, #tpu.memory_space<hbm>>
      tpu.enqueue_dma source(%arg11 : memref<80x256xi32, #tpu.memory_space<vmem>>) target(%dma_start3A_31 : memref<80x256xi32, #tpu.memory_space<hbm>>) target_semaphore(%run_scoped3A : memref<!tpu.dma_semaphore, #tpu.memory_space<semaphore_mem>>)
      %dma_wait3A_32 = arith.constant 0 : i32
      %dma_wait3A_33 = tpu.memref_slice %arg7[%add3A_27, %dma_wait3A_32] : memref<320000x256xi32, #tpu.memory_space<hbm>> -> memref<80x256xi32, #tpu.memory_space<hbm>>
      %dma_wait3A_34 = arith.constant 0 : i32
      %dma_wait3A_35 = tpu.memref_slice %arg7[%add3A_27, %dma_wait3A_34] : memref<320000x256xi32, #tpu.memory_space<hbm>> -> memref<80x256xi32, #tpu.memory_space<hbm>>
      tpu.wait_dma2 semaphore(%run_scoped3A : memref<!tpu.dma_semaphore, #tpu.memory_space<semaphore_mem>>) src(%arg11 : memref<80x256xi32, #tpu.memory_space<vmem>>) dst(%dma_wait3A_35 : memref<80x256xi32, #tpu.memory_space<hbm>>)
      tpu.yield
    }) : () -> ()
    return
  }
}

#map = affine_map<(d0, d1) -> (0, 0, 0)>
#map1 = affine_map<(d0, d1) -> (0, 0, 0, 0)>
module attributes {stable_mosaic.version = 14 : i64} {
  func.func @body(%arg0: i32, %arg1: i32, %arg2: memref<4x320000x128xf32, #tpu.memory_space<hbm>>, %arg3: memref<32x125x80xi32, #tpu.memory_space<hbm>>, %arg4: memref<4x2x10000x128xf32, #tpu.memory_space<hbm>>, %arg5: memref<125x80xi32, #tpu.memory_space<vmem>>, %arg6: memref<80x128xf32, #tpu.memory_space<vmem>>, %arg7: memref<80x128xf32, #tpu.memory_space<vmem>>, %arg8: memref<40x128xf32, #tpu.memory_space<vmem>>, %arg9: memref<10000x128xf32, #tpu.memory_space<vmem_shared>>, %arg10: memref<!tpu.dma_semaphore, #tpu.memory_space<semaphore_mem>>, %arg11: memref<!tpu.dma_semaphore, #tpu.memory_space<semaphore_mem>>) attributes {dimension_semantics = [#tpu.dimension_semantics<core_parallel>, #tpu.dimension_semantics<subcore_parallel>], iteration_bounds = array<i64: 2, 16>, scalar_prefetch = 0 : i64, scratch_operands = 7 : i64, tpu.core_type = #tpu.core_type<sc_vector_subcore>, window_params = [{transform_indices = #map}, {transform_indices = #map}, {transform_indices = #map1}]} {
    %mul3A = arith.constant 16 : i32
    %mul3A_0 = arith.muli %arg0, %mul3A : i32
    %add3A = arith.addi %mul3A_0, %arg1 : i32
    "tpu.region"() ({
      %run_scoped3A_148 = tpu.sem_alloc : memref<!tpu.dma_semaphore, #tpu.memory_space<semaphore_mem>>
      %dma_start3A_149 = arith.constant 0 : i32
      %dma_start3A_150 = arith.constant 0 : i32
      %dma_start3A_151 = tpu.memref_slice %arg3[%add3A, %dma_start3A_149, %dma_start3A_150] : memref<32x125x80xi32, #tpu.memory_space<hbm>> -> memref<1x125x80xi32, #tpu.memory_space<hbm>>
      %dma_start3A_152 = tpu.memref_squeeze %dma_start3A_151 : memref<1x125x80xi32, #tpu.memory_space<hbm>> -> memref<125x80xi32, #tpu.memory_space<hbm>>
      %dma_start3A_153 = arith.constant 0 : i32
      %dma_start3A_154 = arith.constant 0 : i32
      %dma_start3A_155 = tpu.memref_slice %arg3[%add3A, %dma_start3A_153, %dma_start3A_154] : memref<32x125x80xi32, #tpu.memory_space<hbm>> -> memref<1x125x80xi32, #tpu.memory_space<hbm>>
      %dma_start3A_156 = tpu.memref_squeeze %dma_start3A_155 : memref<1x125x80xi32, #tpu.memory_space<hbm>> -> memref<125x80xi32, #tpu.memory_space<hbm>>
      tpu.enqueue_dma source(%dma_start3A_156 : memref<125x80xi32, #tpu.memory_space<hbm>>) target(%arg5 : memref<125x80xi32, #tpu.memory_space<vmem>>) target_semaphore(%run_scoped3A_148 : memref<!tpu.dma_semaphore, #tpu.memory_space<semaphore_mem>>)
      %dma_wait3A_157 = arith.constant 0 : i32
      %dma_wait3A_158 = arith.constant 0 : i32
      %dma_wait3A_159 = tpu.memref_slice %arg3[%add3A, %dma_wait3A_157, %dma_wait3A_158] : memref<32x125x80xi32, #tpu.memory_space<hbm>> -> memref<1x125x80xi32, #tpu.memory_space<hbm>>
      %dma_wait3A_160 = tpu.memref_squeeze %dma_wait3A_159 : memref<1x125x80xi32, #tpu.memory_space<hbm>> -> memref<125x80xi32, #tpu.memory_space<hbm>>
      %dma_wait3A_161 = arith.constant 0 : i32
      %dma_wait3A_162 = arith.constant 0 : i32
      %dma_wait3A_163 = tpu.memref_slice %arg3[%add3A, %dma_wait3A_161, %dma_wait3A_162] : memref<32x125x80xi32, #tpu.memory_space<hbm>> -> memref<1x125x80xi32, #tpu.memory_space<hbm>>
      %dma_wait3A_164 = tpu.memref_squeeze %dma_wait3A_163 : memref<1x125x80xi32, #tpu.memory_space<hbm>> -> memref<125x80xi32, #tpu.memory_space<hbm>>
      tpu.wait_dma2 semaphore(%run_scoped3A_148 : memref<!tpu.dma_semaphore, #tpu.memory_space<semaphore_mem>>) src(%dma_wait3A_164 : memref<125x80xi32, #tpu.memory_space<hbm>>) dst(%arg5 : memref<125x80xi32, #tpu.memory_space<vmem>>)
      tpu.yield
    }) : () -> ()
    %scan3A = arith.constant 0 : i32
    %scan3A_1 = arith.constant 0 : i32
    %scan3A_2 = arith.constant 40 : i32
    %scan3A_3 = arith.addi %scan3A_1, %scan3A_2 : i32
    %scan3A_4 = arith.constant 1 : i32
    scf.for %scan3A_148 = %scan3A_1 to %scan3A_3 step %scan3A_4  : i32 {
      %broadcast_in_dim3A = arith.constant 0.000000e+00 : f32
      %broadcast_in_dim3A_149 = vector.broadcast %broadcast_in_dim3A : f32 to vector<16xf32>
      %swap3A = arith.index_cast %scan3A_148 : i32 to index
      %swap3A_150 = arith.constant 0 : index
      %swap3A_151 = tpu.vector_load %arg8[%swap3A, %swap3A_150] {strides = array<i32>} : memref<40x128xf32, #tpu.memory_space<vmem>>, vector<1x16xf32>,
      %swap3A_152 = vector.shape_cast %swap3A_151 : vector<1x16xf32> to vector<16xf32>
      %swap3A_153 = vector.shape_cast %broadcast_in_dim3A_149 : vector<16xf32> to vector<1x16xf32>
      tpu.vector_store %arg8[%swap3A, %swap3A_150], %swap3A_153 {strides = array<i32>} : memref<40x128xf32, #tpu.memory_space<vmem>>, vector<1x16xf32>,
      %broadcast_in_dim3A_154 = arith.constant 0.000000e+00 : f32
      %broadcast_in_dim3A_155 = vector.broadcast %broadcast_in_dim3A_154 : f32 to vector<16xf32>
      %swap3A_156 = arith.index_cast %scan3A_148 : i32 to index
      %swap3A_157 = arith.constant 16 : index
      %swap3A_158 = tpu.vector_load %arg8[%swap3A_156, %swap3A_157] {strides = array<i32>} : memref<40x128xf32, #tpu.memory_space<vmem>>, vector<1x16xf32>,
      %swap3A_159 = vector.shape_cast %swap3A_158 : vector<1x16xf32> to vector<16xf32>
      %swap3A_160 = vector.shape_cast %broadcast_in_dim3A_155 : vector<16xf32> to vector<1x16xf32>
      tpu.vector_store %arg8[%swap3A_156, %swap3A_157], %swap3A_160 {strides = array<i32>} : memref<40x128xf32, #tpu.memory_space<vmem>>, vector<1x16xf32>,
      %broadcast_in_dim3A_161 = arith.constant 0.000000e+00 : f32
      %broadcast_in_dim3A_162 = vector.broadcast %broadcast_in_dim3A_161 : f32 to vector<16xf32>
      %swap3A_163 = arith.index_cast %scan3A_148 : i32 to index
      %swap3A_164 = arith.constant 32 : index
      %swap3A_165 = tpu.vector_load %arg8[%swap3A_163, %swap3A_164] {strides = array<i32>} : memref<40x128xf32, #tpu.memory_space<vmem>>, vector<1x16xf32>,
      %swap3A_166 = vector.shape_cast %swap3A_165 : vector<1x16xf32> to vector<16xf32>
      %swap3A_167 = vector.shape_cast %broadcast_in_dim3A_162 : vector<16xf32> to vector<1x16xf32>
      tpu.vector_store %arg8[%swap3A_163, %swap3A_164], %swap3A_167 {strides = array<i32>} : memref<40x128xf32, #tpu.memory_space<vmem>>, vector<1x16xf32>,
      %broadcast_in_dim3A_168 = arith.constant 0.000000e+00 : f32
      %broadcast_in_dim3A_169 = vector.broadcast %broadcast_in_dim3A_168 : f32 to vector<16xf32>
      %swap3A_170 = arith.index_cast %scan3A_148 : i32 to index
      %swap3A_171 = arith.constant 48 : index
      %swap3A_172 = tpu.vector_load %arg8[%swap3A_170, %swap3A_171] {strides = array<i32>} : memref<40x128xf32, #tpu.memory_space<vmem>>, vector<1x16xf32>,
      %swap3A_173 = vector.shape_cast %swap3A_172 : vector<1x16xf32> to vector<16xf32>
      %swap3A_174 = vector.shape_cast %broadcast_in_dim3A_169 : vector<16xf32> to vector<1x16xf32>
      tpu.vector_store %arg8[%swap3A_170, %swap3A_171], %swap3A_174 {strides = array<i32>} : memref<40x128xf32, #tpu.memory_space<vmem>>, vector<1x16xf32>,
      %broadcast_in_dim3A_175 = arith.constant 0.000000e+00 : f32
      %broadcast_in_dim3A_176 = vector.broadcast %broadcast_in_dim3A_175 : f32 to vector<16xf32>
      %swap3A_177 = arith.index_cast %scan3A_148 : i32 to index
      %swap3A_178 = arith.constant 64 : index
      %swap3A_179 = tpu.vector_load %arg8[%swap3A_177, %swap3A_178] {strides = array<i32>} : memref<40x128xf32, #tpu.memory_space<vmem>>, vector<1x16xf32>,
      %swap3A_180 = vector.shape_cast %swap3A_179 : vector<1x16xf32> to vector<16xf32>
      %swap3A_181 = vector.shape_cast %broadcast_in_dim3A_176 : vector<16xf32> to vector<1x16xf32>
      tpu.vector_store %arg8[%swap3A_177, %swap3A_178], %swap3A_181 {strides = array<i32>} : memref<40x128xf32, #tpu.memory_space<vmem>>, vector<1x16xf32>,
      %broadcast_in_dim3A_182 = arith.constant 0.000000e+00 : f32
      %broadcast_in_dim3A_183 = vector.broadcast %broadcast_in_dim3A_182 : f32 to vector<16xf32>
      %swap3A_184 = arith.index_cast %scan3A_148 : i32 to index
      %swap3A_185 = arith.constant 80 : index
      %swap3A_186 = tpu.vector_load %arg8[%swap3A_184, %swap3A_185] {strides = array<i32>} : memref<40x128xf32, #tpu.memory_space<vmem>>, vector<1x16xf32>,
      %swap3A_187 = vector.shape_cast %swap3A_186 : vector<1x16xf32> to vector<16xf32>
      %swap3A_188 = vector.shape_cast %broadcast_in_dim3A_183 : vector<16xf32> to vector<1x16xf32>
      tpu.vector_store %arg8[%swap3A_184, %swap3A_185], %swap3A_188 {strides = array<i32>} : memref<40x128xf32, #tpu.memory_space<vmem>>, vector<1x16xf32>,
      %broadcast_in_dim3A_189 = arith.constant 0.000000e+00 : f32
      %broadcast_in_dim3A_190 = vector.broadcast %broadcast_in_dim3A_189 : f32 to vector<16xf32>
      %swap3A_191 = arith.index_cast %scan3A_148 : i32 to index
      %swap3A_192 = arith.constant 96 : index
      %swap3A_193 = tpu.vector_load %arg8[%swap3A_191, %swap3A_192] {strides = array<i32>} : memref<40x128xf32, #tpu.memory_space<vmem>>, vector<1x16xf32>,
      %swap3A_194 = vector.shape_cast %swap3A_193 : vector<1x16xf32> to vector<16xf32>
      %swap3A_195 = vector.shape_cast %broadcast_in_dim3A_190 : vector<16xf32> to vector<1x16xf32>
      tpu.vector_store %arg8[%swap3A_191, %swap3A_192], %swap3A_195 {strides = array<i32>} : memref<40x128xf32, #tpu.memory_space<vmem>>, vector<1x16xf32>,
      %broadcast_in_dim3A_196 = arith.constant 0.000000e+00 : f32
      %broadcast_in_dim3A_197 = vector.broadcast %broadcast_in_dim3A_196 : f32 to vector<16xf32>
      %swap3A_198 = arith.index_cast %scan3A_148 : i32 to index
      %swap3A_199 = arith.constant 112 : index
      %swap3A_200 = tpu.vector_load %arg8[%swap3A_198, %swap3A_199] {strides = array<i32>} : memref<40x128xf32, #tpu.memory_space<vmem>>, vector<1x16xf32>,
      %swap3A_201 = vector.shape_cast %swap3A_200 : vector<1x16xf32> to vector<16xf32>
      %swap3A_202 = vector.shape_cast %broadcast_in_dim3A_197 : vector<16xf32> to vector<1x16xf32>
      tpu.vector_store %arg8[%swap3A_198, %swap3A_199], %swap3A_202 {strides = array<i32>} : memref<40x128xf32, #tpu.memory_space<vmem>>, vector<1x16xf32>,
    }
    %scan3A_5 = arith.constant 40 : i32
    %mul3A_6 = arith.constant 160000 : i32
    %mul3A_7 = arith.muli %arg0, %mul3A_6 : i32
    %mul3A_8 = arith.constant 10000 : i32
    %mul3A_9 = arith.muli %arg1, %mul3A_8 : i32
    %add3A_10 = arith.addi %mul3A_7, %mul3A_9 : i32
    %lt3A = arith.constant 10 : i32
    %lt3A_11 = arith.cmpi slt, %arg1, %lt3A : i32
    %convert_element_type3A = arith.extui %lt3A_11 : i1 to i32
    %cond3A = arith.constant 0 : i32
    %cond3A_12 = arith.cmpi ne, %convert_element_type3A, %cond3A : i32
    scf.if %cond3A_12 {
      %scan3A_148 = arith.constant 0 : i32
      %scan3A_149 = arith.constant 0 : i32
      %scan3A_150 = arith.constant 25 : i32
      %scan3A_151 = arith.addi %scan3A_149, %scan3A_150 : i32
      %scan3A_152 = arith.constant 1 : i32
      scf.for %scan3A_154 = %scan3A_149 to %scan3A_151 step %scan3A_152  : i32 {
        %mul3A_155 = arith.constant 1000 : i32
        %mul3A_156 = arith.muli %arg1, %mul3A_155 : i32
        %mul3A_157 = arith.constant 40 : i32
        %mul3A_158 = arith.muli %scan3A_154, %mul3A_157 : i32
        %add3A_159 = arith.addi %mul3A_156, %mul3A_158 : i32
        "tpu.region"() ({
          %run_scoped3A_160 = tpu.sem_alloc : memref<!tpu.dma_semaphore, #tpu.memory_space<semaphore_mem>>
          %dma_start3A_161 = arith.constant 0 : i32
          %dma_start3A_162 = tpu.memref_slice %arg9[%add3A_159, %dma_start3A_161] : memref<10000x128xf32, #tpu.memory_space<vmem_shared>> -> memref<40x128xf32, #tpu.memory_space<vmem_shared>>
          %dma_start3A_163 = arith.constant 0 : i32
          %dma_start3A_164 = tpu.memref_slice %arg9[%add3A_159, %dma_start3A_163] : memref<10000x128xf32, #tpu.memory_space<vmem_shared>> -> memref<40x128xf32, #tpu.memory_space<vmem_shared>>
          tpu.enqueue_dma source(%arg8 : memref<40x128xf32, #tpu.memory_space<vmem>>) target(%dma_start3A_164 : memref<40x128xf32, #tpu.memory_space<vmem_shared>>) target_semaphore(%run_scoped3A_160 : memref<!tpu.dma_semaphore, #tpu.memory_space<semaphore_mem>>)
          %dma_wait3A_165 = arith.constant 0 : i32
          %dma_wait3A_166 = tpu.memref_slice %arg9[%add3A_159, %dma_wait3A_165] : memref<10000x128xf32, #tpu.memory_space<vmem_shared>> -> memref<40x128xf32, #tpu.memory_space<vmem_shared>>
          %dma_wait3A_167 = arith.constant 0 : i32
          %dma_wait3A_168 = tpu.memref_slice %arg9[%add3A_159, %dma_wait3A_167] : memref<10000x128xf32, #tpu.memory_space<vmem_shared>> -> memref<40x128xf32, #tpu.memory_space<vmem_shared>>
          tpu.wait_dma2 semaphore(%run_scoped3A_160 : memref<!tpu.dma_semaphore, #tpu.memory_space<semaphore_mem>>) src(%arg8 : memref<40x128xf32, #tpu.memory_space<vmem>>) dst(%dma_wait3A_168 : memref<40x128xf32, #tpu.memory_space<vmem_shared>>)
          tpu.yield
        }) : () -> ()
      }
      %scan3A_153 = arith.constant 25 : i32
    } else {
    }
    %barrier3A = arith.constant 0 : index
    tpu.barrier barrier_id(%barrier3A)
    %add3A_13 = arith.constant 0 : i32
    %add3A_14 = arith.addi %add3A_10, %add3A_13 : i32
    %dma_start3A = arith.constant 0 : i32
    %dma_start3A_15 = arith.constant 0 : i32
    %dma_start3A_16 = tpu.memref_slice %arg2[%dma_start3A, %add3A_14, %dma_start3A_15] : memref<4x320000x128xf32, #tpu.memory_space<hbm>> -> memref<1x80x128xf32, #tpu.memory_space<hbm>>
    %dma_start3A_17 = tpu.memref_squeeze %dma_start3A_16 : memref<1x80x128xf32, #tpu.memory_space<hbm>> -> memref<80x128xf32, #tpu.memory_space<hbm>>
    %dma_start3A_18 = arith.constant 0 : i32
    %dma_start3A_19 = tpu.memref_slice %arg2[%dma_start3A, %add3A_14, %dma_start3A_18] : memref<4x320000x128xf32, #tpu.memory_space<hbm>> -> memref<1x80x128xf32, #tpu.memory_space<hbm>>
    %dma_start3A_20 = tpu.memref_squeeze %dma_start3A_19 : memref<1x80x128xf32, #tpu.memory_space<hbm>> -> memref<80x128xf32, #tpu.memory_space<hbm>>
    tpu.enqueue_dma source(%dma_start3A_20 : memref<80x128xf32, #tpu.memory_space<hbm>>) target(%arg6 : memref<80x128xf32, #tpu.memory_space<vmem>>) target_semaphore(%arg10 : memref<!tpu.dma_semaphore, #tpu.memory_space<semaphore_mem>>)
    %scan3A_21 = arith.constant 0 : i32
    %scan3A_22 = arith.constant 0 : i32
    %scan3A_23 = arith.constant 62 : i32
    %scan3A_24 = arith.addi %scan3A_22, %scan3A_23 : i32
    %scan3A_25 = arith.constant 1 : i32
    scf.for %scan3A_148 = %scan3A_22 to %scan3A_24 step %scan3A_25  : i32 {
      %mul3A_149 = arith.constant 2 : i32
      %mul3A_150 = arith.muli %mul3A_149, %scan3A_148 : i32
      %add3A_151 = arith.constant 1 : i32
      %add3A_152 = arith.addi %mul3A_150, %add3A_151 : i32
      %mul3A_153 = arith.constant 80 : i32
      %mul3A_154 = arith.muli %add3A_152, %mul3A_153 : i32
      %add3A_155 = arith.addi %add3A_10, %mul3A_154 : i32
      %dma_start3A_156 = arith.constant 0 : i32
      %dma_start3A_157 = arith.constant 0 : i32
      %dma_start3A_158 = tpu.memref_slice %arg2[%dma_start3A_156, %add3A_155, %dma_start3A_157] : memref<4x320000x128xf32, #tpu.memory_space<hbm>> -> memref<1x80x128xf32, #tpu.memory_space<hbm>>
      %dma_start3A_159 = tpu.memref_squeeze %dma_start3A_158 : memref<1x80x128xf32, #tpu.memory_space<hbm>> -> memref<80x128xf32, #tpu.memory_space<hbm>>
      %dma_start3A_160 = arith.constant 0 : i32
      %dma_start3A_161 = tpu.memref_slice %arg2[%dma_start3A_156, %add3A_155, %dma_start3A_160] : memref<4x320000x128xf32, #tpu.memory_space<hbm>> -> memref<1x80x128xf32, #tpu.memory_space<hbm>>
      %dma_start3A_162 = tpu.memref_squeeze %dma_start3A_161 : memref<1x80x128xf32, #tpu.memory_space<hbm>> -> memref<80x128xf32, #tpu.memory_space<hbm>>
      tpu.enqueue_dma source(%dma_start3A_162 : memref<80x128xf32, #tpu.memory_space<hbm>>) target(%arg7 : memref<80x128xf32, #tpu.memory_space<vmem>>) target_semaphore(%arg11 : memref<!tpu.dma_semaphore, #tpu.memory_space<semaphore_mem>>)
      %dma_wait3A_163 = arith.constant 0 : i32
      %dma_wait3A_164 = arith.constant 0 : i32
      %dma_wait3A_165 = tpu.memref_slice %arg2[%dma_wait3A_163, %add3A_10, %dma_wait3A_164] : memref<4x320000x128xf32, #tpu.memory_space<hbm>> -> memref<1x80x128xf32, #tpu.memory_space<hbm>>
      %dma_wait3A_166 = tpu.memref_squeeze %dma_wait3A_165 : memref<1x80x128xf32, #tpu.memory_space<hbm>> -> memref<80x128xf32, #tpu.memory_space<hbm>>
      %dma_wait3A_167 = arith.constant 0 : i32
      %dma_wait3A_168 = tpu.memref_slice %arg2[%dma_wait3A_163, %add3A_10, %dma_wait3A_167] : memref<4x320000x128xf32, #tpu.memory_space<hbm>> -> memref<1x80x128xf32, #tpu.memory_space<hbm>>
      %dma_wait3A_169 = tpu.memref_squeeze %dma_wait3A_168 : memref<1x80x128xf32, #tpu.memory_space<hbm>> -> memref<80x128xf32, #tpu.memory_space<hbm>>
      tpu.wait_dma2 semaphore(%arg10 : memref<!tpu.dma_semaphore, #tpu.memory_space<semaphore_mem>>) src(%dma_wait3A_169 : memref<80x128xf32, #tpu.memory_space<hbm>>) dst(%arg6 : memref<80x128xf32, #tpu.memory_space<vmem>>)
      "tpu.region"() ({
        %run_scoped3A_191 = tpu.sem_alloc : memref<!tpu.dma_semaphore, #tpu.memory_space<semaphore_mem>>
        %dma_start3A_192 = arith.constant 0 : i32
        %dma_start3A_193 = tpu.memref_slice %arg5[%mul3A_150, %dma_start3A_192] : memref<125x80xi32, #tpu.memory_space<vmem>> -> memref<1x80xi32, #tpu.memory_space<vmem>>
        %dma_start3A_194 = tpu.memref_squeeze %dma_start3A_193 : memref<1x80xi32, #tpu.memory_space<vmem>> -> memref<80xi32, #tpu.memory_space<vmem>>
        %dma_start3A_195 = arith.constant 0 : i32
        %dma_start3A_196 = arith.constant 0 : i32
        %dma_start3A_197 = tpu.memref_slice %arg9[%dma_start3A_195, %dma_start3A_196] : memref<10000x128xf32, #tpu.memory_space<vmem_shared>> -> memref<10000x128xf32, #tpu.memory_space<vmem_shared>>
        tpu.enqueue_indirect_dma source(%arg6 : memref<80x128xf32, #tpu.memory_space<vmem>>) target(%dma_start3A_197 : memref<10000x128xf32, #tpu.memory_space<vmem_shared>>) offsets(%dma_start3A_194 : memref<80xi32, #tpu.memory_space<vmem>>) semaphore(%run_scoped3A_191 : memref<!tpu.dma_semaphore, #tpu.memory_space<semaphore_mem>>) {add = true}
        %dma_wait3A_198 = arith.constant 0 : i32
        %dma_wait3A_199 = tpu.memref_slice %arg5[%mul3A_150, %dma_wait3A_198] : memref<125x80xi32, #tpu.memory_space<vmem>> -> memref<1x80xi32, #tpu.memory_space<vmem>>
        %dma_wait3A_200 = tpu.memref_squeeze %dma_wait3A_199 : memref<1x80xi32, #tpu.memory_space<vmem>> -> memref<80xi32, #tpu.memory_space<vmem>>
        %dma_wait3A_201 = arith.constant 0 : i32
        %dma_wait3A_202 = arith.constant 0 : i32
        %dma_wait3A_203 = tpu.memref_slice %arg9[%dma_wait3A_201, %dma_wait3A_202] : memref<10000x128xf32, #tpu.memory_space<vmem_shared>> -> memref<10000x128xf32, #tpu.memory_space<vmem_shared>>
        tpu.wait_indirect_dma semaphore(%run_scoped3A_191 : memref<!tpu.dma_semaphore, #tpu.memory_space<semaphore_mem>>) src(%arg6 : memref<80x128xf32, #tpu.memory_space<vmem>>) dst(%dma_wait3A_203 : memref<10000x128xf32, #tpu.memory_space<vmem_shared>>)
        tpu.yield
      }) : () -> ()
      %add3A_170 = arith.constant 2 : i32
      %add3A_171 = arith.addi %mul3A_150, %add3A_170 : i32
      %mul3A_172 = arith.constant 80 : i32
      %mul3A_173 = arith.muli %add3A_171, %mul3A_172 : i32
      %add3A_174 = arith.addi %add3A_10, %mul3A_173 : i32
      %dma_start3A_175 = arith.constant 0 : i32
      %dma_start3A_176 = arith.constant 0 : i32
      %dma_start3A_177 = tpu.memref_slice %arg2[%dma_start3A_175, %add3A_174, %dma_start3A_176] : memref<4x320000x128xf32, #tpu.memory_space<hbm>> -> memref<1x80x128xf32, #tpu.memory_space<hbm>>
      %dma_start3A_178 = tpu.memref_squeeze %dma_start3A_177 : memref<1x80x128xf32, #tpu.memory_space<hbm>> -> memref<80x128xf32, #tpu.memory_space<hbm>>
      %dma_start3A_179 = arith.constant 0 : i32
      %dma_start3A_180 = tpu.memref_slice %arg2[%dma_start3A_175, %add3A_174, %dma_start3A_179] : memref<4x320000x128xf32, #tpu.memory_space<hbm>> -> memref<1x80x128xf32, #tpu.memory_space<hbm>>
      %dma_start3A_181 = tpu.memref_squeeze %dma_start3A_180 : memref<1x80x128xf32, #tpu.memory_space<hbm>> -> memref<80x128xf32, #tpu.memory_space<hbm>>
      tpu.enqueue_dma source(%dma_start3A_181 : memref<80x128xf32, #tpu.memory_space<hbm>>) target(%arg6 : memref<80x128xf32, #tpu.memory_space<vmem>>) target_semaphore(%arg10 : memref<!tpu.dma_semaphore, #tpu.memory_space<semaphore_mem>>)
      %dma_wait3A_182 = arith.constant 0 : i32
      %dma_wait3A_183 = arith.constant 0 : i32
      %dma_wait3A_184 = tpu.memref_slice %arg2[%dma_wait3A_182, %add3A_10, %dma_wait3A_183] : memref<4x320000x128xf32, #tpu.memory_space<hbm>> -> memref<1x80x128xf32, #tpu.memory_space<hbm>>
      %dma_wait3A_185 = tpu.memref_squeeze %dma_wait3A_184 : memref<1x80x128xf32, #tpu.memory_space<hbm>> -> memref<80x128xf32, #tpu.memory_space<hbm>>
      %dma_wait3A_186 = arith.constant 0 : i32
      %dma_wait3A_187 = tpu.memref_slice %arg2[%dma_wait3A_182, %add3A_10, %dma_wait3A_186] : memref<4x320000x128xf32, #tpu.memory_space<hbm>> -> memref<1x80x128xf32, #tpu.memory_space<hbm>>
      %dma_wait3A_188 = tpu.memref_squeeze %dma_wait3A_187 : memref<1x80x128xf32, #tpu.memory_space<hbm>> -> memref<80x128xf32, #tpu.memory_space<hbm>>
      tpu.wait_dma2 semaphore(%arg11 : memref<!tpu.dma_semaphore, #tpu.memory_space<semaphore_mem>>) src(%dma_wait3A_188 : memref<80x128xf32, #tpu.memory_space<hbm>>) dst(%arg7 : memref<80x128xf32, #tpu.memory_space<vmem>>)
      %add3A_189 = arith.constant 1 : i32
      %add3A_190 = arith.addi %mul3A_150, %add3A_189 : i32
      "tpu.region"() ({
        %run_scoped3A_191 = tpu.sem_alloc : memref<!tpu.dma_semaphore, #tpu.memory_space<semaphore_mem>>
        %dma_start3A_192 = arith.constant 0 : i32
        %dma_start3A_193 = tpu.memref_slice %arg5[%add3A_190, %dma_start3A_192] : memref<125x80xi32, #tpu.memory_space<vmem>> -> memref<1x80xi32, #tpu.memory_space<vmem>>
        %dma_start3A_194 = tpu.memref_squeeze %dma_start3A_193 : memref<1x80xi32, #tpu.memory_space<vmem>> -> memref<80xi32, #tpu.memory_space<vmem>>
        %dma_start3A_195 = arith.constant 0 : i32
        %dma_start3A_196 = arith.constant 0 : i32
        %dma_start3A_197 = tpu.memref_slice %arg9[%dma_start3A_195, %dma_start3A_196] : memref<10000x128xf32, #tpu.memory_space<vmem_shared>> -> memref<10000x128xf32, #tpu.memory_space<vmem_shared>>
        tpu.enqueue_indirect_dma source(%arg7 : memref<80x128xf32, #tpu.memory_space<vmem>>) target(%dma_start3A_197 : memref<10000x128xf32, #tpu.memory_space<vmem_shared>>) offsets(%dma_start3A_194 : memref<80xi32, #tpu.memory_space<vmem>>) semaphore(%run_scoped3A_191 : memref<!tpu.dma_semaphore, #tpu.memory_space<semaphore_mem>>) {add = true}
        %dma_wait3A_198 = arith.constant 0 : i32
        %dma_wait3A_199 = tpu.memref_slice %arg5[%add3A_190, %dma_wait3A_198] : memref<125x80xi32, #tpu.memory_space<vmem>> -> memref<1x80xi32, #tpu.memory_space<vmem>>
        %dma_wait3A_200 = tpu.memref_squeeze %dma_wait3A_199 : memref<1x80xi32, #tpu.memory_space<vmem>> -> memref<80xi32, #tpu.memory_space<vmem>>
        %dma_wait3A_201 = arith.constant 0 : i32
        %dma_wait3A_202 = arith.constant 0 : i32
        %dma_wait3A_203 = tpu.memref_slice %arg9[%dma_wait3A_201, %dma_wait3A_202] : memref<10000x128xf32, #tpu.memory_space<vmem_shared>> -> memref<10000x128xf32, #tpu.memory_space<vmem_shared>>
        tpu.wait_indirect_dma semaphore(%run_scoped3A_191 : memref<!tpu.dma_semaphore, #tpu.memory_space<semaphore_mem>>) src(%arg7 : memref<80x128xf32, #tpu.memory_space<vmem>>) dst(%dma_wait3A_203 : memref<10000x128xf32, #tpu.memory_space<vmem_shared>>)
        tpu.yield
      }) : () -> ()
    }
    %scan3A_26 = arith.constant 62 : i32
    %dma_wait3A = arith.constant 0 : i32
    %dma_wait3A_27 = arith.constant 0 : i32
    %dma_wait3A_28 = tpu.memref_slice %arg2[%dma_wait3A, %add3A_10, %dma_wait3A_27] : memref<4x320000x128xf32, #tpu.memory_space<hbm>> -> memref<1x80x128xf32, #tpu.memory_space<hbm>>
    %dma_wait3A_29 = tpu.memref_squeeze %dma_wait3A_28 : memref<1x80x128xf32, #tpu.memory_space<hbm>> -> memref<80x128xf32, #tpu.memory_space<hbm>>
    %dma_wait3A_30 = arith.constant 0 : i32
    %dma_wait3A_31 = tpu.memref_slice %arg2[%dma_wait3A, %add3A_10, %dma_wait3A_30] : memref<4x320000x128xf32, #tpu.memory_space<hbm>> -> memref<1x80x128xf32, #tpu.memory_space<hbm>>
    %dma_wait3A_32 = tpu.memref_squeeze %dma_wait3A_31 : memref<1x80x128xf32, #tpu.memory_space<hbm>> -> memref<80x128xf32, #tpu.memory_space<hbm>>
    tpu.wait_dma2 semaphore(%arg10 : memref<!tpu.dma_semaphore, #tpu.memory_space<semaphore_mem>>) src(%dma_wait3A_32 : memref<80x128xf32, #tpu.memory_space<hbm>>) dst(%arg6 : memref<80x128xf32, #tpu.memory_space<vmem>>)
    %run_scoped3A = arith.constant 124 : i32
    "tpu.region"() ({
      %run_scoped3A_148 = tpu.sem_alloc : memref<!tpu.dma_semaphore, #tpu.memory_space<semaphore_mem>>
      %dma_start3A_149 = arith.constant 0 : i32
      %dma_start3A_150 = tpu.memref_slice %arg5[%run_scoped3A, %dma_start3A_149] : memref<125x80xi32, #tpu.memory_space<vmem>> -> memref<1x80xi32, #tpu.memory_space<vmem>>
      %dma_start3A_151 = tpu.memref_squeeze %dma_start3A_150 : memref<1x80xi32, #tpu.memory_space<vmem>> -> memref<80xi32, #tpu.memory_space<vmem>>
      %dma_start3A_152 = arith.constant 0 : i32
      %dma_start3A_153 = arith.constant 0 : i32
      %dma_start3A_154 = tpu.memref_slice %arg9[%dma_start3A_152, %dma_start3A_153] : memref<10000x128xf32, #tpu.memory_space<vmem_shared>> -> memref<10000x128xf32, #tpu.memory_space<vmem_shared>>
      tpu.enqueue_indirect_dma source(%arg6 : memref<80x128xf32, #tpu.memory_space<vmem>>) target(%dma_start3A_154 : memref<10000x128xf32, #tpu.memory_space<vmem_shared>>) offsets(%dma_start3A_151 : memref<80xi32, #tpu.memory_space<vmem>>) semaphore(%run_scoped3A_148 : memref<!tpu.dma_semaphore, #tpu.memory_space<semaphore_mem>>) {add = true}
      %dma_wait3A_155 = arith.constant 0 : i32
      %dma_wait3A_156 = tpu.memref_slice %arg5[%run_scoped3A, %dma_wait3A_155] : memref<125x80xi32, #tpu.memory_space<vmem>> -> memref<1x80xi32, #tpu.memory_space<vmem>>
      %dma_wait3A_157 = tpu.memref_squeeze %dma_wait3A_156 : memref<1x80xi32, #tpu.memory_space<vmem>> -> memref<80xi32, #tpu.memory_space<vmem>>
      %dma_wait3A_158 = arith.constant 0 : i32
      %dma_wait3A_159 = arith.constant 0 : i32
      %dma_wait3A_160 = tpu.memref_slice %arg9[%dma_wait3A_158, %dma_wait3A_159] : memref<10000x128xf32, #tpu.memory_space<vmem_shared>> -> memref<10000x128xf32, #tpu.memory_space<vmem_shared>>
      tpu.wait_indirect_dma semaphore(%run_scoped3A_148 : memref<!tpu.dma_semaphore, #tpu.memory_space<semaphore_mem>>) src(%arg6 : memref<80x128xf32, #tpu.memory_space<vmem>>) dst(%dma_wait3A_160 : memref<10000x128xf32, #tpu.memory_space<vmem_shared>>)
      tpu.yield
    }) : () -> ()
    %barrier3A_33 = arith.constant 0 : index
    tpu.barrier barrier_id(%barrier3A_33)
    %lt3A_34 = arith.constant 10 : i32
    %lt3A_35 = arith.cmpi slt, %arg1, %lt3A_34 : i32
    %convert_element_type3A_36 = arith.extui %lt3A_35 : i1 to i32
    %cond3A_37 = arith.constant 0 : i32
    %cond3A_38 = arith.cmpi ne, %convert_element_type3A_36, %cond3A_37 : i32
    scf.if %cond3A_38 {
      %scan3A_148 = arith.constant 0 : i32
      %scan3A_149 = arith.constant 0 : i32
      %scan3A_150 = arith.constant 25 : i32
      %scan3A_151 = arith.addi %scan3A_149, %scan3A_150 : i32
      %scan3A_152 = arith.constant 1 : i32
      scf.for %scan3A_154 = %scan3A_149 to %scan3A_151 step %scan3A_152  : i32 {
        %mul3A_155 = arith.constant 1000 : i32
        %mul3A_156 = arith.muli %arg1, %mul3A_155 : i32
        %mul3A_157 = arith.constant 40 : i32
        %mul3A_158 = arith.muli %scan3A_154, %mul3A_157 : i32
        %add3A_159 = arith.addi %mul3A_156, %mul3A_158 : i32
        %run_scoped3A_160 = arith.constant 0 : i32
        "tpu.region"() ({
          %run_scoped3A_161 = tpu.sem_alloc : memref<!tpu.dma_semaphore, #tpu.memory_space<semaphore_mem>>
          %dma_start3A_162 = arith.constant 0 : i32
          %dma_start3A_163 = tpu.memref_slice %arg4[%run_scoped3A_160, %arg0, %add3A_159, %dma_start3A_162] : memref<4x2x10000x128xf32, #tpu.memory_space<hbm>> -> memref<1x1x40x128xf32, #tpu.memory_space<hbm>>
          %dma_start3A_164 = tpu.memref_squeeze %dma_start3A_163 : memref<1x1x40x128xf32, #tpu.memory_space<hbm>> -> memref<40x128xf32, #tpu.memory_space<hbm>>
          %dma_start3A_165 = arith.constant 0 : i32
          %dma_start3A_166 = tpu.memref_slice %arg9[%add3A_159, %dma_start3A_165] : memref<10000x128xf32, #tpu.memory_space<vmem_shared>> -> memref<40x128xf32, #tpu.memory_space<vmem_shared>>
          tpu.enqueue_dma source(%dma_start3A_166 : memref<40x128xf32, #tpu.memory_space<vmem_shared>>) target(%dma_start3A_164 : memref<40x128xf32, #tpu.memory_space<hbm>>) target_semaphore(%run_scoped3A_161 : memref<!tpu.dma_semaphore, #tpu.memory_space<semaphore_mem>>)
          %dma_wait3A_167 = arith.constant 0 : i32
          %dma_wait3A_168 = tpu.memref_slice %arg4[%run_scoped3A_160, %arg0, %add3A_159, %dma_wait3A_167] : memref<4x2x10000x128xf32, #tpu.memory_space<hbm>> -> memref<1x1x40x128xf32, #tpu.memory_space<hbm>>
          %dma_wait3A_169 = tpu.memref_squeeze %dma_wait3A_168 : memref<1x1x40x128xf32, #tpu.memory_space<hbm>> -> memref<40x128xf32, #tpu.memory_space<hbm>>
          %dma_wait3A_170 = arith.constant 0 : i32
          %dma_wait3A_171 = tpu.memref_slice %arg9[%add3A_159, %dma_wait3A_170] : memref<10000x128xf32, #tpu.memory_space<vmem_shared>> -> memref<40x128xf32, #tpu.memory_space<vmem_shared>>
          tpu.wait_dma2 semaphore(%run_scoped3A_161 : memref<!tpu.dma_semaphore, #tpu.memory_space<semaphore_mem>>) src(%dma_wait3A_171 : memref<40x128xf32, #tpu.memory_space<vmem_shared>>) dst(%dma_wait3A_169 : memref<40x128xf32, #tpu.memory_space<hbm>>)
          tpu.yield
        }) : () -> ()
      }
      %scan3A_153 = arith.constant 25 : i32
    } else {
    }
    %barrier3A_39 = arith.constant 0 : index
    tpu.barrier barrier_id(%barrier3A_39)
    %lt3A_40 = arith.constant 10 : i32
    %lt3A_41 = arith.cmpi slt, %arg1, %lt3A_40 : i32
    %convert_element_type3A_42 = arith.extui %lt3A_41 : i1 to i32
    %cond3A_43 = arith.constant 0 : i32
    %cond3A_44 = arith.cmpi ne, %convert_element_type3A_42, %cond3A_43 : i32
    scf.if %cond3A_44 {
      %scan3A_148 = arith.constant 0 : i32
      %scan3A_149 = arith.constant 0 : i32
      %scan3A_150 = arith.constant 25 : i32
      %scan3A_151 = arith.addi %scan3A_149, %scan3A_150 : i32
      %scan3A_152 = arith.constant 1 : i32
      scf.for %scan3A_154 = %scan3A_149 to %scan3A_151 step %scan3A_152  : i32 {
        %mul3A_155 = arith.constant 1000 : i32
        %mul3A_156 = arith.muli %arg1, %mul3A_155 : i32
        %mul3A_157 = arith.constant 40 : i32
        %mul3A_158 = arith.muli %scan3A_154, %mul3A_157 : i32
        %add3A_159 = arith.addi %mul3A_156, %mul3A_158 : i32
        "tpu.region"() ({
          %run_scoped3A_160 = tpu.sem_alloc : memref<!tpu.dma_semaphore, #tpu.memory_space<semaphore_mem>>
          %dma_start3A_161 = arith.constant 0 : i32
          %dma_start3A_162 = tpu.memref_slice %arg9[%add3A_159, %dma_start3A_161] : memref<10000x128xf32, #tpu.memory_space<vmem_shared>> -> memref<40x128xf32, #tpu.memory_space<vmem_shared>>
          %dma_start3A_163 = arith.constant 0 : i32
          %dma_start3A_164 = tpu.memref_slice %arg9[%add3A_159, %dma_start3A_163] : memref<10000x128xf32, #tpu.memory_space<vmem_shared>> -> memref<40x128xf32, #tpu.memory_space<vmem_shared>>
          tpu.enqueue_dma source(%arg8 : memref<40x128xf32, #tpu.memory_space<vmem>>) target(%dma_start3A_164 : memref<40x128xf32, #tpu.memory_space<vmem_shared>>) target_semaphore(%run_scoped3A_160 : memref<!tpu.dma_semaphore, #tpu.memory_space<semaphore_mem>>)
          %dma_wait3A_165 = arith.constant 0 : i32
          %dma_wait3A_166 = tpu.memref_slice %arg9[%add3A_159, %dma_wait3A_165] : memref<10000x128xf32, #tpu.memory_space<vmem_shared>> -> memref<40x128xf32, #tpu.memory_space<vmem_shared>>
          %dma_wait3A_167 = arith.constant 0 : i32
          %dma_wait3A_168 = tpu.memref_slice %arg9[%add3A_159, %dma_wait3A_167] : memref<10000x128xf32, #tpu.memory_space<vmem_shared>> -> memref<40x128xf32, #tpu.memory_space<vmem_shared>>
          tpu.wait_dma2 semaphore(%run_scoped3A_160 : memref<!tpu.dma_semaphore, #tpu.memory_space<semaphore_mem>>) src(%arg8 : memref<40x128xf32, #tpu.memory_space<vmem>>) dst(%dma_wait3A_168 : memref<40x128xf32, #tpu.memory_space<vmem_shared>>)
          tpu.yield
        }) : () -> ()
      }
      %scan3A_153 = arith.constant 25 : i32
    } else {
    }
    %barrier3A_45 = arith.constant 0 : index
    tpu.barrier barrier_id(%barrier3A_45)
    %add3A_46 = arith.constant 0 : i32
    %add3A_47 = arith.addi %add3A_10, %add3A_46 : i32
    %dma_start3A_48 = arith.constant 1 : i32
    %dma_start3A_49 = arith.constant 0 : i32
    %dma_start3A_50 = tpu.memref_slice %arg2[%dma_start3A_48, %add3A_47, %dma_start3A_49] : memref<4x320000x128xf32, #tpu.memory_space<hbm>> -> memref<1x80x128xf32, #tpu.memory_space<hbm>>
    %dma_start3A_51 = tpu.memref_squeeze %dma_start3A_50 : memref<1x80x128xf32, #tpu.memory_space<hbm>> -> memref<80x128xf32, #tpu.memory_space<hbm>>
    %dma_start3A_52 = arith.constant 0 : i32
    %dma_start3A_53 = tpu.memref_slice %arg2[%dma_start3A_48, %add3A_47, %dma_start3A_52] : memref<4x320000x128xf32, #tpu.memory_space<hbm>> -> memref<1x80x128xf32, #tpu.memory_space<hbm>>
    %dma_start3A_54 = tpu.memref_squeeze %dma_start3A_53 : memref<1x80x128xf32, #tpu.memory_space<hbm>> -> memref<80x128xf32, #tpu.memory_space<hbm>>
    tpu.enqueue_dma source(%dma_start3A_54 : memref<80x128xf32, #tpu.memory_space<hbm>>) target(%arg6 : memref<80x128xf32, #tpu.memory_space<vmem>>) target_semaphore(%arg10 : memref<!tpu.dma_semaphore, #tpu.memory_space<semaphore_mem>>)
    %scan3A_55 = arith.constant 0 : i32
    %scan3A_56 = arith.constant 0 : i32
    %scan3A_57 = arith.constant 62 : i32
    %scan3A_58 = arith.addi %scan3A_56, %scan3A_57 : i32
    %scan3A_59 = arith.constant 1 : i32
    scf.for %scan3A_148 = %scan3A_56 to %scan3A_58 step %scan3A_59  : i32 {
      %mul3A_149 = arith.constant 2 : i32
      %mul3A_150 = arith.muli %mul3A_149, %scan3A_148 : i32
      %add3A_151 = arith.constant 1 : i32
      %add3A_152 = arith.addi %mul3A_150, %add3A_151 : i32
      %mul3A_153 = arith.constant 80 : i32
      %mul3A_154 = arith.muli %add3A_152, %mul3A_153 : i32
      %add3A_155 = arith.addi %add3A_10, %mul3A_154 : i32
      %dma_start3A_156 = arith.constant 1 : i32
      %dma_start3A_157 = arith.constant 0 : i32
      %dma_start3A_158 = tpu.memref_slice %arg2[%dma_start3A_156, %add3A_155, %dma_start3A_157] : memref<4x320000x128xf32, #tpu.memory_space<hbm>> -> memref<1x80x128xf32, #tpu.memory_space<hbm>>
      %dma_start3A_159 = tpu.memref_squeeze %dma_start3A_158 : memref<1x80x128xf32, #tpu.memory_space<hbm>> -> memref<80x128xf32, #tpu.memory_space<hbm>>
      %dma_start3A_160 = arith.constant 0 : i32
      %dma_start3A_161 = tpu.memref_slice %arg2[%dma_start3A_156, %add3A_155, %dma_start3A_160] : memref<4x320000x128xf32, #tpu.memory_space<hbm>> -> memref<1x80x128xf32, #tpu.memory_space<hbm>>
      %dma_start3A_162 = tpu.memref_squeeze %dma_start3A_161 : memref<1x80x128xf32, #tpu.memory_space<hbm>> -> memref<80x128xf32, #tpu.memory_space<hbm>>
      tpu.enqueue_dma source(%dma_start3A_162 : memref<80x128xf32, #tpu.memory_space<hbm>>) target(%arg7 : memref<80x128xf32, #tpu.memory_space<vmem>>) target_semaphore(%arg11 : memref<!tpu.dma_semaphore, #tpu.memory_space<semaphore_mem>>)
      %dma_wait3A_163 = arith.constant 1 : i32
      %dma_wait3A_164 = arith.constant 0 : i32
      %dma_wait3A_165 = tpu.memref_slice %arg2[%dma_wait3A_163, %add3A_10, %dma_wait3A_164] : memref<4x320000x128xf32, #tpu.memory_space<hbm>> -> memref<1x80x128xf32, #tpu.memory_space<hbm>>
      %dma_wait3A_166 = tpu.memref_squeeze %dma_wait3A_165 : memref<1x80x128xf32, #tpu.memory_space<hbm>> -> memref<80x128xf32, #tpu.memory_space<hbm>>
      %dma_wait3A_167 = arith.constant 0 : i32
      %dma_wait3A_168 = tpu.memref_slice %arg2[%dma_wait3A_163, %add3A_10, %dma_wait3A_167] : memref<4x320000x128xf32, #tpu.memory_space<hbm>> -> memref<1x80x128xf32, #tpu.memory_space<hbm>>
      %dma_wait3A_169 = tpu.memref_squeeze %dma_wait3A_168 : memref<1x80x128xf32, #tpu.memory_space<hbm>> -> memref<80x128xf32, #tpu.memory_space<hbm>>
      tpu.wait_dma2 semaphore(%arg10 : memref<!tpu.dma_semaphore, #tpu.memory_space<semaphore_mem>>) src(%dma_wait3A_169 : memref<80x128xf32, #tpu.memory_space<hbm>>) dst(%arg6 : memref<80x128xf32, #tpu.memory_space<vmem>>)
      "tpu.region"() ({
        %run_scoped3A_191 = tpu.sem_alloc : memref<!tpu.dma_semaphore, #tpu.memory_space<semaphore_mem>>
        %dma_start3A_192 = arith.constant 0 : i32
        %dma_start3A_193 = tpu.memref_slice %arg5[%mul3A_150, %dma_start3A_192] : memref<125x80xi32, #tpu.memory_space<vmem>> -> memref<1x80xi32, #tpu.memory_space<vmem>>
        %dma_start3A_194 = tpu.memref_squeeze %dma_start3A_193 : memref<1x80xi32, #tpu.memory_space<vmem>> -> memref<80xi32, #tpu.memory_space<vmem>>
        %dma_start3A_195 = arith.constant 0 : i32
        %dma_start3A_196 = arith.constant 0 : i32
        %dma_start3A_197 = tpu.memref_slice %arg9[%dma_start3A_195, %dma_start3A_196] : memref<10000x128xf32, #tpu.memory_space<vmem_shared>> -> memref<10000x128xf32, #tpu.memory_space<vmem_shared>>
        tpu.enqueue_indirect_dma source(%arg6 : memref<80x128xf32, #tpu.memory_space<vmem>>) target(%dma_start3A_197 : memref<10000x128xf32, #tpu.memory_space<vmem_shared>>) offsets(%dma_start3A_194 : memref<80xi32, #tpu.memory_space<vmem>>) semaphore(%run_scoped3A_191 : memref<!tpu.dma_semaphore, #tpu.memory_space<semaphore_mem>>) {add = true}
        %dma_wait3A_198 = arith.constant 0 : i32
        %dma_wait3A_199 = tpu.memref_slice %arg5[%mul3A_150, %dma_wait3A_198] : memref<125x80xi32, #tpu.memory_space<vmem>> -> memref<1x80xi32, #tpu.memory_space<vmem>>
        %dma_wait3A_200 = tpu.memref_squeeze %dma_wait3A_199 : memref<1x80xi32, #tpu.memory_space<vmem>> -> memref<80xi32, #tpu.memory_space<vmem>>
        %dma_wait3A_201 = arith.constant 0 : i32
        %dma_wait3A_202 = arith.constant 0 : i32
        %dma_wait3A_203 = tpu.memref_slice %arg9[%dma_wait3A_201, %dma_wait3A_202] : memref<10000x128xf32, #tpu.memory_space<vmem_shared>> -> memref<10000x128xf32, #tpu.memory_space<vmem_shared>>
        tpu.wait_indirect_dma semaphore(%run_scoped3A_191 : memref<!tpu.dma_semaphore, #tpu.memory_space<semaphore_mem>>) src(%arg6 : memref<80x128xf32, #tpu.memory_space<vmem>>) dst(%dma_wait3A_203 : memref<10000x128xf32, #tpu.memory_space<vmem_shared>>)
        tpu.yield
      }) : () -> ()
      %add3A_170 = arith.constant 2 : i32
      %add3A_171 = arith.addi %mul3A_150, %add3A_170 : i32
      %mul3A_172 = arith.constant 80 : i32
      %mul3A_173 = arith.muli %add3A_171, %mul3A_172 : i32
      %add3A_174 = arith.addi %add3A_10, %mul3A_173 : i32
      %dma_start3A_175 = arith.constant 1 : i32
      %dma_start3A_176 = arith.constant 0 : i32
      %dma_start3A_177 = tpu.memref_slice %arg2[%dma_start3A_175, %add3A_174, %dma_start3A_176] : memref<4x320000x128xf32, #tpu.memory_space<hbm>> -> memref<1x80x128xf32, #tpu.memory_space<hbm>>
      %dma_start3A_178 = tpu.memref_squeeze %dma_start3A_177 : memref<1x80x128xf32, #tpu.memory_space<hbm>> -> memref<80x128xf32, #tpu.memory_space<hbm>>
      %dma_start3A_179 = arith.constant 0 : i32
      %dma_start3A_180 = tpu.memref_slice %arg2[%dma_start3A_175, %add3A_174, %dma_start3A_179] : memref<4x320000x128xf32, #tpu.memory_space<hbm>> -> memref<1x80x128xf32, #tpu.memory_space<hbm>>
      %dma_start3A_181 = tpu.memref_squeeze %dma_start3A_180 : memref<1x80x128xf32, #tpu.memory_space<hbm>> -> memref<80x128xf32, #tpu.memory_space<hbm>>
      tpu.enqueue_dma source(%dma_start3A_181 : memref<80x128xf32, #tpu.memory_space<hbm>>) target(%arg6 : memref<80x128xf32, #tpu.memory_space<vmem>>) target_semaphore(%arg10 : memref<!tpu.dma_semaphore, #tpu.memory_space<semaphore_mem>>)
      %dma_wait3A_182 = arith.constant 1 : i32
      %dma_wait3A_183 = arith.constant 0 : i32
      %dma_wait3A_184 = tpu.memref_slice %arg2[%dma_wait3A_182, %add3A_10, %dma_wait3A_183] : memref<4x320000x128xf32, #tpu.memory_space<hbm>> -> memref<1x80x128xf32, #tpu.memory_space<hbm>>
      %dma_wait3A_185 = tpu.memref_squeeze %dma_wait3A_184 : memref<1x80x128xf32, #tpu.memory_space<hbm>> -> memref<80x128xf32, #tpu.memory_space<hbm>>
      %dma_wait3A_186 = arith.constant 0 : i32
      %dma_wait3A_187 = tpu.memref_slice %arg2[%dma_wait3A_182, %add3A_10, %dma_wait3A_186] : memref<4x320000x128xf32, #tpu.memory_space<hbm>> -> memref<1x80x128xf32, #tpu.memory_space<hbm>>
      %dma_wait3A_188 = tpu.memref_squeeze %dma_wait3A_187 : memref<1x80x128xf32, #tpu.memory_space<hbm>> -> memref<80x128xf32, #tpu.memory_space<hbm>>
      tpu.wait_dma2 semaphore(%arg11 : memref<!tpu.dma_semaphore, #tpu.memory_space<semaphore_mem>>) src(%dma_wait3A_188 : memref<80x128xf32, #tpu.memory_space<hbm>>) dst(%arg7 : memref<80x128xf32, #tpu.memory_space<vmem>>)
      %add3A_189 = arith.constant 1 : i32
      %add3A_190 = arith.addi %mul3A_150, %add3A_189 : i32
      "tpu.region"() ({
        %run_scoped3A_191 = tpu.sem_alloc : memref<!tpu.dma_semaphore, #tpu.memory_space<semaphore_mem>>
        %dma_start3A_192 = arith.constant 0 : i32
        %dma_start3A_193 = tpu.memref_slice %arg5[%add3A_190, %dma_start3A_192] : memref<125x80xi32, #tpu.memory_space<vmem>> -> memref<1x80xi32, #tpu.memory_space<vmem>>
        %dma_start3A_194 = tpu.memref_squeeze %dma_start3A_193 : memref<1x80xi32, #tpu.memory_space<vmem>> -> memref<80xi32, #tpu.memory_space<vmem>>
        %dma_start3A_195 = arith.constant 0 : i32
        %dma_start3A_196 = arith.constant 0 : i32
        %dma_start3A_197 = tpu.memref_slice %arg9[%dma_start3A_195, %dma_start3A_196] : memref<10000x128xf32, #tpu.memory_space<vmem_shared>> -> memref<10000x128xf32, #tpu.memory_space<vmem_shared>>
        tpu.enqueue_indirect_dma source(%arg7 : memref<80x128xf32, #tpu.memory_space<vmem>>) target(%dma_start3A_197 : memref<10000x128xf32, #tpu.memory_space<vmem_shared>>) offsets(%dma_start3A_194 : memref<80xi32, #tpu.memory_space<vmem>>) semaphore(%run_scoped3A_191 : memref<!tpu.dma_semaphore, #tpu.memory_space<semaphore_mem>>) {add = true}
        %dma_wait3A_198 = arith.constant 0 : i32
        %dma_wait3A_199 = tpu.memref_slice %arg5[%add3A_190, %dma_wait3A_198] : memref<125x80xi32, #tpu.memory_space<vmem>> -> memref<1x80xi32, #tpu.memory_space<vmem>>
        %dma_wait3A_200 = tpu.memref_squeeze %dma_wait3A_199 : memref<1x80xi32, #tpu.memory_space<vmem>> -> memref<80xi32, #tpu.memory_space<vmem>>
        %dma_wait3A_201 = arith.constant 0 : i32
        %dma_wait3A_202 = arith.constant 0 : i32
        %dma_wait3A_203 = tpu.memref_slice %arg9[%dma_wait3A_201, %dma_wait3A_202] : memref<10000x128xf32, #tpu.memory_space<vmem_shared>> -> memref<10000x128xf32, #tpu.memory_space<vmem_shared>>
        tpu.wait_indirect_dma semaphore(%run_scoped3A_191 : memref<!tpu.dma_semaphore, #tpu.memory_space<semaphore_mem>>) src(%arg7 : memref<80x128xf32, #tpu.memory_space<vmem>>) dst(%dma_wait3A_203 : memref<10000x128xf32, #tpu.memory_space<vmem_shared>>)
        tpu.yield
      }) : () -> ()
    }
    %scan3A_60 = arith.constant 62 : i32
    %dma_wait3A_61 = arith.constant 1 : i32
    %dma_wait3A_62 = arith.constant 0 : i32
    %dma_wait3A_63 = tpu.memref_slice %arg2[%dma_wait3A_61, %add3A_10, %dma_wait3A_62] : memref<4x320000x128xf32, #tpu.memory_space<hbm>> -> memref<1x80x128xf32, #tpu.memory_space<hbm>>
    %dma_wait3A_64 = tpu.memref_squeeze %dma_wait3A_63 : memref<1x80x128xf32, #tpu.memory_space<hbm>> -> memref<80x128xf32, #tpu.memory_space<hbm>>
    %dma_wait3A_65 = arith.constant 0 : i32
    %dma_wait3A_66 = tpu.memref_slice %arg2[%dma_wait3A_61, %add3A_10, %dma_wait3A_65] : memref<4x320000x128xf32, #tpu.memory_space<hbm>> -> memref<1x80x128xf32, #tpu.memory_space<hbm>>
    %dma_wait3A_67 = tpu.memref_squeeze %dma_wait3A_66 : memref<1x80x128xf32, #tpu.memory_space<hbm>> -> memref<80x128xf32, #tpu.memory_space<hbm>>
    tpu.wait_dma2 semaphore(%arg10 : memref<!tpu.dma_semaphore, #tpu.memory_space<semaphore_mem>>) src(%dma_wait3A_67 : memref<80x128xf32, #tpu.memory_space<hbm>>) dst(%arg6 : memref<80x128xf32, #tpu.memory_space<vmem>>)
    %run_scoped3A_68 = arith.constant 124 : i32
    "tpu.region"() ({
      %run_scoped3A_148 = tpu.sem_alloc : memref<!tpu.dma_semaphore, #tpu.memory_space<semaphore_mem>>
      %dma_start3A_149 = arith.constant 0 : i32
      %dma_start3A_150 = tpu.memref_slice %arg5[%run_scoped3A_68, %dma_start3A_149] : memref<125x80xi32, #tpu.memory_space<vmem>> -> memref<1x80xi32, #tpu.memory_space<vmem>>
      %dma_start3A_151 = tpu.memref_squeeze %dma_start3A_150 : memref<1x80xi32, #tpu.memory_space<vmem>> -> memref<80xi32, #tpu.memory_space<vmem>>
      %dma_start3A_152 = arith.constant 0 : i32
      %dma_start3A_153 = arith.constant 0 : i32
      %dma_start3A_154 = tpu.memref_slice %arg9[%dma_start3A_152, %dma_start3A_153] : memref<10000x128xf32, #tpu.memory_space<vmem_shared>> -> memref<10000x128xf32, #tpu.memory_space<vmem_shared>>
      tpu.enqueue_indirect_dma source(%arg6 : memref<80x128xf32, #tpu.memory_space<vmem>>) target(%dma_start3A_154 : memref<10000x128xf32, #tpu.memory_space<vmem_shared>>) offsets(%dma_start3A_151 : memref<80xi32, #tpu.memory_space<vmem>>) semaphore(%run_scoped3A_148 : memref<!tpu.dma_semaphore, #tpu.memory_space<semaphore_mem>>) {add = true}
      %dma_wait3A_155 = arith.constant 0 : i32
      %dma_wait3A_156 = tpu.memref_slice %arg5[%run_scoped3A_68, %dma_wait3A_155] : memref<125x80xi32, #tpu.memory_space<vmem>> -> memref<1x80xi32, #tpu.memory_space<vmem>>
      %dma_wait3A_157 = tpu.memref_squeeze %dma_wait3A_156 : memref<1x80xi32, #tpu.memory_space<vmem>> -> memref<80xi32, #tpu.memory_space<vmem>>
      %dma_wait3A_158 = arith.constant 0 : i32
      %dma_wait3A_159 = arith.constant 0 : i32
      %dma_wait3A_160 = tpu.memref_slice %arg9[%dma_wait3A_158, %dma_wait3A_159] : memref<10000x128xf32, #tpu.memory_space<vmem_shared>> -> memref<10000x128xf32, #tpu.memory_space<vmem_shared>>
      tpu.wait_indirect_dma semaphore(%run_scoped3A_148 : memref<!tpu.dma_semaphore, #tpu.memory_space<semaphore_mem>>) src(%arg6 : memref<80x128xf32, #tpu.memory_space<vmem>>) dst(%dma_wait3A_160 : memref<10000x128xf32, #tpu.memory_space<vmem_shared>>)
      tpu.yield
    }) : () -> ()
    %barrier3A_69 = arith.constant 0 : index
    tpu.barrier barrier_id(%barrier3A_69)
    %lt3A_70 = arith.constant 10 : i32
    %lt3A_71 = arith.cmpi slt, %arg1, %lt3A_70 : i32
    %convert_element_type3A_72 = arith.extui %lt3A_71 : i1 to i32
    %cond3A_73 = arith.constant 0 : i32
    %cond3A_74 = arith.cmpi ne, %convert_element_type3A_72, %cond3A_73 : i32
    scf.if %cond3A_74 {
      %scan3A_148 = arith.constant 0 : i32
      %scan3A_149 = arith.constant 0 : i32
      %scan3A_150 = arith.constant 25 : i32
      %scan3A_151 = arith.addi %scan3A_149, %scan3A_150 : i32
      %scan3A_152 = arith.constant 1 : i32
      scf.for %scan3A_154 = %scan3A_149 to %scan3A_151 step %scan3A_152  : i32 {
        %mul3A_155 = arith.constant 1000 : i32
        %mul3A_156 = arith.muli %arg1, %mul3A_155 : i32
        %mul3A_157 = arith.constant 40 : i32
        %mul3A_158 = arith.muli %scan3A_154, %mul3A_157 : i32
        %add3A_159 = arith.addi %mul3A_156, %mul3A_158 : i32
        %run_scoped3A_160 = arith.constant 1 : i32
        "tpu.region"() ({
          %run_scoped3A_161 = tpu.sem_alloc : memref<!tpu.dma_semaphore, #tpu.memory_space<semaphore_mem>>
          %dma_start3A_162 = arith.constant 0 : i32
          %dma_start3A_163 = tpu.memref_slice %arg4[%run_scoped3A_160, %arg0, %add3A_159, %dma_start3A_162] : memref<4x2x10000x128xf32, #tpu.memory_space<hbm>> -> memref<1x1x40x128xf32, #tpu.memory_space<hbm>>
          %dma_start3A_164 = tpu.memref_squeeze %dma_start3A_163 : memref<1x1x40x128xf32, #tpu.memory_space<hbm>> -> memref<40x128xf32, #tpu.memory_space<hbm>>
          %dma_start3A_165 = arith.constant 0 : i32
          %dma_start3A_166 = tpu.memref_slice %arg9[%add3A_159, %dma_start3A_165] : memref<10000x128xf32, #tpu.memory_space<vmem_shared>> -> memref<40x128xf32, #tpu.memory_space<vmem_shared>>
          tpu.enqueue_dma source(%dma_start3A_166 : memref<40x128xf32, #tpu.memory_space<vmem_shared>>) target(%dma_start3A_164 : memref<40x128xf32, #tpu.memory_space<hbm>>) target_semaphore(%run_scoped3A_161 : memref<!tpu.dma_semaphore, #tpu.memory_space<semaphore_mem>>)
          %dma_wait3A_167 = arith.constant 0 : i32
          %dma_wait3A_168 = tpu.memref_slice %arg4[%run_scoped3A_160, %arg0, %add3A_159, %dma_wait3A_167] : memref<4x2x10000x128xf32, #tpu.memory_space<hbm>> -> memref<1x1x40x128xf32, #tpu.memory_space<hbm>>
          %dma_wait3A_169 = tpu.memref_squeeze %dma_wait3A_168 : memref<1x1x40x128xf32, #tpu.memory_space<hbm>> -> memref<40x128xf32, #tpu.memory_space<hbm>>
          %dma_wait3A_170 = arith.constant 0 : i32
          %dma_wait3A_171 = tpu.memref_slice %arg9[%add3A_159, %dma_wait3A_170] : memref<10000x128xf32, #tpu.memory_space<vmem_shared>> -> memref<40x128xf32, #tpu.memory_space<vmem_shared>>
          tpu.wait_dma2 semaphore(%run_scoped3A_161 : memref<!tpu.dma_semaphore, #tpu.memory_space<semaphore_mem>>) src(%dma_wait3A_171 : memref<40x128xf32, #tpu.memory_space<vmem_shared>>) dst(%dma_wait3A_169 : memref<40x128xf32, #tpu.memory_space<hbm>>)
          tpu.yield
        }) : () -> ()
      }
      %scan3A_153 = arith.constant 25 : i32
    } else {
    }
    %barrier3A_75 = arith.constant 0 : index
    tpu.barrier barrier_id(%barrier3A_75)
    %lt3A_76 = arith.constant 10 : i32
    %lt3A_77 = arith.cmpi slt, %arg1, %lt3A_76 : i32
    %convert_element_type3A_78 = arith.extui %lt3A_77 : i1 to i32
    %cond3A_79 = arith.constant 0 : i32
    %cond3A_80 = arith.cmpi ne, %convert_element_type3A_78, %cond3A_79 : i32
    scf.if %cond3A_80 {
      %scan3A_148 = arith.constant 0 : i32
      %scan3A_149 = arith.constant 0 : i32
      %scan3A_150 = arith.constant 25 : i32
      %scan3A_151 = arith.addi %scan3A_149, %scan3A_150 : i32
      %scan3A_152 = arith.constant 1 : i32
      scf.for %scan3A_154 = %scan3A_149 to %scan3A_151 step %scan3A_152  : i32 {
        %mul3A_155 = arith.constant 1000 : i32
        %mul3A_156 = arith.muli %arg1, %mul3A_155 : i32
        %mul3A_157 = arith.constant 40 : i32
        %mul3A_158 = arith.muli %scan3A_154, %mul3A_157 : i32
        %add3A_159 = arith.addi %mul3A_156, %mul3A_158 : i32
        "tpu.region"() ({
          %run_scoped3A_160 = tpu.sem_alloc : memref<!tpu.dma_semaphore, #tpu.memory_space<semaphore_mem>>
          %dma_start3A_161 = arith.constant 0 : i32
          %dma_start3A_162 = tpu.memref_slice %arg9[%add3A_159, %dma_start3A_161] : memref<10000x128xf32, #tpu.memory_space<vmem_shared>> -> memref<40x128xf32, #tpu.memory_space<vmem_shared>>
          %dma_start3A_163 = arith.constant 0 : i32
          %dma_start3A_164 = tpu.memref_slice %arg9[%add3A_159, %dma_start3A_163] : memref<10000x128xf32, #tpu.memory_space<vmem_shared>> -> memref<40x128xf32, #tpu.memory_space<vmem_shared>>
          tpu.enqueue_dma source(%arg8 : memref<40x128xf32, #tpu.memory_space<vmem>>) target(%dma_start3A_164 : memref<40x128xf32, #tpu.memory_space<vmem_shared>>) target_semaphore(%run_scoped3A_160 : memref<!tpu.dma_semaphore, #tpu.memory_space<semaphore_mem>>)
          %dma_wait3A_165 = arith.constant 0 : i32
          %dma_wait3A_166 = tpu.memref_slice %arg9[%add3A_159, %dma_wait3A_165] : memref<10000x128xf32, #tpu.memory_space<vmem_shared>> -> memref<40x128xf32, #tpu.memory_space<vmem_shared>>
          %dma_wait3A_167 = arith.constant 0 : i32
          %dma_wait3A_168 = tpu.memref_slice %arg9[%add3A_159, %dma_wait3A_167] : memref<10000x128xf32, #tpu.memory_space<vmem_shared>> -> memref<40x128xf32, #tpu.memory_space<vmem_shared>>
          tpu.wait_dma2 semaphore(%run_scoped3A_160 : memref<!tpu.dma_semaphore, #tpu.memory_space<semaphore_mem>>) src(%arg8 : memref<40x128xf32, #tpu.memory_space<vmem>>) dst(%dma_wait3A_168 : memref<40x128xf32, #tpu.memory_space<vmem_shared>>)
          tpu.yield
        }) : () -> ()
      }
      %scan3A_153 = arith.constant 25 : i32
    } else {
    }
    %barrier3A_81 = arith.constant 0 : index
    tpu.barrier barrier_id(%barrier3A_81)
    %add3A_82 = arith.constant 0 : i32
    %add3A_83 = arith.addi %add3A_10, %add3A_82 : i32
    %dma_start3A_84 = arith.constant 2 : i32
    %dma_start3A_85 = arith.constant 0 : i32
    %dma_start3A_86 = tpu.memref_slice %arg2[%dma_start3A_84, %add3A_83, %dma_start3A_85] : memref<4x320000x128xf32, #tpu.memory_space<hbm>> -> memref<1x80x128xf32, #tpu.memory_space<hbm>>
    %dma_start3A_87 = tpu.memref_squeeze %dma_start3A_86 : memref<1x80x128xf32, #tpu.memory_space<hbm>> -> memref<80x128xf32, #tpu.memory_space<hbm>>
    %dma_start3A_88 = arith.constant 0 : i32
    %dma_start3A_89 = tpu.memref_slice %arg2[%dma_start3A_84, %add3A_83, %dma_start3A_88] : memref<4x320000x128xf32, #tpu.memory_space<hbm>> -> memref<1x80x128xf32, #tpu.memory_space<hbm>>
    %dma_start3A_90 = tpu.memref_squeeze %dma_start3A_89 : memref<1x80x128xf32, #tpu.memory_space<hbm>> -> memref<80x128xf32, #tpu.memory_space<hbm>>
    tpu.enqueue_dma source(%dma_start3A_90 : memref<80x128xf32, #tpu.memory_space<hbm>>) target(%arg6 : memref<80x128xf32, #tpu.memory_space<vmem>>) target_semaphore(%arg10 : memref<!tpu.dma_semaphore, #tpu.memory_space<semaphore_mem>>)
    %scan3A_91 = arith.constant 0 : i32
    %scan3A_92 = arith.constant 0 : i32
    %scan3A_93 = arith.constant 62 : i32
    %scan3A_94 = arith.addi %scan3A_92, %scan3A_93 : i32
    %scan3A_95 = arith.constant 1 : i32
    scf.for %scan3A_148 = %scan3A_92 to %scan3A_94 step %scan3A_95  : i32 {
      %mul3A_149 = arith.constant 2 : i32
      %mul3A_150 = arith.muli %mul3A_149, %scan3A_148 : i32
      %add3A_151 = arith.constant 1 : i32
      %add3A_152 = arith.addi %mul3A_150, %add3A_151 : i32
      %mul3A_153 = arith.constant 80 : i32
      %mul3A_154 = arith.muli %add3A_152, %mul3A_153 : i32
      %add3A_155 = arith.addi %add3A_10, %mul3A_154 : i32
      %dma_start3A_156 = arith.constant 2 : i32
      %dma_start3A_157 = arith.constant 0 : i32
      %dma_start3A_158 = tpu.memref_slice %arg2[%dma_start3A_156, %add3A_155, %dma_start3A_157] : memref<4x320000x128xf32, #tpu.memory_space<hbm>> -> memref<1x80x128xf32, #tpu.memory_space<hbm>>
      %dma_start3A_159 = tpu.memref_squeeze %dma_start3A_158 : memref<1x80x128xf32, #tpu.memory_space<hbm>> -> memref<80x128xf32, #tpu.memory_space<hbm>>
      %dma_start3A_160 = arith.constant 0 : i32
      %dma_start3A_161 = tpu.memref_slice %arg2[%dma_start3A_156, %add3A_155, %dma_start3A_160] : memref<4x320000x128xf32, #tpu.memory_space<hbm>> -> memref<1x80x128xf32, #tpu.memory_space<hbm>>
      %dma_start3A_162 = tpu.memref_squeeze %dma_start3A_161 : memref<1x80x128xf32, #tpu.memory_space<hbm>> -> memref<80x128xf32, #tpu.memory_space<hbm>>
      tpu.enqueue_dma source(%dma_start3A_162 : memref<80x128xf32, #tpu.memory_space<hbm>>) target(%arg7 : memref<80x128xf32, #tpu.memory_space<vmem>>) target_semaphore(%arg11 : memref<!tpu.dma_semaphore, #tpu.memory_space<semaphore_mem>>)
      %dma_wait3A_163 = arith.constant 2 : i32
      %dma_wait3A_164 = arith.constant 0 : i32
      %dma_wait3A_165 = tpu.memref_slice %arg2[%dma_wait3A_163, %add3A_10, %dma_wait3A_164] : memref<4x320000x128xf32, #tpu.memory_space<hbm>> -> memref<1x80x128xf32, #tpu.memory_space<hbm>>
      %dma_wait3A_166 = tpu.memref_squeeze %dma_wait3A_165 : memref<1x80x128xf32, #tpu.memory_space<hbm>> -> memref<80x128xf32, #tpu.memory_space<hbm>>
      %dma_wait3A_167 = arith.constant 0 : i32
      %dma_wait3A_168 = tpu.memref_slice %arg2[%dma_wait3A_163, %add3A_10, %dma_wait3A_167] : memref<4x320000x128xf32, #tpu.memory_space<hbm>> -> memref<1x80x128xf32, #tpu.memory_space<hbm>>
      %dma_wait3A_169 = tpu.memref_squeeze %dma_wait3A_168 : memref<1x80x128xf32, #tpu.memory_space<hbm>> -> memref<80x128xf32, #tpu.memory_space<hbm>>
      tpu.wait_dma2 semaphore(%arg10 : memref<!tpu.dma_semaphore, #tpu.memory_space<semaphore_mem>>) src(%dma_wait3A_169 : memref<80x128xf32, #tpu.memory_space<hbm>>) dst(%arg6 : memref<80x128xf32, #tpu.memory_space<vmem>>)
      "tpu.region"() ({
        %run_scoped3A_191 = tpu.sem_alloc : memref<!tpu.dma_semaphore, #tpu.memory_space<semaphore_mem>>
        %dma_start3A_192 = arith.constant 0 : i32
        %dma_start3A_193 = tpu.memref_slice %arg5[%mul3A_150, %dma_start3A_192] : memref<125x80xi32, #tpu.memory_space<vmem>> -> memref<1x80xi32, #tpu.memory_space<vmem>>
        %dma_start3A_194 = tpu.memref_squeeze %dma_start3A_193 : memref<1x80xi32, #tpu.memory_space<vmem>> -> memref<80xi32, #tpu.memory_space<vmem>>
        %dma_start3A_195 = arith.constant 0 : i32
        %dma_start3A_196 = arith.constant 0 : i32
        %dma_start3A_197 = tpu.memref_slice %arg9[%dma_start3A_195, %dma_start3A_196] : memref<10000x128xf32, #tpu.memory_space<vmem_shared>> -> memref<10000x128xf32, #tpu.memory_space<vmem_shared>>
        tpu.enqueue_indirect_dma source(%arg6 : memref<80x128xf32, #tpu.memory_space<vmem>>) target(%dma_start3A_197 : memref<10000x128xf32, #tpu.memory_space<vmem_shared>>) offsets(%dma_start3A_194 : memref<80xi32, #tpu.memory_space<vmem>>) semaphore(%run_scoped3A_191 : memref<!tpu.dma_semaphore, #tpu.memory_space<semaphore_mem>>) {add = true}
        %dma_wait3A_198 = arith.constant 0 : i32
        %dma_wait3A_199 = tpu.memref_slice %arg5[%mul3A_150, %dma_wait3A_198] : memref<125x80xi32, #tpu.memory_space<vmem>> -> memref<1x80xi32, #tpu.memory_space<vmem>>
        %dma_wait3A_200 = tpu.memref_squeeze %dma_wait3A_199 : memref<1x80xi32, #tpu.memory_space<vmem>> -> memref<80xi32, #tpu.memory_space<vmem>>
        %dma_wait3A_201 = arith.constant 0 : i32
        %dma_wait3A_202 = arith.constant 0 : i32
        %dma_wait3A_203 = tpu.memref_slice %arg9[%dma_wait3A_201, %dma_wait3A_202] : memref<10000x128xf32, #tpu.memory_space<vmem_shared>> -> memref<10000x128xf32, #tpu.memory_space<vmem_shared>>
        tpu.wait_indirect_dma semaphore(%run_scoped3A_191 : memref<!tpu.dma_semaphore, #tpu.memory_space<semaphore_mem>>) src(%arg6 : memref<80x128xf32, #tpu.memory_space<vmem>>) dst(%dma_wait3A_203 : memref<10000x128xf32, #tpu.memory_space<vmem_shared>>)
        tpu.yield
      }) : () -> ()
      %add3A_170 = arith.constant 2 : i32
      %add3A_171 = arith.addi %mul3A_150, %add3A_170 : i32
      %mul3A_172 = arith.constant 80 : i32
      %mul3A_173 = arith.muli %add3A_171, %mul3A_172 : i32
      %add3A_174 = arith.addi %add3A_10, %mul3A_173 : i32
      %dma_start3A_175 = arith.constant 2 : i32
      %dma_start3A_176 = arith.constant 0 : i32
      %dma_start3A_177 = tpu.memref_slice %arg2[%dma_start3A_175, %add3A_174, %dma_start3A_176] : memref<4x320000x128xf32, #tpu.memory_space<hbm>> -> memref<1x80x128xf32, #tpu.memory_space<hbm>>
      %dma_start3A_178 = tpu.memref_squeeze %dma_start3A_177 : memref<1x80x128xf32, #tpu.memory_space<hbm>> -> memref<80x128xf32, #tpu.memory_space<hbm>>
      %dma_start3A_179 = arith.constant 0 : i32
      %dma_start3A_180 = tpu.memref_slice %arg2[%dma_start3A_175, %add3A_174, %dma_start3A_179] : memref<4x320000x128xf32, #tpu.memory_space<hbm>> -> memref<1x80x128xf32, #tpu.memory_space<hbm>>
      %dma_start3A_181 = tpu.memref_squeeze %dma_start3A_180 : memref<1x80x128xf32, #tpu.memory_space<hbm>> -> memref<80x128xf32, #tpu.memory_space<hbm>>
      tpu.enqueue_dma source(%dma_start3A_181 : memref<80x128xf32, #tpu.memory_space<hbm>>) target(%arg6 : memref<80x128xf32, #tpu.memory_space<vmem>>) target_semaphore(%arg10 : memref<!tpu.dma_semaphore, #tpu.memory_space<semaphore_mem>>)
      %dma_wait3A_182 = arith.constant 2 : i32
      %dma_wait3A_183 = arith.constant 0 : i32
      %dma_wait3A_184 = tpu.memref_slice %arg2[%dma_wait3A_182, %add3A_10, %dma_wait3A_183] : memref<4x320000x128xf32, #tpu.memory_space<hbm>> -> memref<1x80x128xf32, #tpu.memory_space<hbm>>
      %dma_wait3A_185 = tpu.memref_squeeze %dma_wait3A_184 : memref<1x80x128xf32, #tpu.memory_space<hbm>> -> memref<80x128xf32, #tpu.memory_space<hbm>>
      %dma_wait3A_186 = arith.constant 0 : i32
      %dma_wait3A_187 = tpu.memref_slice %arg2[%dma_wait3A_182, %add3A_10, %dma_wait3A_186] : memref<4x320000x128xf32, #tpu.memory_space<hbm>> -> memref<1x80x128xf32, #tpu.memory_space<hbm>>
      %dma_wait3A_188 = tpu.memref_squeeze %dma_wait3A_187 : memref<1x80x128xf32, #tpu.memory_space<hbm>> -> memref<80x128xf32, #tpu.memory_space<hbm>>
      tpu.wait_dma2 semaphore(%arg11 : memref<!tpu.dma_semaphore, #tpu.memory_space<semaphore_mem>>) src(%dma_wait3A_188 : memref<80x128xf32, #tpu.memory_space<hbm>>) dst(%arg7 : memref<80x128xf32, #tpu.memory_space<vmem>>)
      %add3A_189 = arith.constant 1 : i32
      %add3A_190 = arith.addi %mul3A_150, %add3A_189 : i32
      "tpu.region"() ({
        %run_scoped3A_191 = tpu.sem_alloc : memref<!tpu.dma_semaphore, #tpu.memory_space<semaphore_mem>>
        %dma_start3A_192 = arith.constant 0 : i32
        %dma_start3A_193 = tpu.memref_slice %arg5[%add3A_190, %dma_start3A_192] : memref<125x80xi32, #tpu.memory_space<vmem>> -> memref<1x80xi32, #tpu.memory_space<vmem>>
        %dma_start3A_194 = tpu.memref_squeeze %dma_start3A_193 : memref<1x80xi32, #tpu.memory_space<vmem>> -> memref<80xi32, #tpu.memory_space<vmem>>
        %dma_start3A_195 = arith.constant 0 : i32
        %dma_start3A_196 = arith.constant 0 : i32
        %dma_start3A_197 = tpu.memref_slice %arg9[%dma_start3A_195, %dma_start3A_196] : memref<10000x128xf32, #tpu.memory_space<vmem_shared>> -> memref<10000x128xf32, #tpu.memory_space<vmem_shared>>
        tpu.enqueue_indirect_dma source(%arg7 : memref<80x128xf32, #tpu.memory_space<vmem>>) target(%dma_start3A_197 : memref<10000x128xf32, #tpu.memory_space<vmem_shared>>) offsets(%dma_start3A_194 : memref<80xi32, #tpu.memory_space<vmem>>) semaphore(%run_scoped3A_191 : memref<!tpu.dma_semaphore, #tpu.memory_space<semaphore_mem>>) {add = true}
        %dma_wait3A_198 = arith.constant 0 : i32
        %dma_wait3A_199 = tpu.memref_slice %arg5[%add3A_190, %dma_wait3A_198] : memref<125x80xi32, #tpu.memory_space<vmem>> -> memref<1x80xi32, #tpu.memory_space<vmem>>
        %dma_wait3A_200 = tpu.memref_squeeze %dma_wait3A_199 : memref<1x80xi32, #tpu.memory_space<vmem>> -> memref<80xi32, #tpu.memory_space<vmem>>
        %dma_wait3A_201 = arith.constant 0 : i32
        %dma_wait3A_202 = arith.constant 0 : i32
        %dma_wait3A_203 = tpu.memref_slice %arg9[%dma_wait3A_201, %dma_wait3A_202] : memref<10000x128xf32, #tpu.memory_space<vmem_shared>> -> memref<10000x128xf32, #tpu.memory_space<vmem_shared>>
        tpu.wait_indirect_dma semaphore(%run_scoped3A_191 : memref<!tpu.dma_semaphore, #tpu.memory_space<semaphore_mem>>) src(%arg7 : memref<80x128xf32, #tpu.memory_space<vmem>>) dst(%dma_wait3A_203 : memref<10000x128xf32, #tpu.memory_space<vmem_shared>>)
        tpu.yield
      }) : () -> ()
    }
    %scan3A_96 = arith.constant 62 : i32
    %dma_wait3A_97 = arith.constant 2 : i32
    %dma_wait3A_98 = arith.constant 0 : i32
    %dma_wait3A_99 = tpu.memref_slice %arg2[%dma_wait3A_97, %add3A_10, %dma_wait3A_98] : memref<4x320000x128xf32, #tpu.memory_space<hbm>> -> memref<1x80x128xf32, #tpu.memory_space<hbm>>
    %dma_wait3A_100 = tpu.memref_squeeze %dma_wait3A_99 : memref<1x80x128xf32, #tpu.memory_space<hbm>> -> memref<80x128xf32, #tpu.memory_space<hbm>>
    %dma_wait3A_101 = arith.constant 0 : i32
    %dma_wait3A_102 = tpu.memref_slice %arg2[%dma_wait3A_97, %add3A_10, %dma_wait3A_101] : memref<4x320000x128xf32, #tpu.memory_space<hbm>> -> memref<1x80x128xf32, #tpu.memory_space<hbm>>
    %dma_wait3A_103 = tpu.memref_squeeze %dma_wait3A_102 : memref<1x80x128xf32, #tpu.memory_space<hbm>> -> memref<80x128xf32, #tpu.memory_space<hbm>>
    tpu.wait_dma2 semaphore(%arg10 : memref<!tpu.dma_semaphore, #tpu.memory_space<semaphore_mem>>) src(%dma_wait3A_103 : memref<80x128xf32, #tpu.memory_space<hbm>>) dst(%arg6 : memref<80x128xf32, #tpu.memory_space<vmem>>)
    %run_scoped3A_104 = arith.constant 124 : i32
    "tpu.region"() ({
      %run_scoped3A_148 = tpu.sem_alloc : memref<!tpu.dma_semaphore, #tpu.memory_space<semaphore_mem>>
      %dma_start3A_149 = arith.constant 0 : i32
      %dma_start3A_150 = tpu.memref_slice %arg5[%run_scoped3A_104, %dma_start3A_149] : memref<125x80xi32, #tpu.memory_space<vmem>> -> memref<1x80xi32, #tpu.memory_space<vmem>>
      %dma_start3A_151 = tpu.memref_squeeze %dma_start3A_150 : memref<1x80xi32, #tpu.memory_space<vmem>> -> memref<80xi32, #tpu.memory_space<vmem>>
      %dma_start3A_152 = arith.constant 0 : i32
      %dma_start3A_153 = arith.constant 0 : i32
      %dma_start3A_154 = tpu.memref_slice %arg9[%dma_start3A_152, %dma_start3A_153] : memref<10000x128xf32, #tpu.memory_space<vmem_shared>> -> memref<10000x128xf32, #tpu.memory_space<vmem_shared>>
      tpu.enqueue_indirect_dma source(%arg6 : memref<80x128xf32, #tpu.memory_space<vmem>>) target(%dma_start3A_154 : memref<10000x128xf32, #tpu.memory_space<vmem_shared>>) offsets(%dma_start3A_151 : memref<80xi32, #tpu.memory_space<vmem>>) semaphore(%run_scoped3A_148 : memref<!tpu.dma_semaphore, #tpu.memory_space<semaphore_mem>>) {add = true}
      %dma_wait3A_155 = arith.constant 0 : i32
      %dma_wait3A_156 = tpu.memref_slice %arg5[%run_scoped3A_104, %dma_wait3A_155] : memref<125x80xi32, #tpu.memory_space<vmem>> -> memref<1x80xi32, #tpu.memory_space<vmem>>
      %dma_wait3A_157 = tpu.memref_squeeze %dma_wait3A_156 : memref<1x80xi32, #tpu.memory_space<vmem>> -> memref<80xi32, #tpu.memory_space<vmem>>
      %dma_wait3A_158 = arith.constant 0 : i32
      %dma_wait3A_159 = arith.constant 0 : i32
      %dma_wait3A_160 = tpu.memref_slice %arg9[%dma_wait3A_158, %dma_wait3A_159] : memref<10000x128xf32, #tpu.memory_space<vmem_shared>> -> memref<10000x128xf32, #tpu.memory_space<vmem_shared>>
      tpu.wait_indirect_dma semaphore(%run_scoped3A_148 : memref<!tpu.dma_semaphore, #tpu.memory_space<semaphore_mem>>) src(%arg6 : memref<80x128xf32, #tpu.memory_space<vmem>>) dst(%dma_wait3A_160 : memref<10000x128xf32, #tpu.memory_space<vmem_shared>>)
      tpu.yield
    }) : () -> ()
    %barrier3A_105 = arith.constant 0 : index
    tpu.barrier barrier_id(%barrier3A_105)
    %lt3A_106 = arith.constant 10 : i32
    %lt3A_107 = arith.cmpi slt, %arg1, %lt3A_106 : i32
    %convert_element_type3A_108 = arith.extui %lt3A_107 : i1 to i32
    %cond3A_109 = arith.constant 0 : i32
    %cond3A_110 = arith.cmpi ne, %convert_element_type3A_108, %cond3A_109 : i32
    scf.if %cond3A_110 {
      %scan3A_148 = arith.constant 0 : i32
      %scan3A_149 = arith.constant 0 : i32
      %scan3A_150 = arith.constant 25 : i32
      %scan3A_151 = arith.addi %scan3A_149, %scan3A_150 : i32
      %scan3A_152 = arith.constant 1 : i32
      scf.for %scan3A_154 = %scan3A_149 to %scan3A_151 step %scan3A_152  : i32 {
        %mul3A_155 = arith.constant 1000 : i32
        %mul3A_156 = arith.muli %arg1, %mul3A_155 : i32
        %mul3A_157 = arith.constant 40 : i32
        %mul3A_158 = arith.muli %scan3A_154, %mul3A_157 : i32
        %add3A_159 = arith.addi %mul3A_156, %mul3A_158 : i32
        %run_scoped3A_160 = arith.constant 2 : i32
        "tpu.region"() ({
          %run_scoped3A_161 = tpu.sem_alloc : memref<!tpu.dma_semaphore, #tpu.memory_space<semaphore_mem>>
          %dma_start3A_162 = arith.constant 0 : i32
          %dma_start3A_163 = tpu.memref_slice %arg4[%run_scoped3A_160, %arg0, %add3A_159, %dma_start3A_162] : memref<4x2x10000x128xf32, #tpu.memory_space<hbm>> -> memref<1x1x40x128xf32, #tpu.memory_space<hbm>>
          %dma_start3A_164 = tpu.memref_squeeze %dma_start3A_163 : memref<1x1x40x128xf32, #tpu.memory_space<hbm>> -> memref<40x128xf32, #tpu.memory_space<hbm>>
          %dma_start3A_165 = arith.constant 0 : i32
          %dma_start3A_166 = tpu.memref_slice %arg9[%add3A_159, %dma_start3A_165] : memref<10000x128xf32, #tpu.memory_space<vmem_shared>> -> memref<40x128xf32, #tpu.memory_space<vmem_shared>>
          tpu.enqueue_dma source(%dma_start3A_166 : memref<40x128xf32, #tpu.memory_space<vmem_shared>>) target(%dma_start3A_164 : memref<40x128xf32, #tpu.memory_space<hbm>>) target_semaphore(%run_scoped3A_161 : memref<!tpu.dma_semaphore, #tpu.memory_space<semaphore_mem>>)
          %dma_wait3A_167 = arith.constant 0 : i32
          %dma_wait3A_168 = tpu.memref_slice %arg4[%run_scoped3A_160, %arg0, %add3A_159, %dma_wait3A_167] : memref<4x2x10000x128xf32, #tpu.memory_space<hbm>> -> memref<1x1x40x128xf32, #tpu.memory_space<hbm>>
          %dma_wait3A_169 = tpu.memref_squeeze %dma_wait3A_168 : memref<1x1x40x128xf32, #tpu.memory_space<hbm>> -> memref<40x128xf32, #tpu.memory_space<hbm>>
          %dma_wait3A_170 = arith.constant 0 : i32
          %dma_wait3A_171 = tpu.memref_slice %arg9[%add3A_159, %dma_wait3A_170] : memref<10000x128xf32, #tpu.memory_space<vmem_shared>> -> memref<40x128xf32, #tpu.memory_space<vmem_shared>>
          tpu.wait_dma2 semaphore(%run_scoped3A_161 : memref<!tpu.dma_semaphore, #tpu.memory_space<semaphore_mem>>) src(%dma_wait3A_171 : memref<40x128xf32, #tpu.memory_space<vmem_shared>>) dst(%dma_wait3A_169 : memref<40x128xf32, #tpu.memory_space<hbm>>)
          tpu.yield
        }) : () -> ()
      }
      %scan3A_153 = arith.constant 25 : i32
    } else {
    }
    %barrier3A_111 = arith.constant 0 : index
    tpu.barrier barrier_id(%barrier3A_111)
    %lt3A_112 = arith.constant 10 : i32
    %lt3A_113 = arith.cmpi slt, %arg1, %lt3A_112 : i32
    %convert_element_type3A_114 = arith.extui %lt3A_113 : i1 to i32
    %cond3A_115 = arith.constant 0 : i32
    %cond3A_116 = arith.cmpi ne, %convert_element_type3A_114, %cond3A_115 : i32
    scf.if %cond3A_116 {
      %scan3A_148 = arith.constant 0 : i32
      %scan3A_149 = arith.constant 0 : i32
      %scan3A_150 = arith.constant 25 : i32
      %scan3A_151 = arith.addi %scan3A_149, %scan3A_150 : i32
      %scan3A_152 = arith.constant 1 : i32
      scf.for %scan3A_154 = %scan3A_149 to %scan3A_151 step %scan3A_152  : i32 {
        %mul3A_155 = arith.constant 1000 : i32
        %mul3A_156 = arith.muli %arg1, %mul3A_155 : i32
        %mul3A_157 = arith.constant 40 : i32
        %mul3A_158 = arith.muli %scan3A_154, %mul3A_157 : i32
        %add3A_159 = arith.addi %mul3A_156, %mul3A_158 : i32
        "tpu.region"() ({
          %run_scoped3A_160 = tpu.sem_alloc : memref<!tpu.dma_semaphore, #tpu.memory_space<semaphore_mem>>
          %dma_start3A_161 = arith.constant 0 : i32
          %dma_start3A_162 = tpu.memref_slice %arg9[%add3A_159, %dma_start3A_161] : memref<10000x128xf32, #tpu.memory_space<vmem_shared>> -> memref<40x128xf32, #tpu.memory_space<vmem_shared>>
          %dma_start3A_163 = arith.constant 0 : i32
          %dma_start3A_164 = tpu.memref_slice %arg9[%add3A_159, %dma_start3A_163] : memref<10000x128xf32, #tpu.memory_space<vmem_shared>> -> memref<40x128xf32, #tpu.memory_space<vmem_shared>>
          tpu.enqueue_dma source(%arg8 : memref<40x128xf32, #tpu.memory_space<vmem>>) target(%dma_start3A_164 : memref<40x128xf32, #tpu.memory_space<vmem_shared>>) target_semaphore(%run_scoped3A_160 : memref<!tpu.dma_semaphore, #tpu.memory_space<semaphore_mem>>)
          %dma_wait3A_165 = arith.constant 0 : i32
          %dma_wait3A_166 = tpu.memref_slice %arg9[%add3A_159, %dma_wait3A_165] : memref<10000x128xf32, #tpu.memory_space<vmem_shared>> -> memref<40x128xf32, #tpu.memory_space<vmem_shared>>
          %dma_wait3A_167 = arith.constant 0 : i32
          %dma_wait3A_168 = tpu.memref_slice %arg9[%add3A_159, %dma_wait3A_167] : memref<10000x128xf32, #tpu.memory_space<vmem_shared>> -> memref<40x128xf32, #tpu.memory_space<vmem_shared>>
          tpu.wait_dma2 semaphore(%run_scoped3A_160 : memref<!tpu.dma_semaphore, #tpu.memory_space<semaphore_mem>>) src(%arg8 : memref<40x128xf32, #tpu.memory_space<vmem>>) dst(%dma_wait3A_168 : memref<40x128xf32, #tpu.memory_space<vmem_shared>>)
          tpu.yield
        }) : () -> ()
      }
      %scan3A_153 = arith.constant 25 : i32
    } else {
    }
    %barrier3A_117 = arith.constant 0 : index
    tpu.barrier barrier_id(%barrier3A_117)
    %add3A_118 = arith.constant 0 : i32
    %add3A_119 = arith.addi %add3A_10, %add3A_118 : i32
    %dma_start3A_120 = arith.constant 3 : i32
    %dma_start3A_121 = arith.constant 0 : i32
    %dma_start3A_122 = tpu.memref_slice %arg2[%dma_start3A_120, %add3A_119, %dma_start3A_121] : memref<4x320000x128xf32, #tpu.memory_space<hbm>> -> memref<1x80x128xf32, #tpu.memory_space<hbm>>
    %dma_start3A_123 = tpu.memref_squeeze %dma_start3A_122 : memref<1x80x128xf32, #tpu.memory_space<hbm>> -> memref<80x128xf32, #tpu.memory_space<hbm>>
    %dma_start3A_124 = arith.constant 0 : i32
    %dma_start3A_125 = tpu.memref_slice %arg2[%dma_start3A_120, %add3A_119, %dma_start3A_124] : memref<4x320000x128xf32, #tpu.memory_space<hbm>> -> memref<1x80x128xf32, #tpu.memory_space<hbm>>
    %dma_start3A_126 = tpu.memref_squeeze %dma_start3A_125 : memref<1x80x128xf32, #tpu.memory_space<hbm>> -> memref<80x128xf32, #tpu.memory_space<hbm>>
    tpu.enqueue_dma source(%dma_start3A_126 : memref<80x128xf32, #tpu.memory_space<hbm>>) target(%arg6 : memref<80x128xf32, #tpu.memory_space<vmem>>) target_semaphore(%arg10 : memref<!tpu.dma_semaphore, #tpu.memory_space<semaphore_mem>>)
    %scan3A_127 = arith.constant 0 : i32
    %scan3A_128 = arith.constant 0 : i32
    %scan3A_129 = arith.constant 62 : i32
    %scan3A_130 = arith.addi %scan3A_128, %scan3A_129 : i32
    %scan3A_131 = arith.constant 1 : i32
    scf.for %scan3A_148 = %scan3A_128 to %scan3A_130 step %scan3A_131  : i32 {
      %mul3A_149 = arith.constant 2 : i32
      %mul3A_150 = arith.muli %mul3A_149, %scan3A_148 : i32
      %add3A_151 = arith.constant 1 : i32
      %add3A_152 = arith.addi %mul3A_150, %add3A_151 : i32
      %mul3A_153 = arith.constant 80 : i32
      %mul3A_154 = arith.muli %add3A_152, %mul3A_153 : i32
      %add3A_155 = arith.addi %add3A_10, %mul3A_154 : i32
      %dma_start3A_156 = arith.constant 3 : i32
      %dma_start3A_157 = arith.constant 0 : i32
      %dma_start3A_158 = tpu.memref_slice %arg2[%dma_start3A_156, %add3A_155, %dma_start3A_157] : memref<4x320000x128xf32, #tpu.memory_space<hbm>> -> memref<1x80x128xf32, #tpu.memory_space<hbm>>
      %dma_start3A_159 = tpu.memref_squeeze %dma_start3A_158 : memref<1x80x128xf32, #tpu.memory_space<hbm>> -> memref<80x128xf32, #tpu.memory_space<hbm>>
      %dma_start3A_160 = arith.constant 0 : i32
      %dma_start3A_161 = tpu.memref_slice %arg2[%dma_start3A_156, %add3A_155, %dma_start3A_160] : memref<4x320000x128xf32, #tpu.memory_space<hbm>> -> memref<1x80x128xf32, #tpu.memory_space<hbm>>
      %dma_start3A_162 = tpu.memref_squeeze %dma_start3A_161 : memref<1x80x128xf32, #tpu.memory_space<hbm>> -> memref<80x128xf32, #tpu.memory_space<hbm>>
      tpu.enqueue_dma source(%dma_start3A_162 : memref<80x128xf32, #tpu.memory_space<hbm>>) target(%arg7 : memref<80x128xf32, #tpu.memory_space<vmem>>) target_semaphore(%arg11 : memref<!tpu.dma_semaphore, #tpu.memory_space<semaphore_mem>>)
      %dma_wait3A_163 = arith.constant 3 : i32
      %dma_wait3A_164 = arith.constant 0 : i32
      %dma_wait3A_165 = tpu.memref_slice %arg2[%dma_wait3A_163, %add3A_10, %dma_wait3A_164] : memref<4x320000x128xf32, #tpu.memory_space<hbm>> -> memref<1x80x128xf32, #tpu.memory_space<hbm>>
      %dma_wait3A_166 = tpu.memref_squeeze %dma_wait3A_165 : memref<1x80x128xf32, #tpu.memory_space<hbm>> -> memref<80x128xf32, #tpu.memory_space<hbm>>
      %dma_wait3A_167 = arith.constant 0 : i32
      %dma_wait3A_168 = tpu.memref_slice %arg2[%dma_wait3A_163, %add3A_10, %dma_wait3A_167] : memref<4x320000x128xf32, #tpu.memory_space<hbm>> -> memref<1x80x128xf32, #tpu.memory_space<hbm>>
      %dma_wait3A_169 = tpu.memref_squeeze %dma_wait3A_168 : memref<1x80x128xf32, #tpu.memory_space<hbm>> -> memref<80x128xf32, #tpu.memory_space<hbm>>
      tpu.wait_dma2 semaphore(%arg10 : memref<!tpu.dma_semaphore, #tpu.memory_space<semaphore_mem>>) src(%dma_wait3A_169 : memref<80x128xf32, #tpu.memory_space<hbm>>) dst(%arg6 : memref<80x128xf32, #tpu.memory_space<vmem>>)
      "tpu.region"() ({
        %run_scoped3A_191 = tpu.sem_alloc : memref<!tpu.dma_semaphore, #tpu.memory_space<semaphore_mem>>
        %dma_start3A_192 = arith.constant 0 : i32
        %dma_start3A_193 = tpu.memref_slice %arg5[%mul3A_150, %dma_start3A_192] : memref<125x80xi32, #tpu.memory_space<vmem>> -> memref<1x80xi32, #tpu.memory_space<vmem>>
        %dma_start3A_194 = tpu.memref_squeeze %dma_start3A_193 : memref<1x80xi32, #tpu.memory_space<vmem>> -> memref<80xi32, #tpu.memory_space<vmem>>
        %dma_start3A_195 = arith.constant 0 : i32
        %dma_start3A_196 = arith.constant 0 : i32
        %dma_start3A_197 = tpu.memref_slice %arg9[%dma_start3A_195, %dma_start3A_196] : memref<10000x128xf32, #tpu.memory_space<vmem_shared>> -> memref<10000x128xf32, #tpu.memory_space<vmem_shared>>
        tpu.enqueue_indirect_dma source(%arg6 : memref<80x128xf32, #tpu.memory_space<vmem>>) target(%dma_start3A_197 : memref<10000x128xf32, #tpu.memory_space<vmem_shared>>) offsets(%dma_start3A_194 : memref<80xi32, #tpu.memory_space<vmem>>) semaphore(%run_scoped3A_191 : memref<!tpu.dma_semaphore, #tpu.memory_space<semaphore_mem>>) {add = true}
        %dma_wait3A_198 = arith.constant 0 : i32
        %dma_wait3A_199 = tpu.memref_slice %arg5[%mul3A_150, %dma_wait3A_198] : memref<125x80xi32, #tpu.memory_space<vmem>> -> memref<1x80xi32, #tpu.memory_space<vmem>>
        %dma_wait3A_200 = tpu.memref_squeeze %dma_wait3A_199 : memref<1x80xi32, #tpu.memory_space<vmem>> -> memref<80xi32, #tpu.memory_space<vmem>>
        %dma_wait3A_201 = arith.constant 0 : i32
        %dma_wait3A_202 = arith.constant 0 : i32
        %dma_wait3A_203 = tpu.memref_slice %arg9[%dma_wait3A_201, %dma_wait3A_202] : memref<10000x128xf32, #tpu.memory_space<vmem_shared>> -> memref<10000x128xf32, #tpu.memory_space<vmem_shared>>
        tpu.wait_indirect_dma semaphore(%run_scoped3A_191 : memref<!tpu.dma_semaphore, #tpu.memory_space<semaphore_mem>>) src(%arg6 : memref<80x128xf32, #tpu.memory_space<vmem>>) dst(%dma_wait3A_203 : memref<10000x128xf32, #tpu.memory_space<vmem_shared>>)
        tpu.yield
      }) : () -> ()
      %add3A_170 = arith.constant 2 : i32
      %add3A_171 = arith.addi %mul3A_150, %add3A_170 : i32
      %mul3A_172 = arith.constant 80 : i32
      %mul3A_173 = arith.muli %add3A_171, %mul3A_172 : i32
      %add3A_174 = arith.addi %add3A_10, %mul3A_173 : i32
      %dma_start3A_175 = arith.constant 3 : i32
      %dma_start3A_176 = arith.constant 0 : i32
      %dma_start3A_177 = tpu.memref_slice %arg2[%dma_start3A_175, %add3A_174, %dma_start3A_176] : memref<4x320000x128xf32, #tpu.memory_space<hbm>> -> memref<1x80x128xf32, #tpu.memory_space<hbm>>
      %dma_start3A_178 = tpu.memref_squeeze %dma_start3A_177 : memref<1x80x128xf32, #tpu.memory_space<hbm>> -> memref<80x128xf32, #tpu.memory_space<hbm>>
      %dma_start3A_179 = arith.constant 0 : i32
      %dma_start3A_180 = tpu.memref_slice %arg2[%dma_start3A_175, %add3A_174, %dma_start3A_179] : memref<4x320000x128xf32, #tpu.memory_space<hbm>> -> memref<1x80x128xf32, #tpu.memory_space<hbm>>
      %dma_start3A_181 = tpu.memref_squeeze %dma_start3A_180 : memref<1x80x128xf32, #tpu.memory_space<hbm>> -> memref<80x128xf32, #tpu.memory_space<hbm>>
      tpu.enqueue_dma source(%dma_start3A_181 : memref<80x128xf32, #tpu.memory_space<hbm>>) target(%arg6 : memref<80x128xf32, #tpu.memory_space<vmem>>) target_semaphore(%arg10 : memref<!tpu.dma_semaphore, #tpu.memory_space<semaphore_mem>>)
      %dma_wait3A_182 = arith.constant 3 : i32
      %dma_wait3A_183 = arith.constant 0 : i32
      %dma_wait3A_184 = tpu.memref_slice %arg2[%dma_wait3A_182, %add3A_10, %dma_wait3A_183] : memref<4x320000x128xf32, #tpu.memory_space<hbm>> -> memref<1x80x128xf32, #tpu.memory_space<hbm>>
      %dma_wait3A_185 = tpu.memref_squeeze %dma_wait3A_184 : memref<1x80x128xf32, #tpu.memory_space<hbm>> -> memref<80x128xf32, #tpu.memory_space<hbm>>
      %dma_wait3A_186 = arith.constant 0 : i32
      %dma_wait3A_187 = tpu.memref_slice %arg2[%dma_wait3A_182, %add3A_10, %dma_wait3A_186] : memref<4x320000x128xf32, #tpu.memory_space<hbm>> -> memref<1x80x128xf32, #tpu.memory_space<hbm>>
      %dma_wait3A_188 = tpu.memref_squeeze %dma_wait3A_187 : memref<1x80x128xf32, #tpu.memory_space<hbm>> -> memref<80x128xf32, #tpu.memory_space<hbm>>
      tpu.wait_dma2 semaphore(%arg11 : memref<!tpu.dma_semaphore, #tpu.memory_space<semaphore_mem>>) src(%dma_wait3A_188 : memref<80x128xf32, #tpu.memory_space<hbm>>) dst(%arg7 : memref<80x128xf32, #tpu.memory_space<vmem>>)
      %add3A_189 = arith.constant 1 : i32
      %add3A_190 = arith.addi %mul3A_150, %add3A_189 : i32
      "tpu.region"() ({
        %run_scoped3A_191 = tpu.sem_alloc : memref<!tpu.dma_semaphore, #tpu.memory_space<semaphore_mem>>
        %dma_start3A_192 = arith.constant 0 : i32
        %dma_start3A_193 = tpu.memref_slice %arg5[%add3A_190, %dma_start3A_192] : memref<125x80xi32, #tpu.memory_space<vmem>> -> memref<1x80xi32, #tpu.memory_space<vmem>>
        %dma_start3A_194 = tpu.memref_squeeze %dma_start3A_193 : memref<1x80xi32, #tpu.memory_space<vmem>> -> memref<80xi32, #tpu.memory_space<vmem>>
        %dma_start3A_195 = arith.constant 0 : i32
        %dma_start3A_196 = arith.constant 0 : i32
        %dma_start3A_197 = tpu.memref_slice %arg9[%dma_start3A_195, %dma_start3A_196] : memref<10000x128xf32, #tpu.memory_space<vmem_shared>> -> memref<10000x128xf32, #tpu.memory_space<vmem_shared>>
        tpu.enqueue_indirect_dma source(%arg7 : memref<80x128xf32, #tpu.memory_space<vmem>>) target(%dma_start3A_197 : memref<10000x128xf32, #tpu.memory_space<vmem_shared>>) offsets(%dma_start3A_194 : memref<80xi32, #tpu.memory_space<vmem>>) semaphore(%run_scoped3A_191 : memref<!tpu.dma_semaphore, #tpu.memory_space<semaphore_mem>>) {add = true}
        %dma_wait3A_198 = arith.constant 0 : i32
        %dma_wait3A_199 = tpu.memref_slice %arg5[%add3A_190, %dma_wait3A_198] : memref<125x80xi32, #tpu.memory_space<vmem>> -> memref<1x80xi32, #tpu.memory_space<vmem>>
        %dma_wait3A_200 = tpu.memref_squeeze %dma_wait3A_199 : memref<1x80xi32, #tpu.memory_space<vmem>> -> memref<80xi32, #tpu.memory_space<vmem>>
        %dma_wait3A_201 = arith.constant 0 : i32
        %dma_wait3A_202 = arith.constant 0 : i32
        %dma_wait3A_203 = tpu.memref_slice %arg9[%dma_wait3A_201, %dma_wait3A_202] : memref<10000x128xf32, #tpu.memory_space<vmem_shared>> -> memref<10000x128xf32, #tpu.memory_space<vmem_shared>>
        tpu.wait_indirect_dma semaphore(%run_scoped3A_191 : memref<!tpu.dma_semaphore, #tpu.memory_space<semaphore_mem>>) src(%arg7 : memref<80x128xf32, #tpu.memory_space<vmem>>) dst(%dma_wait3A_203 : memref<10000x128xf32, #tpu.memory_space<vmem_shared>>)
        tpu.yield
      }) : () -> ()
    }
    %scan3A_132 = arith.constant 62 : i32
    %dma_wait3A_133 = arith.constant 3 : i32
    %dma_wait3A_134 = arith.constant 0 : i32
    %dma_wait3A_135 = tpu.memref_slice %arg2[%dma_wait3A_133, %add3A_10, %dma_wait3A_134] : memref<4x320000x128xf32, #tpu.memory_space<hbm>> -> memref<1x80x128xf32, #tpu.memory_space<hbm>>
    %dma_wait3A_136 = tpu.memref_squeeze %dma_wait3A_135 : memref<1x80x128xf32, #tpu.memory_space<hbm>> -> memref<80x128xf32, #tpu.memory_space<hbm>>
    %dma_wait3A_137 = arith.constant 0 : i32
    %dma_wait3A_138 = tpu.memref_slice %arg2[%dma_wait3A_133, %add3A_10, %dma_wait3A_137] : memref<4x320000x128xf32, #tpu.memory_space<hbm>> -> memref<1x80x128xf32, #tpu.memory_space<hbm>>
    %dma_wait3A_139 = tpu.memref_squeeze %dma_wait3A_138 : memref<1x80x128xf32, #tpu.memory_space<hbm>> -> memref<80x128xf32, #tpu.memory_space<hbm>>
    tpu.wait_dma2 semaphore(%arg10 : memref<!tpu.dma_semaphore, #tpu.memory_space<semaphore_mem>>) src(%dma_wait3A_139 : memref<80x128xf32, #tpu.memory_space<hbm>>) dst(%arg6 : memref<80x128xf32, #tpu.memory_space<vmem>>)
    %run_scoped3A_140 = arith.constant 124 : i32
    "tpu.region"() ({
      %run_scoped3A_148 = tpu.sem_alloc : memref<!tpu.dma_semaphore, #tpu.memory_space<semaphore_mem>>
      %dma_start3A_149 = arith.constant 0 : i32
      %dma_start3A_150 = tpu.memref_slice %arg5[%run_scoped3A_140, %dma_start3A_149] : memref<125x80xi32, #tpu.memory_space<vmem>> -> memref<1x80xi32, #tpu.memory_space<vmem>>
      %dma_start3A_151 = tpu.memref_squeeze %dma_start3A_150 : memref<1x80xi32, #tpu.memory_space<vmem>> -> memref<80xi32, #tpu.memory_space<vmem>>
      %dma_start3A_152 = arith.constant 0 : i32
      %dma_start3A_153 = arith.constant 0 : i32
      %dma_start3A_154 = tpu.memref_slice %arg9[%dma_start3A_152, %dma_start3A_153] : memref<10000x128xf32, #tpu.memory_space<vmem_shared>> -> memref<10000x128xf32, #tpu.memory_space<vmem_shared>>
      tpu.enqueue_indirect_dma source(%arg6 : memref<80x128xf32, #tpu.memory_space<vmem>>) target(%dma_start3A_154 : memref<10000x128xf32, #tpu.memory_space<vmem_shared>>) offsets(%dma_start3A_151 : memref<80xi32, #tpu.memory_space<vmem>>) semaphore(%run_scoped3A_148 : memref<!tpu.dma_semaphore, #tpu.memory_space<semaphore_mem>>) {add = true}
      %dma_wait3A_155 = arith.constant 0 : i32
      %dma_wait3A_156 = tpu.memref_slice %arg5[%run_scoped3A_140, %dma_wait3A_155] : memref<125x80xi32, #tpu.memory_space<vmem>> -> memref<1x80xi32, #tpu.memory_space<vmem>>
      %dma_wait3A_157 = tpu.memref_squeeze %dma_wait3A_156 : memref<1x80xi32, #tpu.memory_space<vmem>> -> memref<80xi32, #tpu.memory_space<vmem>>
      %dma_wait3A_158 = arith.constant 0 : i32
      %dma_wait3A_159 = arith.constant 0 : i32
      %dma_wait3A_160 = tpu.memref_slice %arg9[%dma_wait3A_158, %dma_wait3A_159] : memref<10000x128xf32, #tpu.memory_space<vmem_shared>> -> memref<10000x128xf32, #tpu.memory_space<vmem_shared>>
      tpu.wait_indirect_dma semaphore(%run_scoped3A_148 : memref<!tpu.dma_semaphore, #tpu.memory_space<semaphore_mem>>) src(%arg6 : memref<80x128xf32, #tpu.memory_space<vmem>>) dst(%dma_wait3A_160 : memref<10000x128xf32, #tpu.memory_space<vmem_shared>>)
      tpu.yield
    }) : () -> ()
    %barrier3A_141 = arith.constant 0 : index
    tpu.barrier barrier_id(%barrier3A_141)
    %lt3A_142 = arith.constant 10 : i32
    %lt3A_143 = arith.cmpi slt, %arg1, %lt3A_142 : i32
    %convert_element_type3A_144 = arith.extui %lt3A_143 : i1 to i32
    %cond3A_145 = arith.constant 0 : i32
    %cond3A_146 = arith.cmpi ne, %convert_element_type3A_144, %cond3A_145 : i32
    scf.if %cond3A_146 {
      %scan3A_148 = arith.constant 0 : i32
      %scan3A_149 = arith.constant 0 : i32
      %scan3A_150 = arith.constant 25 : i32
      %scan3A_151 = arith.addi %scan3A_149, %scan3A_150 : i32
      %scan3A_152 = arith.constant 1 : i32
      scf.for %scan3A_154 = %scan3A_149 to %scan3A_151 step %scan3A_152  : i32 {
        %mul3A_155 = arith.constant 1000 : i32
        %mul3A_156 = arith.muli %arg1, %mul3A_155 : i32
        %mul3A_157 = arith.constant 40 : i32
        %mul3A_158 = arith.muli %scan3A_154, %mul3A_157 : i32
        %add3A_159 = arith.addi %mul3A_156, %mul3A_158 : i32
        %run_scoped3A_160 = arith.constant 3 : i32
        "tpu.region"() ({
          %run_scoped3A_161 = tpu.sem_alloc : memref<!tpu.dma_semaphore, #tpu.memory_space<semaphore_mem>>
          %dma_start3A_162 = arith.constant 0 : i32
          %dma_start3A_163 = tpu.memref_slice %arg4[%run_scoped3A_160, %arg0, %add3A_159, %dma_start3A_162] : memref<4x2x10000x128xf32, #tpu.memory_space<hbm>> -> memref<1x1x40x128xf32, #tpu.memory_space<hbm>>
          %dma_start3A_164 = tpu.memref_squeeze %dma_start3A_163 : memref<1x1x40x128xf32, #tpu.memory_space<hbm>> -> memref<40x128xf32, #tpu.memory_space<hbm>>
          %dma_start3A_165 = arith.constant 0 : i32
          %dma_start3A_166 = tpu.memref_slice %arg9[%add3A_159, %dma_start3A_165] : memref<10000x128xf32, #tpu.memory_space<vmem_shared>> -> memref<40x128xf32, #tpu.memory_space<vmem_shared>>
          tpu.enqueue_dma source(%dma_start3A_166 : memref<40x128xf32, #tpu.memory_space<vmem_shared>>) target(%dma_start3A_164 : memref<40x128xf32, #tpu.memory_space<hbm>>) target_semaphore(%run_scoped3A_161 : memref<!tpu.dma_semaphore, #tpu.memory_space<semaphore_mem>>)
          %dma_wait3A_167 = arith.constant 0 : i32
          %dma_wait3A_168 = tpu.memref_slice %arg4[%run_scoped3A_160, %arg0, %add3A_159, %dma_wait3A_167] : memref<4x2x10000x128xf32, #tpu.memory_space<hbm>> -> memref<1x1x40x128xf32, #tpu.memory_space<hbm>>
          %dma_wait3A_169 = tpu.memref_squeeze %dma_wait3A_168 : memref<1x1x40x128xf32, #tpu.memory_space<hbm>> -> memref<40x128xf32, #tpu.memory_space<hbm>>
          %dma_wait3A_170 = arith.constant 0 : i32
          %dma_wait3A_171 = tpu.memref_slice %arg9[%add3A_159, %dma_wait3A_170] : memref<10000x128xf32, #tpu.memory_space<vmem_shared>> -> memref<40x128xf32, #tpu.memory_space<vmem_shared>>
          tpu.wait_dma2 semaphore(%run_scoped3A_161 : memref<!tpu.dma_semaphore, #tpu.memory_space<semaphore_mem>>) src(%dma_wait3A_171 : memref<40x128xf32, #tpu.memory_space<vmem_shared>>) dst(%dma_wait3A_169 : memref<40x128xf32, #tpu.memory_space<hbm>>)
          tpu.yield
        }) : () -> ()
      }
      %scan3A_153 = arith.constant 25 : i32
    } else {
    }
    %barrier3A_147 = arith.constant 0 : index
    tpu.barrier barrier_id(%barrier3A_147)
    return
  }
}

module attributes {stable_mosaic.version = 14 : i64} {
  func.func @_tables_tc(%arg0: i32, %arg1: memref<4x2000x128xf32, #tpu.memory_space<vmem>>, %arg2: memref<128x128xf32, #tpu.memory_space<vmem>>, %arg3: memref<128x128xf32, #tpu.memory_space<vmem>>, %arg4: memref<2000x256xi32, #tpu.memory_space<vmem>>, %arg5: memref<2000x256xi32, #tpu.memory_space<vmem>>) attributes {dimension_semantics = [#tpu.dimension_semantics<arbitrary>], iteration_bounds = array<i64: 5>, scalar_prefetch = 0 : i64, scratch_operands = 0 : i64, tpu.core_type = #tpu.core_type<tc>, window_params = [{transform_indices = @transform_0, window_bounds = array<i64: 4, 2000, 128>}, {pipeline_mode = #tpu.pipeline_mode<synchronous>, transform_indices = @transform_1, window_bounds = array<i64: 128, 128>}, {pipeline_mode = #tpu.pipeline_mode<synchronous>, transform_indices = @transform_2, window_bounds = array<i64: 128, 128>}, {transform_indices = @transform_3, window_bounds = array<i64: 2000, 256>}, {transform_indices = @transform_4, window_bounds = array<i64: 2000, 256>}]} {
    %get3A = arith.constant 0 : index
    %get3A_0 = arith.constant 0 : index
    %get3A_1 = arith.constant 0 : index
    %get3A_2 = vector.load %arg1[%get3A, %get3A_0, %get3A_1] : memref<4x2000x128xf32, #tpu.memory_space<vmem>>, vector<1x2000x128xf32>
    %get3A_3 = vector.shape_cast %get3A_2 : vector<1x2000x128xf32> to vector<2000x128xf32>
    %get3A_4 = arith.constant 0 : index
    %get3A_5 = arith.constant 0 : index
    %get3A_6 = vector.load %arg2[%get3A_4, %get3A_5] : memref<128x128xf32, #tpu.memory_space<vmem>>, vector<128x128xf32>
    %dot_general3A = arith.constant dense<0.000000e+00> : vector<2000x128xf32>
    %dot_general3A_7 = tpu.matmul %get3A_3, %get3A_6, %dot_general3A {dimension_numbers = #tpu.dot_dimension_numbers<[1], [0], [0], [1], [0, 0, 1, 1], [], []>, transpose_lhs_hint = false} : vector<2000x128xf32>, vector<128x128xf32>, vector<2000x128xf32> -> vector<2000x128xf32>
    %get3A_8 = arith.constant 0 : index
    %get3A_9 = arith.constant 0 : index
    %get3A_10 = vector.load %arg3[%get3A_8, %get3A_9] : memref<128x128xf32, #tpu.memory_space<vmem>>, vector<128x128xf32>
    %dot_general3A_11 = arith.constant dense<0.000000e+00> : vector<2000x128xf32>
    %dot_general3A_12 = tpu.matmul %get3A_3, %get3A_10, %dot_general3A_11 {dimension_numbers = #tpu.dot_dimension_numbers<[1], [0], [0], [1], [0, 0, 1, 1], [], []>, transpose_lhs_hint = false} : vector<2000x128xf32>, vector<128x128xf32>, vector<2000x128xf32> -> vector<2000x128xf32>
    %bitcast_convert_type3A = tpu.bitcast %dot_general3A_7 : vector<2000x128xf32> -> vector<2000x128xi32>
    %add3A = arith.constant 32767 : i32
    %add3A_13 = vector.broadcast %add3A : i32 to vector<2000x128xi32>
    %add3A_14 = arith.addi %bitcast_convert_type3A, %add3A_13 : vector<2000x128xi32>
    %shift_right_logical3A = arith.constant 16 : i32
    %shift_right_logical3A_15 = vector.broadcast %shift_right_logical3A : i32 to vector<2000x128xi32>
    %shift_right_logical3A_16 = arith.shrui %bitcast_convert_type3A, %shift_right_logical3A_15 : vector<2000x128xi32>
    %and3A = arith.constant 1 : i32
    %and3A_17 = vector.broadcast %and3A : i32 to vector<2000x128xi32>
    %and3A_18 = arith.andi %shift_right_logical3A_16, %and3A_17 : vector<2000x128xi32>
    %add3A_19 = arith.addi %add3A_14, %and3A_18 : vector<2000x128xi32>
    %shift_right_logical3A_20 = arith.constant 16 : i32
    %shift_right_logical3A_21 = vector.broadcast %shift_right_logical3A_20 : i32 to vector<2000x128xi32>
    %shift_right_logical3A_22 = arith.shrui %add3A_19, %shift_right_logical3A_21 : vector<2000x128xi32>
    %slice3A = vector.extract_strided_slice %shift_right_logical3A_22 {offsets = [0, 0], sizes = [2000, 64], strides = [1, 1]} : vector<2000x128xi32> to vector<2000x64xi32>
    %slice3A_23 = vector.extract_strided_slice %shift_right_logical3A_22 {offsets = [0, 64], sizes = [2000, 64], strides = [1, 1]} : vector<2000x128xi32> to vector<2000x64xi32>
    %shift_left3A = arith.constant 16 : i32
    %shift_left3A_24 = vector.broadcast %shift_left3A : i32 to vector<2000x64xi32>
    %shift_left3A_25 = arith.shli %slice3A_23, %shift_left3A_24 : vector<2000x64xi32>
    %or3A = arith.ori %slice3A, %shift_left3A_25 : vector<2000x64xi32>
    %swap3A = arith.constant 0 : index
    %swap3A_26 = arith.constant 0 : index
    %swap3A_27 = vector.load %arg4[%swap3A, %swap3A_26] : memref<2000x256xi32, #tpu.memory_space<vmem>>, vector<2000x64xi32>
    tpu.vector_store %arg4[%swap3A, %swap3A_26], %or3A {strides = array<i32>} : memref<2000x256xi32, #tpu.memory_space<vmem>>, vector<2000x64xi32>,
    %bitcast_convert_type3A_28 = tpu.bitcast %dot_general3A_12 : vector<2000x128xf32> -> vector<2000x128xi32>
    %add3A_29 = arith.constant 32767 : i32
    %add3A_30 = vector.broadcast %add3A_29 : i32 to vector<2000x128xi32>
    %add3A_31 = arith.addi %bitcast_convert_type3A_28, %add3A_30 : vector<2000x128xi32>
    %shift_right_logical3A_32 = arith.constant 16 : i32
    %shift_right_logical3A_33 = vector.broadcast %shift_right_logical3A_32 : i32 to vector<2000x128xi32>
    %shift_right_logical3A_34 = arith.shrui %bitcast_convert_type3A_28, %shift_right_logical3A_33 : vector<2000x128xi32>
    %and3A_35 = arith.constant 1 : i32
    %and3A_36 = vector.broadcast %and3A_35 : i32 to vector<2000x128xi32>
    %and3A_37 = arith.andi %shift_right_logical3A_34, %and3A_36 : vector<2000x128xi32>
    %add3A_38 = arith.addi %add3A_31, %and3A_37 : vector<2000x128xi32>
    %shift_right_logical3A_39 = arith.constant 16 : i32
    %shift_right_logical3A_40 = vector.broadcast %shift_right_logical3A_39 : i32 to vector<2000x128xi32>
    %shift_right_logical3A_41 = arith.shrui %add3A_38, %shift_right_logical3A_40 : vector<2000x128xi32>
    %slice3A_42 = vector.extract_strided_slice %shift_right_logical3A_41 {offsets = [0, 0], sizes = [2000, 64], strides = [1, 1]} : vector<2000x128xi32> to vector<2000x64xi32>
    %slice3A_43 = vector.extract_strided_slice %shift_right_logical3A_41 {offsets = [0, 64], sizes = [2000, 64], strides = [1, 1]} : vector<2000x128xi32> to vector<2000x64xi32>
    %shift_left3A_44 = arith.constant 16 : i32
    %shift_left3A_45 = vector.broadcast %shift_left3A_44 : i32 to vector<2000x64xi32>
    %shift_left3A_46 = arith.shli %slice3A_43, %shift_left3A_45 : vector<2000x64xi32>
    %or3A_47 = arith.ori %slice3A_42, %shift_left3A_46 : vector<2000x64xi32>
    %swap3A_48 = arith.constant 0 : index
    %swap3A_49 = arith.constant 0 : index
    %swap3A_50 = vector.load %arg5[%swap3A_48, %swap3A_49] : memref<2000x256xi32, #tpu.memory_space<vmem>>, vector<2000x64xi32>
    tpu.vector_store %arg5[%swap3A_48, %swap3A_49], %or3A_47 {strides = array<i32>} : memref<2000x256xi32, #tpu.memory_space<vmem>>, vector<2000x64xi32>,
    %get3A_51 = arith.constant 1 : index
    %get3A_52 = arith.constant 0 : index
    %get3A_53 = arith.constant 0 : index
    %get3A_54 = vector.load %arg1[%get3A_51, %get3A_52, %get3A_53] : memref<4x2000x128xf32, #tpu.memory_space<vmem>>, vector<1x2000x128xf32>
    %get3A_55 = vector.shape_cast %get3A_54 : vector<1x2000x128xf32> to vector<2000x128xf32>
    %get3A_56 = arith.constant 0 : index
    %get3A_57 = arith.constant 0 : index
    %get3A_58 = vector.load %arg2[%get3A_56, %get3A_57] : memref<128x128xf32, #tpu.memory_space<vmem>>, vector<128x128xf32>
    %dot_general3A_59 = arith.constant dense<0.000000e+00> : vector<2000x128xf32>
    %dot_general3A_60 = tpu.matmul %get3A_55, %get3A_58, %dot_general3A_59 {dimension_numbers = #tpu.dot_dimension_numbers<[1], [0], [0], [1], [0, 0, 1, 1], [], []>, transpose_lhs_hint = false} : vector<2000x128xf32>, vector<128x128xf32>, vector<2000x128xf32> -> vector<2000x128xf32>
    %get3A_61 = arith.constant 0 : index
    %get3A_62 = arith.constant 0 : index
    %get3A_63 = vector.load %arg3[%get3A_61, %get3A_62] : memref<128x128xf32, #tpu.memory_space<vmem>>, vector<128x128xf32>
    %dot_general3A_64 = arith.constant dense<0.000000e+00> : vector<2000x128xf32>
    %dot_general3A_65 = tpu.matmul %get3A_55, %get3A_63, %dot_general3A_64 {dimension_numbers = #tpu.dot_dimension_numbers<[1], [0], [0], [1], [0, 0, 1, 1], [], []>, transpose_lhs_hint = false} : vector<2000x128xf32>, vector<128x128xf32>, vector<2000x128xf32> -> vector<2000x128xf32>
    %bitcast_convert_type3A_66 = tpu.bitcast %dot_general3A_60 : vector<2000x128xf32> -> vector<2000x128xi32>
    %add3A_67 = arith.constant 32767 : i32
    %add3A_68 = vector.broadcast %add3A_67 : i32 to vector<2000x128xi32>
    %add3A_69 = arith.addi %bitcast_convert_type3A_66, %add3A_68 : vector<2000x128xi32>
    %shift_right_logical3A_70 = arith.constant 16 : i32
    %shift_right_logical3A_71 = vector.broadcast %shift_right_logical3A_70 : i32 to vector<2000x128xi32>
    %shift_right_logical3A_72 = arith.shrui %bitcast_convert_type3A_66, %shift_right_logical3A_71 : vector<2000x128xi32>
    %and3A_73 = arith.constant 1 : i32
    %and3A_74 = vector.broadcast %and3A_73 : i32 to vector<2000x128xi32>
    %and3A_75 = arith.andi %shift_right_logical3A_72, %and3A_74 : vector<2000x128xi32>
    %add3A_76 = arith.addi %add3A_69, %and3A_75 : vector<2000x128xi32>
    %shift_right_logical3A_77 = arith.constant 16 : i32
    %shift_right_logical3A_78 = vector.broadcast %shift_right_logical3A_77 : i32 to vector<2000x128xi32>
    %shift_right_logical3A_79 = arith.shrui %add3A_76, %shift_right_logical3A_78 : vector<2000x128xi32>
    %slice3A_80 = vector.extract_strided_slice %shift_right_logical3A_79 {offsets = [0, 0], sizes = [2000, 64], strides = [1, 1]} : vector<2000x128xi32> to vector<2000x64xi32>
    %slice3A_81 = vector.extract_strided_slice %shift_right_logical3A_79 {offsets = [0, 64], sizes = [2000, 64], strides = [1, 1]} : vector<2000x128xi32> to vector<2000x64xi32>
    %shift_left3A_82 = arith.constant 16 : i32
    %shift_left3A_83 = vector.broadcast %shift_left3A_82 : i32 to vector<2000x64xi32>
    %shift_left3A_84 = arith.shli %slice3A_81, %shift_left3A_83 : vector<2000x64xi32>
    %or3A_85 = arith.ori %slice3A_80, %shift_left3A_84 : vector<2000x64xi32>
    %swap3A_86 = arith.constant 0 : index
    %swap3A_87 = arith.constant 64 : index
    %swap3A_88 = vector.load %arg4[%swap3A_86, %swap3A_87] : memref<2000x256xi32, #tpu.memory_space<vmem>>, vector<2000x64xi32>
    tpu.vector_store %arg4[%swap3A_86, %swap3A_87], %or3A_85 {strides = array<i32>} : memref<2000x256xi32, #tpu.memory_space<vmem>>, vector<2000x64xi32>,
    %bitcast_convert_type3A_89 = tpu.bitcast %dot_general3A_65 : vector<2000x128xf32> -> vector<2000x128xi32>
    %add3A_90 = arith.constant 32767 : i32
    %add3A_91 = vector.broadcast %add3A_90 : i32 to vector<2000x128xi32>
    %add3A_92 = arith.addi %bitcast_convert_type3A_89, %add3A_91 : vector<2000x128xi32>
    %shift_right_logical3A_93 = arith.constant 16 : i32
    %shift_right_logical3A_94 = vector.broadcast %shift_right_logical3A_93 : i32 to vector<2000x128xi32>
    %shift_right_logical3A_95 = arith.shrui %bitcast_convert_type3A_89, %shift_right_logical3A_94 : vector<2000x128xi32>
    %and3A_96 = arith.constant 1 : i32
    %and3A_97 = vector.broadcast %and3A_96 : i32 to vector<2000x128xi32>
    %and3A_98 = arith.andi %shift_right_logical3A_95, %and3A_97 : vector<2000x128xi32>
    %add3A_99 = arith.addi %add3A_92, %and3A_98 : vector<2000x128xi32>
    %shift_right_logical3A_100 = arith.constant 16 : i32
    %shift_right_logical3A_101 = vector.broadcast %shift_right_logical3A_100 : i32 to vector<2000x128xi32>
    %shift_right_logical3A_102 = arith.shrui %add3A_99, %shift_right_logical3A_101 : vector<2000x128xi32>
    %slice3A_103 = vector.extract_strided_slice %shift_right_logical3A_102 {offsets = [0, 0], sizes = [2000, 64], strides = [1, 1]} : vector<2000x128xi32> to vector<2000x64xi32>
    %slice3A_104 = vector.extract_strided_slice %shift_right_logical3A_102 {offsets = [0, 64], sizes = [2000, 64], strides = [1, 1]} : vector<2000x128xi32> to vector<2000x64xi32>
    %shift_left3A_105 = arith.constant 16 : i32
    %shift_left3A_106 = vector.broadcast %shift_left3A_105 : i32 to vector<2000x64xi32>
    %shift_left3A_107 = arith.shli %slice3A_104, %shift_left3A_106 : vector<2000x64xi32>
    %or3A_108 = arith.ori %slice3A_103, %shift_left3A_107 : vector<2000x64xi32>
    %swap3A_109 = arith.constant 0 : index
    %swap3A_110 = arith.constant 64 : index
    %swap3A_111 = vector.load %arg5[%swap3A_109, %swap3A_110] : memref<2000x256xi32, #tpu.memory_space<vmem>>, vector<2000x64xi32>
    tpu.vector_store %arg5[%swap3A_109, %swap3A_110], %or3A_108 {strides = array<i32>} : memref<2000x256xi32, #tpu.memory_space<vmem>>, vector<2000x64xi32>,
    %get3A_112 = arith.constant 2 : index
    %get3A_113 = arith.constant 0 : index
    %get3A_114 = arith.constant 0 : index
    %get3A_115 = vector.load %arg1[%get3A_112, %get3A_113, %get3A_114] : memref<4x2000x128xf32, #tpu.memory_space<vmem>>, vector<1x2000x128xf32>
    %get3A_116 = vector.shape_cast %get3A_115 : vector<1x2000x128xf32> to vector<2000x128xf32>
    %get3A_117 = arith.constant 0 : index
    %get3A_118 = arith.constant 0 : index
    %get3A_119 = vector.load %arg2[%get3A_117, %get3A_118] : memref<128x128xf32, #tpu.memory_space<vmem>>, vector<128x128xf32>
    %dot_general3A_120 = arith.constant dense<0.000000e+00> : vector<2000x128xf32>
    %dot_general3A_121 = tpu.matmul %get3A_116, %get3A_119, %dot_general3A_120 {dimension_numbers = #tpu.dot_dimension_numbers<[1], [0], [0], [1], [0, 0, 1, 1], [], []>, transpose_lhs_hint = false} : vector<2000x128xf32>, vector<128x128xf32>, vector<2000x128xf32> -> vector<2000x128xf32>
    %get3A_122 = arith.constant 0 : index
    %get3A_123 = arith.constant 0 : index
    %get3A_124 = vector.load %arg3[%get3A_122, %get3A_123] : memref<128x128xf32, #tpu.memory_space<vmem>>, vector<128x128xf32>
    %dot_general3A_125 = arith.constant dense<0.000000e+00> : vector<2000x128xf32>
    %dot_general3A_126 = tpu.matmul %get3A_116, %get3A_124, %dot_general3A_125 {dimension_numbers = #tpu.dot_dimension_numbers<[1], [0], [0], [1], [0, 0, 1, 1], [], []>, transpose_lhs_hint = false} : vector<2000x128xf32>, vector<128x128xf32>, vector<2000x128xf32> -> vector<2000x128xf32>
    %bitcast_convert_type3A_127 = tpu.bitcast %dot_general3A_121 : vector<2000x128xf32> -> vector<2000x128xi32>
    %add3A_128 = arith.constant 32767 : i32
    %add3A_129 = vector.broadcast %add3A_128 : i32 to vector<2000x128xi32>
    %add3A_130 = arith.addi %bitcast_convert_type3A_127, %add3A_129 : vector<2000x128xi32>
    %shift_right_logical3A_131 = arith.constant 16 : i32
    %shift_right_logical3A_132 = vector.broadcast %shift_right_logical3A_131 : i32 to vector<2000x128xi32>
    %shift_right_logical3A_133 = arith.shrui %bitcast_convert_type3A_127, %shift_right_logical3A_132 : vector<2000x128xi32>
    %and3A_134 = arith.constant 1 : i32
    %and3A_135 = vector.broadcast %and3A_134 : i32 to vector<2000x128xi32>
    %and3A_136 = arith.andi %shift_right_logical3A_133, %and3A_135 : vector<2000x128xi32>
    %add3A_137 = arith.addi %add3A_130, %and3A_136 : vector<2000x128xi32>
    %shift_right_logical3A_138 = arith.constant 16 : i32
    %shift_right_logical3A_139 = vector.broadcast %shift_right_logical3A_138 : i32 to vector<2000x128xi32>
    %shift_right_logical3A_140 = arith.shrui %add3A_137, %shift_right_logical3A_139 : vector<2000x128xi32>
    %slice3A_141 = vector.extract_strided_slice %shift_right_logical3A_140 {offsets = [0, 0], sizes = [2000, 64], strides = [1, 1]} : vector<2000x128xi32> to vector<2000x64xi32>
    %slice3A_142 = vector.extract_strided_slice %shift_right_logical3A_140 {offsets = [0, 64], sizes = [2000, 64], strides = [1, 1]} : vector<2000x128xi32> to vector<2000x64xi32>
    %shift_left3A_143 = arith.constant 16 : i32
    %shift_left3A_144 = vector.broadcast %shift_left3A_143 : i32 to vector<2000x64xi32>
    %shift_left3A_145 = arith.shli %slice3A_142, %shift_left3A_144 : vector<2000x64xi32>
    %or3A_146 = arith.ori %slice3A_141, %shift_left3A_145 : vector<2000x64xi32>
    %swap3A_147 = arith.constant 0 : index
    %swap3A_148 = arith.constant 128 : index
    %swap3A_149 = vector.load %arg4[%swap3A_147, %swap3A_148] : memref<2000x256xi32, #tpu.memory_space<vmem>>, vector<2000x64xi32>
    tpu.vector_store %arg4[%swap3A_147, %swap3A_148], %or3A_146 {strides = array<i32>} : memref<2000x256xi32, #tpu.memory_space<vmem>>, vector<2000x64xi32>,
    %bitcast_convert_type3A_150 = tpu.bitcast %dot_general3A_126 : vector<2000x128xf32> -> vector<2000x128xi32>
    %add3A_151 = arith.constant 32767 : i32
    %add3A_152 = vector.broadcast %add3A_151 : i32 to vector<2000x128xi32>
    %add3A_153 = arith.addi %bitcast_convert_type3A_150, %add3A_152 : vector<2000x128xi32>
    %shift_right_logical3A_154 = arith.constant 16 : i32
    %shift_right_logical3A_155 = vector.broadcast %shift_right_logical3A_154 : i32 to vector<2000x128xi32>
    %shift_right_logical3A_156 = arith.shrui %bitcast_convert_type3A_150, %shift_right_logical3A_155 : vector<2000x128xi32>
    %and3A_157 = arith.constant 1 : i32
    %and3A_158 = vector.broadcast %and3A_157 : i32 to vector<2000x128xi32>
    %and3A_159 = arith.andi %shift_right_logical3A_156, %and3A_158 : vector<2000x128xi32>
    %add3A_160 = arith.addi %add3A_153, %and3A_159 : vector<2000x128xi32>
    %shift_right_logical3A_161 = arith.constant 16 : i32
    %shift_right_logical3A_162 = vector.broadcast %shift_right_logical3A_161 : i32 to vector<2000x128xi32>
    %shift_right_logical3A_163 = arith.shrui %add3A_160, %shift_right_logical3A_162 : vector<2000x128xi32>
    %slice3A_164 = vector.extract_strided_slice %shift_right_logical3A_163 {offsets = [0, 0], sizes = [2000, 64], strides = [1, 1]} : vector<2000x128xi32> to vector<2000x64xi32>
    %slice3A_165 = vector.extract_strided_slice %shift_right_logical3A_163 {offsets = [0, 64], sizes = [2000, 64], strides = [1, 1]} : vector<2000x128xi32> to vector<2000x64xi32>
    %shift_left3A_166 = arith.constant 16 : i32
    %shift_left3A_167 = vector.broadcast %shift_left3A_166 : i32 to vector<2000x64xi32>
    %shift_left3A_168 = arith.shli %slice3A_165, %shift_left3A_167 : vector<2000x64xi32>
    %or3A_169 = arith.ori %slice3A_164, %shift_left3A_168 : vector<2000x64xi32>
    %swap3A_170 = arith.constant 0 : index
    %swap3A_171 = arith.constant 128 : index
    %swap3A_172 = vector.load %arg5[%swap3A_170, %swap3A_171] : memref<2000x256xi32, #tpu.memory_space<vmem>>, vector<2000x64xi32>
    tpu.vector_store %arg5[%swap3A_170, %swap3A_171], %or3A_169 {strides = array<i32>} : memref<2000x256xi32, #tpu.memory_space<vmem>>, vector<2000x64xi32>,
    %get3A_173 = arith.constant 3 : index
    %get3A_174 = arith.constant 0 : index
    %get3A_175 = arith.constant 0 : index
    %get3A_176 = vector.load %arg1[%get3A_173, %get3A_174, %get3A_175] : memref<4x2000x128xf32, #tpu.memory_space<vmem>>, vector<1x2000x128xf32>
    %get3A_177 = vector.shape_cast %get3A_176 : vector<1x2000x128xf32> to vector<2000x128xf32>
    %get3A_178 = arith.constant 0 : index
    %get3A_179 = arith.constant 0 : index
    %get3A_180 = vector.load %arg2[%get3A_178, %get3A_179] : memref<128x128xf32, #tpu.memory_space<vmem>>, vector<128x128xf32>
    %dot_general3A_181 = arith.constant dense<0.000000e+00> : vector<2000x128xf32>
    %dot_general3A_182 = tpu.matmul %get3A_177, %get3A_180, %dot_general3A_181 {dimension_numbers = #tpu.dot_dimension_numbers<[1], [0], [0], [1], [0, 0, 1, 1], [], []>, transpose_lhs_hint = false} : vector<2000x128xf32>, vector<128x128xf32>, vector<2000x128xf32> -> vector<2000x128xf32>
    %get3A_183 = arith.constant 0 : index
    %get3A_184 = arith.constant 0 : index
    %get3A_185 = vector.load %arg3[%get3A_183, %get3A_184] : memref<128x128xf32, #tpu.memory_space<vmem>>, vector<128x128xf32>
    %dot_general3A_186 = arith.constant dense<0.000000e+00> : vector<2000x128xf32>
    %dot_general3A_187 = tpu.matmul %get3A_177, %get3A_185, %dot_general3A_186 {dimension_numbers = #tpu.dot_dimension_numbers<[1], [0], [0], [1], [0, 0, 1, 1], [], []>, transpose_lhs_hint = false} : vector<2000x128xf32>, vector<128x128xf32>, vector<2000x128xf32> -> vector<2000x128xf32>
    %bitcast_convert_type3A_188 = tpu.bitcast %dot_general3A_182 : vector<2000x128xf32> -> vector<2000x128xi32>
    %add3A_189 = arith.constant 32767 : i32
    %add3A_190 = vector.broadcast %add3A_189 : i32 to vector<2000x128xi32>
    %add3A_191 = arith.addi %bitcast_convert_type3A_188, %add3A_190 : vector<2000x128xi32>
    %shift_right_logical3A_192 = arith.constant 16 : i32
    %shift_right_logical3A_193 = vector.broadcast %shift_right_logical3A_192 : i32 to vector<2000x128xi32>
    %shift_right_logical3A_194 = arith.shrui %bitcast_convert_type3A_188, %shift_right_logical3A_193 : vector<2000x128xi32>
    %and3A_195 = arith.constant 1 : i32
    %and3A_196 = vector.broadcast %and3A_195 : i32 to vector<2000x128xi32>
    %and3A_197 = arith.andi %shift_right_logical3A_194, %and3A_196 : vector<2000x128xi32>
    %add3A_198 = arith.addi %add3A_191, %and3A_197 : vector<2000x128xi32>
    %shift_right_logical3A_199 = arith.constant 16 : i32
    %shift_right_logical3A_200 = vector.broadcast %shift_right_logical3A_199 : i32 to vector<2000x128xi32>
    %shift_right_logical3A_201 = arith.shrui %add3A_198, %shift_right_logical3A_200 : vector<2000x128xi32>
    %slice3A_202 = vector.extract_strided_slice %shift_right_logical3A_201 {offsets = [0, 0], sizes = [2000, 64], strides = [1, 1]} : vector<2000x128xi32> to vector<2000x64xi32>
    %slice3A_203 = vector.extract_strided_slice %shift_right_logical3A_201 {offsets = [0, 64], sizes = [2000, 64], strides = [1, 1]} : vector<2000x128xi32> to vector<2000x64xi32>
    %shift_left3A_204 = arith.constant 16 : i32
    %shift_left3A_205 = vector.broadcast %shift_left3A_204 : i32 to vector<2000x64xi32>
    %shift_left3A_206 = arith.shli %slice3A_203, %shift_left3A_205 : vector<2000x64xi32>
    %or3A_207 = arith.ori %slice3A_202, %shift_left3A_206 : vector<2000x64xi32>
    %swap3A_208 = arith.constant 0 : index
    %swap3A_209 = arith.constant 192 : index
    %swap3A_210 = vector.load %arg4[%swap3A_208, %swap3A_209] : memref<2000x256xi32, #tpu.memory_space<vmem>>, vector<2000x64xi32>
    tpu.vector_store %arg4[%swap3A_208, %swap3A_209], %or3A_207 {strides = array<i32>} : memref<2000x256xi32, #tpu.memory_space<vmem>>, vector<2000x64xi32>,
    %bitcast_convert_type3A_211 = tpu.bitcast %dot_general3A_187 : vector<2000x128xf32> -> vector<2000x128xi32>
    %add3A_212 = arith.constant 32767 : i32
    %add3A_213 = vector.broadcast %add3A_212 : i32 to vector<2000x128xi32>
    %add3A_214 = arith.addi %bitcast_convert_type3A_211, %add3A_213 : vector<2000x128xi32>
    %shift_right_logical3A_215 = arith.constant 16 : i32
    %shift_right_logical3A_216 = vector.broadcast %shift_right_logical3A_215 : i32 to vector<2000x128xi32>
    %shift_right_logical3A_217 = arith.shrui %bitcast_convert_type3A_211, %shift_right_logical3A_216 : vector<2000x128xi32>
    %and3A_218 = arith.constant 1 : i32
    %and3A_219 = vector.broadcast %and3A_218 : i32 to vector<2000x128xi32>
    %and3A_220 = arith.andi %shift_right_logical3A_217, %and3A_219 : vector<2000x128xi32>
    %add3A_221 = arith.addi %add3A_214, %and3A_220 : vector<2000x128xi32>
    %shift_right_logical3A_222 = arith.constant 16 : i32
    %shift_right_logical3A_223 = vector.broadcast %shift_right_logical3A_222 : i32 to vector<2000x128xi32>
    %shift_right_logical3A_224 = arith.shrui %add3A_221, %shift_right_logical3A_223 : vector<2000x128xi32>
    %slice3A_225 = vector.extract_strided_slice %shift_right_logical3A_224 {offsets = [0, 0], sizes = [2000, 64], strides = [1, 1]} : vector<2000x128xi32> to vector<2000x64xi32>
    %slice3A_226 = vector.extract_strided_slice %shift_right_logical3A_224 {offsets = [0, 64], sizes = [2000, 64], strides = [1, 1]} : vector<2000x128xi32> to vector<2000x64xi32>
    %shift_left3A_227 = arith.constant 16 : i32
    %shift_left3A_228 = vector.broadcast %shift_left3A_227 : i32 to vector<2000x64xi32>
    %shift_left3A_229 = arith.shli %slice3A_226, %shift_left3A_228 : vector<2000x64xi32>
    %or3A_230 = arith.ori %slice3A_225, %shift_left3A_229 : vector<2000x64xi32>
    %swap3A_231 = arith.constant 0 : index
    %swap3A_232 = arith.constant 192 : index
    %swap3A_233 = vector.load %arg5[%swap3A_231, %swap3A_232] : memref<2000x256xi32, #tpu.memory_space<vmem>>, vector<2000x64xi32>
    tpu.vector_store %arg5[%swap3A_231, %swap3A_232], %or3A_230 {strides = array<i32>} : memref<2000x256xi32, #tpu.memory_space<vmem>>, vector<2000x64xi32>,
    return
  }
  func.func @transform_0(%arg0: i32) -> (i32, i32, i32) {
    %c0_i32 = arith.constant 0 : i32
    %c0_i32_0 = arith.constant 0 : i32
    %c0_i32_1 = arith.constant 0 : i32
    return %c0_i32, %arg0, %c0_i32_0 : i32, i32, i32
  }
  func.func @transform_1(%arg0: i32) -> (i32, i32) {
    %c0_i32 = arith.constant 0 : i32
    %c0_i32_0 = arith.constant 0 : i32
    %c0_i32_1 = arith.constant 0 : i32
    return %c0_i32, %c0_i32_0 : i32, i32
  }
  func.func @transform_2(%arg0: i32) -> (i32, i32) {
    %c0_i32 = arith.constant 0 : i32
    %c0_i32_0 = arith.constant 0 : i32
    %c0_i32_1 = arith.constant 0 : i32
    return %c0_i32, %c0_i32_0 : i32, i32
  }
  func.func @transform_3(%arg0: i32) -> (i32, i32) {
    %c0_i32 = arith.constant 0 : i32
    %c0_i32_0 = arith.constant 0 : i32
    return %arg0, %c0_i32 : i32, i32
  }
  func.func @transform_4(%arg0: i32) -> (i32, i32) {
    %c0_i32 = arith.constant 0 : i32
    %c0_i32_0 = arith.constant 0 : i32
    return %arg0, %c0_i32 : i32, i32
  }
}

module attributes {stable_mosaic.version = 14 : i64} {
  func.func @_edge_tc(%arg0: i32, %arg1: memref<2000x256xi32, #tpu.memory_space<vmem>>, %arg2: memref<2000x256xi32, #tpu.memory_space<vmem>>, %arg3: memref<4x2000x16xf32, #tpu.memory_space<vmem>>, %arg4: memref<16x128xf32, #tpu.memory_space<vmem>>, %arg5: memref<1x128xf32, #tpu.memory_space<vmem>>, %arg6: memref<128x128xf32, #tpu.memory_space<vmem>>, %arg7: memref<1x128xf32, #tpu.memory_space<vmem>>, %arg8: memref<4x2000x128xf32, #tpu.memory_space<vmem>>) attributes {dimension_semantics = [#tpu.dimension_semantics<arbitrary>], iteration_bounds = array<i64: 160>, scalar_prefetch = 0 : i64, scratch_operands = 0 : i64, tpu.core_type = #tpu.core_type<tc>, window_params = [{transform_indices = @transform_0, window_bounds = array<i64: 2000, 256>}, {transform_indices = @transform_1, window_bounds = array<i64: 2000, 256>}, {transform_indices = @transform_2, window_bounds = array<i64: 4, 2000, 16>}, {pipeline_mode = #tpu.pipeline_mode<synchronous>, transform_indices = @transform_3, window_bounds = array<i64: 16, 128>}, {pipeline_mode = #tpu.pipeline_mode<synchronous>, transform_indices = @transform_4, window_bounds = array<i64: 1, 128>}, {pipeline_mode = #tpu.pipeline_mode<synchronous>, transform_indices = @transform_5, window_bounds = array<i64: 128, 128>}, {pipeline_mode = #tpu.pipeline_mode<synchronous>, transform_indices = @transform_6, window_bounds = array<i64: 1, 128>}, {transform_indices = @transform_7, window_bounds = array<i64: 4, 2000, 128>}]} {
    %get3A = arith.constant 0 : index
    %get3A_0 = arith.constant 0 : index
    %get3A_1 = vector.load %arg1[%get3A, %get3A_0] : memref<2000x256xi32, #tpu.memory_space<vmem>>, vector<2000x256xi32>
    %get3A_2 = arith.constant 0 : index
    %get3A_3 = arith.constant 0 : index
    %get3A_4 = vector.load %arg2[%get3A_2, %get3A_3] : memref<2000x256xi32, #tpu.memory_space<vmem>>, vector<2000x256xi32>
    %slice3A = vector.extract_strided_slice %get3A_1 {offsets = [0, 0], sizes = [2000, 64], strides = [1, 1]} : vector<2000x256xi32> to vector<2000x64xi32>
    %slice3A_5 = vector.extract_strided_slice %get3A_4 {offsets = [0, 0], sizes = [2000, 64], strides = [1, 1]} : vector<2000x256xi32> to vector<2000x64xi32>
    %shift_left3A = arith.constant 16 : i32
    %shift_left3A_6 = vector.broadcast %shift_left3A : i32 to vector<2000x64xi32>
    %shift_left3A_7 = arith.shli %slice3A, %shift_left3A_6 : vector<2000x64xi32>
    %bitcast_convert_type3A = tpu.bitcast %shift_left3A_7 : vector<2000x64xi32> -> vector<2000x64xf32>
    %and3A = arith.constant -65536 : i32
    %and3A_8 = vector.broadcast %and3A : i32 to vector<2000x64xi32>
    %and3A_9 = arith.andi %slice3A, %and3A_8 : vector<2000x64xi32>
    %bitcast_convert_type3A_10 = tpu.bitcast %and3A_9 : vector<2000x64xi32> -> vector<2000x64xf32>
    %shift_left3A_11 = arith.constant 16 : i32
    %shift_left3A_12 = vector.broadcast %shift_left3A_11 : i32 to vector<2000x64xi32>
    %shift_left3A_13 = arith.shli %slice3A_5, %shift_left3A_12 : vector<2000x64xi32>
    %bitcast_convert_type3A_14 = tpu.bitcast %shift_left3A_13 : vector<2000x64xi32> -> vector<2000x64xf32>
    %and3A_15 = arith.constant -65536 : i32
    %and3A_16 = vector.broadcast %and3A_15 : i32 to vector<2000x64xi32>
    %and3A_17 = arith.andi %slice3A_5, %and3A_16 : vector<2000x64xi32>
    %bitcast_convert_type3A_18 = tpu.bitcast %and3A_17 : vector<2000x64xi32> -> vector<2000x64xf32>
    %add3A = arith.addf %bitcast_convert_type3A, %bitcast_convert_type3A_14 : vector<2000x64xf32>
    %add3A_19 = arith.addf %bitcast_convert_type3A_10, %bitcast_convert_type3A_18 : vector<2000x64xf32>
    %concatenate3A = tpu.concatenate %add3A, %add3A_19 in 1 : vector<2000x64xf32>, vector<2000x64xf32> -> vector<2000x128xf32>
    %get3A_20 = arith.constant 0 : index
    %get3A_21 = arith.constant 0 : index
    %get3A_22 = arith.constant 0 : index
    %get3A_23 = vector.load %arg3[%get3A_20, %get3A_21, %get3A_22] : memref<4x2000x16xf32, #tpu.memory_space<vmem>>, vector<1x2000x16xf32>
    %get3A_24 = vector.shape_cast %get3A_23 : vector<1x2000x16xf32> to vector<2000x16xf32>
    %get3A_25 = arith.constant 0 : index
    %get3A_26 = arith.constant 0 : index
    %get3A_27 = vector.load %arg4[%get3A_25, %get3A_26] : memref<16x128xf32, #tpu.memory_space<vmem>>, vector<16x128xf32>
    %dot_general3A = arith.constant dense<0.000000e+00> : vector<2000x128xf32>
    %dot_general3A_28 = tpu.matmul %get3A_24, %get3A_27, %dot_general3A {dimension_numbers = #tpu.dot_dimension_numbers<[1], [0], [0], [1], [0, 0, 1, 1], [], []>, transpose_lhs_hint = false} : vector<2000x16xf32>, vector<16x128xf32>, vector<2000x128xf32> -> vector<2000x128xf32>
    %add3A_29 = arith.addf %concatenate3A, %dot_general3A_28 : vector<2000x128xf32>
    %get3A_30 = arith.constant 0 : index
    %get3A_31 = arith.constant 0 : index
    %get3A_32 = vector.load %arg5[%get3A_30, %get3A_31] : memref<1x128xf32, #tpu.memory_space<vmem>>, vector<1x128xf32>
    %add3A_33 = vector.broadcast %get3A_32 : vector<1x128xf32> to vector<2000x128xf32>
    %add3A_34 = arith.addf %add3A_29, %add3A_33 : vector<2000x128xf32>
    %max3A = arith.constant 0.000000e+00 : f32
    %max3A_35 = vector.broadcast %max3A : f32 to vector<2000x128xf32>
    %max3A_36 = arith.maximumf %add3A_34, %max3A_35 : vector<2000x128xf32>
    %get3A_37 = arith.constant 0 : index
    %get3A_38 = arith.constant 0 : index
    %get3A_39 = vector.load %arg6[%get3A_37, %get3A_38] : memref<128x128xf32, #tpu.memory_space<vmem>>, vector<128x128xf32>
    %dot_general3A_40 = arith.constant dense<0.000000e+00> : vector<2000x128xf32>
    %dot_general3A_41 = tpu.matmul %max3A_36, %get3A_39, %dot_general3A_40 {dimension_numbers = #tpu.dot_dimension_numbers<[1], [0], [0], [1], [0, 0, 1, 1], [], []>, transpose_lhs_hint = false} : vector<2000x128xf32>, vector<128x128xf32>, vector<2000x128xf32> -> vector<2000x128xf32>
    %get3A_42 = arith.constant 0 : index
    %get3A_43 = arith.constant 0 : index
    %get3A_44 = vector.load %arg7[%get3A_42, %get3A_43] : memref<1x128xf32, #tpu.memory_space<vmem>>, vector<1x128xf32>
    %add3A_45 = vector.broadcast %get3A_44 : vector<1x128xf32> to vector<2000x128xf32>
    %add3A_46 = arith.addf %dot_general3A_41, %add3A_45 : vector<2000x128xf32>
    %max3A_47 = arith.constant 0.000000e+00 : f32
    %max3A_48 = vector.broadcast %max3A_47 : f32 to vector<2000x128xf32>
    %max3A_49 = arith.maximumf %add3A_46, %max3A_48 : vector<2000x128xf32>
    %swap3A = arith.constant 0 : index
    %swap3A_50 = arith.constant 0 : index
    %swap3A_51 = arith.constant 0 : index
    %swap3A_52 = vector.load %arg8[%swap3A, %swap3A_50, %swap3A_51] : memref<4x2000x128xf32, #tpu.memory_space<vmem>>, vector<1x2000x128xf32>
    %swap3A_53 = vector.shape_cast %swap3A_52 : vector<1x2000x128xf32> to vector<2000x128xf32>
    %swap3A_54 = vector.shape_cast %max3A_49 : vector<2000x128xf32> to vector<1x2000x128xf32>
    tpu.vector_store %arg8[%swap3A, %swap3A_50, %swap3A_51], %swap3A_54 {strides = array<i32>} : memref<4x2000x128xf32, #tpu.memory_space<vmem>>, vector<1x2000x128xf32>,
    %slice3A_55 = vector.extract_strided_slice %get3A_1 {offsets = [0, 64], sizes = [2000, 64], strides = [1, 1]} : vector<2000x256xi32> to vector<2000x64xi32>
    %slice3A_56 = vector.extract_strided_slice %get3A_4 {offsets = [0, 64], sizes = [2000, 64], strides = [1, 1]} : vector<2000x256xi32> to vector<2000x64xi32>
    %shift_left3A_57 = arith.constant 16 : i32
    %shift_left3A_58 = vector.broadcast %shift_left3A_57 : i32 to vector<2000x64xi32>
    %shift_left3A_59 = arith.shli %slice3A_55, %shift_left3A_58 : vector<2000x64xi32>
    %bitcast_convert_type3A_60 = tpu.bitcast %shift_left3A_59 : vector<2000x64xi32> -> vector<2000x64xf32>
    %and3A_61 = arith.constant -65536 : i32
    %and3A_62 = vector.broadcast %and3A_61 : i32 to vector<2000x64xi32>
    %and3A_63 = arith.andi %slice3A_55, %and3A_62 : vector<2000x64xi32>
    %bitcast_convert_type3A_64 = tpu.bitcast %and3A_63 : vector<2000x64xi32> -> vector<2000x64xf32>
    %shift_left3A_65 = arith.constant 16 : i32
    %shift_left3A_66 = vector.broadcast %shift_left3A_65 : i32 to vector<2000x64xi32>
    %shift_left3A_67 = arith.shli %slice3A_56, %shift_left3A_66 : vector<2000x64xi32>
    %bitcast_convert_type3A_68 = tpu.bitcast %shift_left3A_67 : vector<2000x64xi32> -> vector<2000x64xf32>
    %and3A_69 = arith.constant -65536 : i32
    %and3A_70 = vector.broadcast %and3A_69 : i32 to vector<2000x64xi32>
    %and3A_71 = arith.andi %slice3A_56, %and3A_70 : vector<2000x64xi32>
    %bitcast_convert_type3A_72 = tpu.bitcast %and3A_71 : vector<2000x64xi32> -> vector<2000x64xf32>
    %add3A_73 = arith.addf %bitcast_convert_type3A_60, %bitcast_convert_type3A_68 : vector<2000x64xf32>
    %add3A_74 = arith.addf %bitcast_convert_type3A_64, %bitcast_convert_type3A_72 : vector<2000x64xf32>
    %concatenate3A_75 = tpu.concatenate %add3A_73, %add3A_74 in 1 : vector<2000x64xf32>, vector<2000x64xf32> -> vector<2000x128xf32>
    %get3A_76 = arith.constant 1 : index
    %get3A_77 = arith.constant 0 : index
    %get3A_78 = arith.constant 0 : index
    %get3A_79 = vector.load %arg3[%get3A_76, %get3A_77, %get3A_78] : memref<4x2000x16xf32, #tpu.memory_space<vmem>>, vector<1x2000x16xf32>
    %get3A_80 = vector.shape_cast %get3A_79 : vector<1x2000x16xf32> to vector<2000x16xf32>
    %get3A_81 = arith.constant 0 : index
    %get3A_82 = arith.constant 0 : index
    %get3A_83 = vector.load %arg4[%get3A_81, %get3A_82] : memref<16x128xf32, #tpu.memory_space<vmem>>, vector<16x128xf32>
    %dot_general3A_84 = arith.constant dense<0.000000e+00> : vector<2000x128xf32>
    %dot_general3A_85 = tpu.matmul %get3A_80, %get3A_83, %dot_general3A_84 {dimension_numbers = #tpu.dot_dimension_numbers<[1], [0], [0], [1], [0, 0, 1, 1], [], []>, transpose_lhs_hint = false} : vector<2000x16xf32>, vector<16x128xf32>, vector<2000x128xf32> -> vector<2000x128xf32>
    %add3A_86 = arith.addf %concatenate3A_75, %dot_general3A_85 : vector<2000x128xf32>
    %get3A_87 = arith.constant 0 : index
    %get3A_88 = arith.constant 0 : index
    %get3A_89 = vector.load %arg5[%get3A_87, %get3A_88] : memref<1x128xf32, #tpu.memory_space<vmem>>, vector<1x128xf32>
    %add3A_90 = vector.broadcast %get3A_89 : vector<1x128xf32> to vector<2000x128xf32>
    %add3A_91 = arith.addf %add3A_86, %add3A_90 : vector<2000x128xf32>
    %max3A_92 = arith.constant 0.000000e+00 : f32
    %max3A_93 = vector.broadcast %max3A_92 : f32 to vector<2000x128xf32>
    %max3A_94 = arith.maximumf %add3A_91, %max3A_93 : vector<2000x128xf32>
    %get3A_95 = arith.constant 0 : index
    %get3A_96 = arith.constant 0 : index
    %get3A_97 = vector.load %arg6[%get3A_95, %get3A_96] : memref<128x128xf32, #tpu.memory_space<vmem>>, vector<128x128xf32>
    %dot_general3A_98 = arith.constant dense<0.000000e+00> : vector<2000x128xf32>
    %dot_general3A_99 = tpu.matmul %max3A_94, %get3A_97, %dot_general3A_98 {dimension_numbers = #tpu.dot_dimension_numbers<[1], [0], [0], [1], [0, 0, 1, 1], [], []>, transpose_lhs_hint = false} : vector<2000x128xf32>, vector<128x128xf32>, vector<2000x128xf32> -> vector<2000x128xf32>
    %get3A_100 = arith.constant 0 : index
    %get3A_101 = arith.constant 0 : index
    %get3A_102 = vector.load %arg7[%get3A_100, %get3A_101] : memref<1x128xf32, #tpu.memory_space<vmem>>, vector<1x128xf32>
    %add3A_103 = vector.broadcast %get3A_102 : vector<1x128xf32> to vector<2000x128xf32>
    %add3A_104 = arith.addf %dot_general3A_99, %add3A_103 : vector<2000x128xf32>
    %max3A_105 = arith.constant 0.000000e+00 : f32
    %max3A_106 = vector.broadcast %max3A_105 : f32 to vector<2000x128xf32>
    %max3A_107 = arith.maximumf %add3A_104, %max3A_106 : vector<2000x128xf32>
    %swap3A_108 = arith.constant 1 : index
    %swap3A_109 = arith.constant 0 : index
    %swap3A_110 = arith.constant 0 : index
    %swap3A_111 = vector.load %arg8[%swap3A_108, %swap3A_109, %swap3A_110] : memref<4x2000x128xf32, #tpu.memory_space<vmem>>, vector<1x2000x128xf32>
    %swap3A_112 = vector.shape_cast %swap3A_111 : vector<1x2000x128xf32> to vector<2000x128xf32>
    %swap3A_113 = vector.shape_cast %max3A_107 : vector<2000x128xf32> to vector<1x2000x128xf32>
    tpu.vector_store %arg8[%swap3A_108, %swap3A_109, %swap3A_110], %swap3A_113 {strides = array<i32>} : memref<4x2000x128xf32, #tpu.memory_space<vmem>>, vector<1x2000x128xf32>,
    %slice3A_114 = vector.extract_strided_slice %get3A_1 {offsets = [0, 128], sizes = [2000, 64], strides = [1, 1]} : vector<2000x256xi32> to vector<2000x64xi32>
    %slice3A_115 = vector.extract_strided_slice %get3A_4 {offsets = [0, 128], sizes = [2000, 64], strides = [1, 1]} : vector<2000x256xi32> to vector<2000x64xi32>
    %shift_left3A_116 = arith.constant 16 : i32
    %shift_left3A_117 = vector.broadcast %shift_left3A_116 : i32 to vector<2000x64xi32>
    %shift_left3A_118 = arith.shli %slice3A_114, %shift_left3A_117 : vector<2000x64xi32>
    %bitcast_convert_type3A_119 = tpu.bitcast %shift_left3A_118 : vector<2000x64xi32> -> vector<2000x64xf32>
    %and3A_120 = arith.constant -65536 : i32
    %and3A_121 = vector.broadcast %and3A_120 : i32 to vector<2000x64xi32>
    %and3A_122 = arith.andi %slice3A_114, %and3A_121 : vector<2000x64xi32>
    %bitcast_convert_type3A_123 = tpu.bitcast %and3A_122 : vector<2000x64xi32> -> vector<2000x64xf32>
    %shift_left3A_124 = arith.constant 16 : i32
    %shift_left3A_125 = vector.broadcast %shift_left3A_124 : i32 to vector<2000x64xi32>
    %shift_left3A_126 = arith.shli %slice3A_115, %shift_left3A_125 : vector<2000x64xi32>
    %bitcast_convert_type3A_127 = tpu.bitcast %shift_left3A_126 : vector<2000x64xi32> -> vector<2000x64xf32>
    %and3A_128 = arith.constant -65536 : i32
    %and3A_129 = vector.broadcast %and3A_128 : i32 to vector<2000x64xi32>
    %and3A_130 = arith.andi %slice3A_115, %and3A_129 : vector<2000x64xi32>
    %bitcast_convert_type3A_131 = tpu.bitcast %and3A_130 : vector<2000x64xi32> -> vector<2000x64xf32>
    %add3A_132 = arith.addf %bitcast_convert_type3A_119, %bitcast_convert_type3A_127 : vector<2000x64xf32>
    %add3A_133 = arith.addf %bitcast_convert_type3A_123, %bitcast_convert_type3A_131 : vector<2000x64xf32>
    %concatenate3A_134 = tpu.concatenate %add3A_132, %add3A_133 in 1 : vector<2000x64xf32>, vector<2000x64xf32> -> vector<2000x128xf32>
    %get3A_135 = arith.constant 2 : index
    %get3A_136 = arith.constant 0 : index
    %get3A_137 = arith.constant 0 : index
    %get3A_138 = vector.load %arg3[%get3A_135, %get3A_136, %get3A_137] : memref<4x2000x16xf32, #tpu.memory_space<vmem>>, vector<1x2000x16xf32>
    %get3A_139 = vector.shape_cast %get3A_138 : vector<1x2000x16xf32> to vector<2000x16xf32>
    %get3A_140 = arith.constant 0 : index
    %get3A_141 = arith.constant 0 : index
    %get3A_142 = vector.load %arg4[%get3A_140, %get3A_141] : memref<16x128xf32, #tpu.memory_space<vmem>>, vector<16x128xf32>
    %dot_general3A_143 = arith.constant dense<0.000000e+00> : vector<2000x128xf32>
    %dot_general3A_144 = tpu.matmul %get3A_139, %get3A_142, %dot_general3A_143 {dimension_numbers = #tpu.dot_dimension_numbers<[1], [0], [0], [1], [0, 0, 1, 1], [], []>, transpose_lhs_hint = false} : vector<2000x16xf32>, vector<16x128xf32>, vector<2000x128xf32> -> vector<2000x128xf32>
    %add3A_145 = arith.addf %concatenate3A_134, %dot_general3A_144 : vector<2000x128xf32>
    %get3A_146 = arith.constant 0 : index
    %get3A_147 = arith.constant 0 : index
    %get3A_148 = vector.load %arg5[%get3A_146, %get3A_147] : memref<1x128xf32, #tpu.memory_space<vmem>>, vector<1x128xf32>
    %add3A_149 = vector.broadcast %get3A_148 : vector<1x128xf32> to vector<2000x128xf32>
    %add3A_150 = arith.addf %add3A_145, %add3A_149 : vector<2000x128xf32>
    %max3A_151 = arith.constant 0.000000e+00 : f32
    %max3A_152 = vector.broadcast %max3A_151 : f32 to vector<2000x128xf32>
    %max3A_153 = arith.maximumf %add3A_150, %max3A_152 : vector<2000x128xf32>
    %get3A_154 = arith.constant 0 : index
    %get3A_155 = arith.constant 0 : index
    %get3A_156 = vector.load %arg6[%get3A_154, %get3A_155] : memref<128x128xf32, #tpu.memory_space<vmem>>, vector<128x128xf32>
    %dot_general3A_157 = arith.constant dense<0.000000e+00> : vector<2000x128xf32>
    %dot_general3A_158 = tpu.matmul %max3A_153, %get3A_156, %dot_general3A_157 {dimension_numbers = #tpu.dot_dimension_numbers<[1], [0], [0], [1], [0, 0, 1, 1], [], []>, transpose_lhs_hint = false} : vector<2000x128xf32>, vector<128x128xf32>, vector<2000x128xf32> -> vector<2000x128xf32>
    %get3A_159 = arith.constant 0 : index
    %get3A_160 = arith.constant 0 : index
    %get3A_161 = vector.load %arg7[%get3A_159, %get3A_160] : memref<1x128xf32, #tpu.memory_space<vmem>>, vector<1x128xf32>
    %add3A_162 = vector.broadcast %get3A_161 : vector<1x128xf32> to vector<2000x128xf32>
    %add3A_163 = arith.addf %dot_general3A_158, %add3A_162 : vector<2000x128xf32>
    %max3A_164 = arith.constant 0.000000e+00 : f32
    %max3A_165 = vector.broadcast %max3A_164 : f32 to vector<2000x128xf32>
    %max3A_166 = arith.maximumf %add3A_163, %max3A_165 : vector<2000x128xf32>
    %swap3A_167 = arith.constant 2 : index
    %swap3A_168 = arith.constant 0 : index
    %swap3A_169 = arith.constant 0 : index
    %swap3A_170 = vector.load %arg8[%swap3A_167, %swap3A_168, %swap3A_169] : memref<4x2000x128xf32, #tpu.memory_space<vmem>>, vector<1x2000x128xf32>
    %swap3A_171 = vector.shape_cast %swap3A_170 : vector<1x2000x128xf32> to vector<2000x128xf32>
    %swap3A_172 = vector.shape_cast %max3A_166 : vector<2000x128xf32> to vector<1x2000x128xf32>
    tpu.vector_store %arg8[%swap3A_167, %swap3A_168, %swap3A_169], %swap3A_172 {strides = array<i32>} : memref<4x2000x128xf32, #tpu.memory_space<vmem>>, vector<1x2000x128xf32>,
    %slice3A_173 = vector.extract_strided_slice %get3A_1 {offsets = [0, 192], sizes = [2000, 64], strides = [1, 1]} : vector<2000x256xi32> to vector<2000x64xi32>
    %slice3A_174 = vector.extract_strided_slice %get3A_4 {offsets = [0, 192], sizes = [2000, 64], strides = [1, 1]} : vector<2000x256xi32> to vector<2000x64xi32>
    %shift_left3A_175 = arith.constant 16 : i32
    %shift_left3A_176 = vector.broadcast %shift_left3A_175 : i32 to vector<2000x64xi32>
    %shift_left3A_177 = arith.shli %slice3A_173, %shift_left3A_176 : vector<2000x64xi32>
    %bitcast_convert_type3A_178 = tpu.bitcast %shift_left3A_177 : vector<2000x64xi32> -> vector<2000x64xf32>
    %and3A_179 = arith.constant -65536 : i32
    %and3A_180 = vector.broadcast %and3A_179 : i32 to vector<2000x64xi32>
    %and3A_181 = arith.andi %slice3A_173, %and3A_180 : vector<2000x64xi32>
    %bitcast_convert_type3A_182 = tpu.bitcast %and3A_181 : vector<2000x64xi32> -> vector<2000x64xf32>
    %shift_left3A_183 = arith.constant 16 : i32
    %shift_left3A_184 = vector.broadcast %shift_left3A_183 : i32 to vector<2000x64xi32>
    %shift_left3A_185 = arith.shli %slice3A_174, %shift_left3A_184 : vector<2000x64xi32>
    %bitcast_convert_type3A_186 = tpu.bitcast %shift_left3A_185 : vector<2000x64xi32> -> vector<2000x64xf32>
    %and3A_187 = arith.constant -65536 : i32
    %and3A_188 = vector.broadcast %and3A_187 : i32 to vector<2000x64xi32>
    %and3A_189 = arith.andi %slice3A_174, %and3A_188 : vector<2000x64xi32>
    %bitcast_convert_type3A_190 = tpu.bitcast %and3A_189 : vector<2000x64xi32> -> vector<2000x64xf32>
    %add3A_191 = arith.addf %bitcast_convert_type3A_178, %bitcast_convert_type3A_186 : vector<2000x64xf32>
    %add3A_192 = arith.addf %bitcast_convert_type3A_182, %bitcast_convert_type3A_190 : vector<2000x64xf32>
    %concatenate3A_193 = tpu.concatenate %add3A_191, %add3A_192 in 1 : vector<2000x64xf32>, vector<2000x64xf32> -> vector<2000x128xf32>
    %get3A_194 = arith.constant 3 : index
    %get3A_195 = arith.constant 0 : index
    %get3A_196 = arith.constant 0 : index
    %get3A_197 = vector.load %arg3[%get3A_194, %get3A_195, %get3A_196] : memref<4x2000x16xf32, #tpu.memory_space<vmem>>, vector<1x2000x16xf32>
    %get3A_198 = vector.shape_cast %get3A_197 : vector<1x2000x16xf32> to vector<2000x16xf32>
    %get3A_199 = arith.constant 0 : index
    %get3A_200 = arith.constant 0 : index
    %get3A_201 = vector.load %arg4[%get3A_199, %get3A_200] : memref<16x128xf32, #tpu.memory_space<vmem>>, vector<16x128xf32>
    %dot_general3A_202 = arith.constant dense<0.000000e+00> : vector<2000x128xf32>
    %dot_general3A_203 = tpu.matmul %get3A_198, %get3A_201, %dot_general3A_202 {dimension_numbers = #tpu.dot_dimension_numbers<[1], [0], [0], [1], [0, 0, 1, 1], [], []>, transpose_lhs_hint = false} : vector<2000x16xf32>, vector<16x128xf32>, vector<2000x128xf32> -> vector<2000x128xf32>
    %add3A_204 = arith.addf %concatenate3A_193, %dot_general3A_203 : vector<2000x128xf32>
    %get3A_205 = arith.constant 0 : index
    %get3A_206 = arith.constant 0 : index
    %get3A_207 = vector.load %arg5[%get3A_205, %get3A_206] : memref<1x128xf32, #tpu.memory_space<vmem>>, vector<1x128xf32>
    %add3A_208 = vector.broadcast %get3A_207 : vector<1x128xf32> to vector<2000x128xf32>
    %add3A_209 = arith.addf %add3A_204, %add3A_208 : vector<2000x128xf32>
    %max3A_210 = arith.constant 0.000000e+00 : f32
    %max3A_211 = vector.broadcast %max3A_210 : f32 to vector<2000x128xf32>
    %max3A_212 = arith.maximumf %add3A_209, %max3A_211 : vector<2000x128xf32>
    %get3A_213 = arith.constant 0 : index
    %get3A_214 = arith.constant 0 : index
    %get3A_215 = vector.load %arg6[%get3A_213, %get3A_214] : memref<128x128xf32, #tpu.memory_space<vmem>>, vector<128x128xf32>
    %dot_general3A_216 = arith.constant dense<0.000000e+00> : vector<2000x128xf32>
    %dot_general3A_217 = tpu.matmul %max3A_212, %get3A_215, %dot_general3A_216 {dimension_numbers = #tpu.dot_dimension_numbers<[1], [0], [0], [1], [0, 0, 1, 1], [], []>, transpose_lhs_hint = false} : vector<2000x128xf32>, vector<128x128xf32>, vector<2000x128xf32> -> vector<2000x128xf32>
    %get3A_218 = arith.constant 0 : index
    %get3A_219 = arith.constant 0 : index
    %get3A_220 = vector.load %arg7[%get3A_218, %get3A_219] : memref<1x128xf32, #tpu.memory_space<vmem>>, vector<1x128xf32>
    %add3A_221 = vector.broadcast %get3A_220 : vector<1x128xf32> to vector<2000x128xf32>
    %add3A_222 = arith.addf %dot_general3A_217, %add3A_221 : vector<2000x128xf32>
    %max3A_223 = arith.constant 0.000000e+00 : f32
    %max3A_224 = vector.broadcast %max3A_223 : f32 to vector<2000x128xf32>
    %max3A_225 = arith.maximumf %add3A_222, %max3A_224 : vector<2000x128xf32>
    %swap3A_226 = arith.constant 3 : index
    %swap3A_227 = arith.constant 0 : index
    %swap3A_228 = arith.constant 0 : index
    %swap3A_229 = vector.load %arg8[%swap3A_226, %swap3A_227, %swap3A_228] : memref<4x2000x128xf32, #tpu.memory_space<vmem>>, vector<1x2000x128xf32>
    %swap3A_230 = vector.shape_cast %swap3A_229 : vector<1x2000x128xf32> to vector<2000x128xf32>
    %swap3A_231 = vector.shape_cast %max3A_225 : vector<2000x128xf32> to vector<1x2000x128xf32>
    tpu.vector_store %arg8[%swap3A_226, %swap3A_227, %swap3A_228], %swap3A_231 {strides = array<i32>} : memref<4x2000x128xf32, #tpu.memory_space<vmem>>, vector<1x2000x128xf32>,
    return
  }
  func.func @transform_0(%arg0: i32) -> (i32, i32) {
    %c0_i32 = arith.constant 0 : i32
    %c0_i32_0 = arith.constant 0 : i32
    return %arg0, %c0_i32 : i32, i32
  }
  func.func @transform_1(%arg0: i32) -> (i32, i32) {
    %c0_i32 = arith.constant 0 : i32
    %c0_i32_0 = arith.constant 0 : i32
    return %arg0, %c0_i32 : i32, i32
  }
  func.func @transform_2(%arg0: i32) -> (i32, i32, i32) {
    %add3A = arith.constant 0 : i32
    %add3A_0 = arith.addi %arg0, %add3A : i32
    %c0_i32 = arith.constant 0 : i32
    %c0_i32_1 = arith.constant 0 : i32
    %c0_i32_2 = arith.constant 0 : i32
    return %c0_i32, %add3A_0, %c0_i32_1 : i32, i32, i32
  }
  func.func @transform_3(%arg0: i32) -> (i32, i32) {
    %c0_i32 = arith.constant 0 : i32
    %c0_i32_0 = arith.constant 0 : i32
    %c0_i32_1 = arith.constant 0 : i32
    return %c0_i32, %c0_i32_0 : i32, i32
  }
  func.func @transform_4(%arg0: i32) -> (i32, i32) {
    %c0_i32 = arith.constant 0 : i32
    %c0_i32_0 = arith.constant 0 : i32
    %c0_i32_1 = arith.constant 0 : i32
    return %c0_i32, %c0_i32_0 : i32, i32
  }
  func.func @transform_5(%arg0: i32) -> (i32, i32) {
    %c0_i32 = arith.constant 0 : i32
    %c0_i32_0 = arith.constant 0 : i32
    %c0_i32_1 = arith.constant 0 : i32
    return %c0_i32, %c0_i32_0 : i32, i32
  }
  func.func @transform_6(%arg0: i32) -> (i32, i32) {
    %c0_i32 = arith.constant 0 : i32
    %c0_i32_0 = arith.constant 0 : i32
    %c0_i32_1 = arith.constant 0 : i32
    return %c0_i32, %c0_i32_0 : i32, i32
  }
  func.func @transform_7(%arg0: i32) -> (i32, i32, i32) {
    %c0_i32 = arith.constant 0 : i32
    %c0_i32_0 = arith.constant 0 : i32
    %c0_i32_1 = arith.constant 0 : i32
    return %c0_i32, %arg0, %c0_i32_0 : i32, i32, i32
  }
}

module attributes {stable_mosaic.version = 14 : i64} {
  func.func @_node_tc(%arg0: i32, %arg1: i32, %arg2: memref<1x2000x128xf32, #tpu.memory_space<vmem>>, %arg3: memref<1x2000x128xf32, #tpu.memory_space<vmem>>, %arg4: memref<1x2x2000x128xf32, #tpu.memory_space<vmem>>, %arg5: memref<384x128xf32, #tpu.memory_space<vmem>>, %arg6: memref<1x128xf32, #tpu.memory_space<vmem>>, %arg7: memref<128x128xf32, #tpu.memory_space<vmem>>, %arg8: memref<1x128xf32, #tpu.memory_space<vmem>>, %arg9: memref<1x2000x128xf32, #tpu.memory_space<vmem>>, %arg10: memref<1x2000x384xf32, #tpu.memory_space<vmem>>) attributes {dimension_semantics = [#tpu.dimension_semantics<arbitrary>, #tpu.dimension_semantics<arbitrary>], iteration_bounds = array<i64: 4, 5>, scalar_prefetch = 0 : i64, scratch_operands = 0 : i64, tpu.core_type = #tpu.core_type<tc>, window_params = [{transform_indices = @transform_0, window_bounds = array<i64: 1, 2000, 128>}, {transform_indices = @transform_1, window_bounds = array<i64: 1, 2000, 128>}, {transform_indices = @transform_2, window_bounds = array<i64: 1, 2, 2000, 128>}, {pipeline_mode = #tpu.pipeline_mode<synchronous>, transform_indices = @transform_3, window_bounds = array<i64: 384, 128>}, {pipeline_mode = #tpu.pipeline_mode<synchronous>, transform_indices = @transform_4, window_bounds = array<i64: 1, 128>}, {pipeline_mode = #tpu.pipeline_mode<synchronous>, transform_indices = @transform_5, window_bounds = array<i64: 128, 128>}, {pipeline_mode = #tpu.pipeline_mode<synchronous>, transform_indices = @transform_6, window_bounds = array<i64: 1, 128>}, {transform_indices = @transform_7, window_bounds = array<i64: 1, 2000, 128>}, {transform_indices = @transform_8, window_bounds = array<i64: 1, 2000, 384>}]} {
    %get3A = arith.constant 0 : index
    %get3A_0 = arith.constant 0 : index
    %get3A_1 = arith.constant 0 : index
    %get3A_2 = vector.load %arg2[%get3A, %get3A_0, %get3A_1] : memref<1x2000x128xf32, #tpu.memory_space<vmem>>, vector<1x2000x128xf32>
    %get3A_3 = vector.shape_cast %get3A_2 : vector<1x2000x128xf32> to vector<2000x128xf32>
    %get3A_4 = arith.constant 0 : index
    %get3A_5 = arith.constant 0 : index
    %get3A_6 = arith.constant 0 : index
    %get3A_7 = vector.load %arg3[%get3A_4, %get3A_5, %get3A_6] : memref<1x2000x128xf32, #tpu.memory_space<vmem>>, vector<1x2000x128xf32>
    %get3A_8 = vector.shape_cast %get3A_7 : vector<1x2000x128xf32> to vector<2000x128xf32>
    %get3A_9 = arith.constant 0 : index
    %get3A_10 = arith.constant 0 : index
    %get3A_11 = arith.constant 0 : index
    %get3A_12 = arith.constant 0 : index
    %get3A_13 = vector.load %arg4[%get3A_9, %get3A_10, %get3A_11, %get3A_12] : memref<1x2x2000x128xf32, #tpu.memory_space<vmem>>, vector<1x1x2000x128xf32>
    %get3A_14 = vector.shape_cast %get3A_13 : vector<1x1x2000x128xf32> to vector<2000x128xf32>
    %get3A_15 = arith.constant 0 : index
    %get3A_16 = arith.constant 1 : index
    %get3A_17 = arith.constant 0 : index
    %get3A_18 = arith.constant 0 : index
    %get3A_19 = vector.load %arg4[%get3A_15, %get3A_16, %get3A_17, %get3A_18] : memref<1x2x2000x128xf32, #tpu.memory_space<vmem>>, vector<1x1x2000x128xf32>
    %get3A_20 = vector.shape_cast %get3A_19 : vector<1x1x2000x128xf32> to vector<2000x128xf32>
    %add3A = arith.addf %get3A_14, %get3A_20 : vector<2000x128xf32>
    %concatenate3A = tpu.concatenate %get3A_3, %get3A_8, %add3A in 1 : vector<2000x128xf32>, vector<2000x128xf32>, vector<2000x128xf32> -> vector<2000x384xf32>
    %swap3A = arith.constant 0 : index
    %swap3A_21 = arith.constant 0 : index
    %swap3A_22 = arith.constant 0 : index
    %swap3A_23 = vector.load %arg10[%swap3A, %swap3A_21, %swap3A_22] : memref<1x2000x384xf32, #tpu.memory_space<vmem>>, vector<1x2000x384xf32>
    %swap3A_24 = vector.shape_cast %swap3A_23 : vector<1x2000x384xf32> to vector<2000x384xf32>
    %swap3A_25 = vector.shape_cast %concatenate3A : vector<2000x384xf32> to vector<1x2000x384xf32>
    tpu.vector_store %arg10[%swap3A, %swap3A_21, %swap3A_22], %swap3A_25 {strides = array<i32>} : memref<1x2000x384xf32, #tpu.memory_space<vmem>>, vector<1x2000x384xf32>,
    %get3A_26 = arith.constant 0 : index
    %get3A_27 = arith.constant 0 : index
    %get3A_28 = vector.load %arg5[%get3A_26, %get3A_27] : memref<384x128xf32, #tpu.memory_space<vmem>>, vector<384x128xf32>
    %dot_general3A = arith.constant dense<0.000000e+00> : vector<2000x128xf32>
    %dot_general3A_29 = tpu.matmul %concatenate3A, %get3A_28, %dot_general3A {dimension_numbers = #tpu.dot_dimension_numbers<[1], [0], [0], [1], [0, 0, 1, 1], [], []>, transpose_lhs_hint = false} : vector<2000x384xf32>, vector<384x128xf32>, vector<2000x128xf32> -> vector<2000x128xf32>
    %get3A_30 = arith.constant 0 : index
    %get3A_31 = arith.constant 0 : index
    %get3A_32 = vector.load %arg6[%get3A_30, %get3A_31] : memref<1x128xf32, #tpu.memory_space<vmem>>, vector<1x128xf32>
    %add3A_33 = vector.broadcast %get3A_32 : vector<1x128xf32> to vector<2000x128xf32>
    %add3A_34 = arith.addf %dot_general3A_29, %add3A_33 : vector<2000x128xf32>
    %max3A = arith.constant 0.000000e+00 : f32
    %max3A_35 = vector.broadcast %max3A : f32 to vector<2000x128xf32>
    %max3A_36 = arith.maximumf %add3A_34, %max3A_35 : vector<2000x128xf32>
    %get3A_37 = arith.constant 0 : index
    %get3A_38 = arith.constant 0 : index
    %get3A_39 = vector.load %arg7[%get3A_37, %get3A_38] : memref<128x128xf32, #tpu.memory_space<vmem>>, vector<128x128xf32>
    %dot_general3A_40 = arith.constant dense<0.000000e+00> : vector<2000x128xf32>
    %dot_general3A_41 = tpu.matmul %max3A_36, %get3A_39, %dot_general3A_40 {dimension_numbers = #tpu.dot_dimension_numbers<[1], [0], [0], [1], [0, 0, 1, 1], [], []>, transpose_lhs_hint = false} : vector<2000x128xf32>, vector<128x128xf32>, vector<2000x128xf32> -> vector<2000x128xf32>
    %get3A_42 = arith.constant 0 : index
    %get3A_43 = arith.constant 0 : index
    %get3A_44 = vector.load %arg8[%get3A_42, %get3A_43] : memref<1x128xf32, #tpu.memory_space<vmem>>, vector<1x128xf32>
    %add3A_45 = vector.broadcast %get3A_44 : vector<1x128xf32> to vector<2000x128xf32>
    %add3A_46 = arith.addf %dot_general3A_41, %add3A_45 : vector<2000x128xf32>
    %add3A_47 = arith.addf %get3A_8, %add3A_46 : vector<2000x128xf32>
    %swap3A_48 = arith.constant 0 : index
    %swap3A_49 = arith.constant 0 : index
    %swap3A_50 = arith.constant 0 : index
    %swap3A_51 = vector.load %arg9[%swap3A_48, %swap3A_49, %swap3A_50] : memref<1x2000x128xf32, #tpu.memory_space<vmem>>, vector<1x2000x128xf32>
    %swap3A_52 = vector.shape_cast %swap3A_51 : vector<1x2000x128xf32> to vector<2000x128xf32>
    %swap3A_53 = vector.shape_cast %add3A_47 : vector<2000x128xf32> to vector<1x2000x128xf32>
    tpu.vector_store %arg9[%swap3A_48, %swap3A_49, %swap3A_50], %swap3A_53 {strides = array<i32>} : memref<1x2000x128xf32, #tpu.memory_space<vmem>>, vector<1x2000x128xf32>,
    return
  }
  func.func @transform_0(%arg0: i32, %arg1: i32) -> (i32, i32, i32) {
    %c0_i32 = arith.constant 0 : i32
    %c0_i32_0 = arith.constant 0 : i32
    return %arg0, %arg1, %c0_i32 : i32, i32, i32
  }
  func.func @transform_1(%arg0: i32, %arg1: i32) -> (i32, i32, i32) {
    %c0_i32 = arith.constant 0 : i32
    %c0_i32_0 = arith.constant 0 : i32
    return %arg0, %arg1, %c0_i32 : i32, i32, i32
  }
  func.func @transform_2(%arg0: i32, %arg1: i32) -> (i32, i32, i32, i32) {
    %c0_i32 = arith.constant 0 : i32
    %c0_i32_0 = arith.constant 0 : i32
    %c0_i32_1 = arith.constant 0 : i32
    return %arg0, %c0_i32, %arg1, %c0_i32_0 : i32, i32, i32, i32
  }
  func.func @transform_3(%arg0: i32, %arg1: i32) -> (i32, i32) {
    %c0_i32 = arith.constant 0 : i32
    %c0_i32_0 = arith.constant 0 : i32
    %c0_i32_1 = arith.constant 0 : i32
    return %c0_i32, %c0_i32_0 : i32, i32
  }
  func.func @transform_4(%arg0: i32, %arg1: i32) -> (i32, i32) {
    %c0_i32 = arith.constant 0 : i32
    %c0_i32_0 = arith.constant 0 : i32
    %c0_i32_1 = arith.constant 0 : i32
    return %c0_i32, %c0_i32_0 : i32, i32
  }
  func.func @transform_5(%arg0: i32, %arg1: i32) -> (i32, i32) {
    %c0_i32 = arith.constant 0 : i32
    %c0_i32_0 = arith.constant 0 : i32
    %c0_i32_1 = arith.constant 0 : i32
    return %c0_i32, %c0_i32_0 : i32, i32
  }
  func.func @transform_6(%arg0: i32, %arg1: i32) -> (i32, i32) {
    %c0_i32 = arith.constant 0 : i32
    %c0_i32_0 = arith.constant 0 : i32
    %c0_i32_1 = arith.constant 0 : i32
    return %c0_i32, %c0_i32_0 : i32, i32
  }
  func.func @transform_7(%arg0: i32, %arg1: i32) -> (i32, i32, i32) {
    %c0_i32 = arith.constant 0 : i32
    %c0_i32_0 = arith.constant 0 : i32
    return %arg0, %arg1, %c0_i32 : i32, i32, i32
  }
  func.func @transform_8(%arg0: i32, %arg1: i32) -> (i32, i32, i32) {
    %c0_i32 = arith.constant 0 : i32
    %c0_i32_0 = arith.constant 0 : i32
    return %arg0, %arg1, %c0_i32 : i32, i32, i32
  }
}

</mosaic_0001>

<sc_bundles>
// kernel: kernel.10.cloned.1.call-start
scs
__scs_entry_jumppad:
0x0: {  	(pc) =	sbr.rel $0x88, $3  }
0x1: {  	(tag) =	ssettag $0x0;
	lr =	simm.s32 $0x1  }
0x2: {  	[smem:$0x3F95] =	sst lr;
	_ =	strace $0xD0000000  }
0x3: {  	_ = 	snop  }
0x4: {  	_ = 	snop  }
0x5: {  	_ = 	snop  }
0x6: {  	_ = 	snop  }
0x7: {  	_ = 	snop  }
__scs_overlays_trampoline_lowered:
0x8: {  	[smem:$0x3FA4] =	sst s0  }
0x9: {  	[smem:$0x3FA5] =	sst s1  }
0xa: {  	[smem:$0x3FA6] =	sst s2  }
0xb: {  	[smem:$0x3FA7] =	sst s3  }
0xc: {  	[smem:$0x3FA8] =	sst s4  }
0xd: {  	[smem:$0x3FA9] =	sst s5  }
0xe: {  	[smem:$0x3FAA] =	sst s6  }
0xf: {  	[smem:$0x3FAB] =	sst s7  }
0x10: {  	[smem:$0x3FAC] =	sst s8  }
0x11: {  	[smem:$0x3FAD] =	sst s9;
	s0 =	simm.s32 @!p0 $0x0  }
0x12: {  	s1 =	sld [smem:$0x3F93];
	s0 =	simm.s32 @p0 $0x1  }
0x13: {  	[smem:$0x3FAE] =	sst s0;
	s0 =	simm.s32 @!p1 $0x0  }
0x14: {  	s2 =	sld [smem:$0x3F92];
	s0 =	simm.s32 @p1 $0x1  }
0x15: {  	[smem:$0x3FAF] =	sst s0;
	s0 =	simm.s32 @!p2 $0x0  }
0x16: {  	s3 =	sld [smem:$0x3FDB];
	s0 =	simm.s32 @p2 $0x1  }
0x17: {  	s4 =	simm.s32 $0x1BF5;
	[smem:$0x3FB1] =	sst s0  }
0x18: {  	s0 =	sld [smem:$0x3F94];
	_ =	swait.ge [sflag:s4], $0x0  }
0x19: {  	s7 =	sld [smem:$0x3F95]  }
0x1a: {  	s8 =	sadd.s32 $0xFFFFE003, lr  }
0x1b: {  	s9 =	sadd.s32 $0xFFFFFEF7, lr;
	s5 =	simm.s32 $0xFFFFFFFF;
	p2 =	slt.u32 s8, $0xFFFFF086  }
0x1c: {  	p1 =	slt.u32 s9, $0xF7A;
	s5 =	simm.s32 @!p2 $0x0  }
0x1d: {  	s5 =	simm.s32 @p1 $0x1;
	p0 =	seq.s32 s7, s2  }
0x1e: {  	s7 =	smul.u32 @!p0 $0xF7A, s2;
	p2 =	seq.s32 @!p0 s5, $0x0  }
0x1f: {  	s9 =	smul.u32 $0xF7A, s1;
	s8 =	simm.s32 @!p0 $0x1BF5;
	p2 =	por !p2, p0  }
0x20: {  	[sflag:s8] =	ssyncset.s32 @!p0 $0xFFFFF086;
	s6 =	sadd.s32 @!p0 s3, s7;
	s7 =	simm.s32 @!p0 $0x108  }
0x21: {  	s3 =	sadd.s32 s3, s9;
	s6 =	sadd.s32 @!p0 $0x88, s6;
	s7 =	simm.s32 @p2 $0x1082  }
0x22: {  	[simem:s7], [sflag:s8] =	dma.local @!p0 [hbm:s6], $0xF7A  }
0x23: {  	s9 =	sor.u32 $0xD0000000, s2;
	s6 =	simm.s32 $0x108;
	_ =	swait.ge @!p0 [sflag:s8], $0x0  }
0x24: {  	s3 =	sadd.s32 $0x88, s3;
	s6 =	simm.s32 @!p1 $0x1082;
	[sflag:s4] =	ssyncset.s32 $0xFFFFF086  }
0x25: {  	[simem:s6], [sflag:s4] =	dma.local [hbm:s3], $0xF7A  }
0x26: {  	[smem:$0x3F95] =	sst s1;
	(tag) =	ssettag s2;
	_ =	strace s9  }
0x27: {  	s1 =	sld [smem:$0x3FA5]  }
0x28: {  	s2 =	sld [smem:$0x3FA6]  }
0x29: {  	s4 =	sld [smem:$0x3FA8]  }
0x2a: {  	p0 =	seq.s32 s5, $0x0;
	s5 =	sld [smem:$0x3FA9]  }
0x2b: {  	s6 =	sld [smem:$0x3FAA]  }
0x2c: {  	s7 =	sld [smem:$0x3FAB]  }
0x2d: {  	s3 =	simm.s32 $0x108;
	s8 =	sld [smem:$0x3FAC]  }
0x2e: {  	s3 =	simm.s32 @!p0 $0x1082;
	s9 =	sld [smem:$0x3FAD]  }
0x2f: {  	lr =	sadd.s32 s0, s3;
	s0 =	sld [smem:$0x3FA4]  }
0x30: {  	s3 =	sld [smem:$0x3FA7]  }
0x31: {  	[smem:$0x3FB0] =	sst s10  }
0x32: {  	s10 =	sld [smem:$0x3FAE];
	_ =	sdelay $0x3  }
0x33: {  	p0 =	seq.s32 s10, $0x1;
	s10 =	sld [smem:$0x3FB0];
	_ =	sdelay $0x3  }
0x34: {  	[smem:$0x3FB0] =	sst s10  }
0x35: {  	s10 =	sld [smem:$0x3FAF];
	_ =	sdelay $0x3  }
0x36: {  	p1 =	seq.s32 s10, $0x1;
	s10 =	sld [smem:$0x3FB0];
	_ =	sdelay $0x3  }
0x37: {  	[smem:$0x3FB0] =	sst s10  }
0x38: {  	s10 =	sld [smem:$0x3FB1]  }
0x39: {  	_ = 	snop;
	(pc) =	sbr.ind lr, $3  }
0x3a: {  	_ = 	snop  }
0x3b: {  	_ = 	snop  }
0x3c: {  	p2 =	seq.s32 s10, $0x1;
	s10 =	sld [smem:$0x3FB0]  }
0x3d: {  	_ =	shalt  }
0x3e: {  	_ =	shalt  }
0x3f: {  	_ =	shalt  }
0x40: {  	_ =	shalt  }
0x41: {  	_ =	shalt  }
0x42: {  	_ =	shalt  }
0x43: {  	_ =	shalt  }
0x44: {  	_ =	shalt  }
0x45: {  	_ =	shalt  }
0x46: {  	_ =	shalt  }
0x47: {  	_ =	shalt  }
0x48: {  	_ =	shalt  }
0x49: {  	_ =	shalt  }
0x4a: {  	_ =	shalt  }
0x4b: {  	_ =	shalt  }
0x4c: {  	_ =	shalt  }
0x4d: {  	_ =	shalt  }
0x4e: {  	_ =	shalt  }
0x4f: {  	_ =	shalt  }
0x50: {  	_ =	shalt  }
0x51: {  	_ =	shalt  }
0x52: {  	_ =	shalt  }
0x53: {  	_ =	shalt  }
0x54: {  	_ =	shalt  }
0x55: {  	_ =	shalt  }
0x56: {  	_ =	shalt  }
0x57: {  	_ =	shalt  }
0x58: {  	_ =	shalt  }
0x59: {  	_ =	shalt  }
0x5a: {  	_ =	shalt  }
0x5b: {  	_ =	shalt  }
0x5c: {  	_ =	shalt  }
0x5d: {  	_ =	shalt  }
0x5e: {  	_ =	shalt  }
0x5f: {  	_ =	shalt  }
0x60: {  	_ =	shalt  }
0x61: {  	_ =	shalt  }
0x62: {  	_ =	shalt  }
0x63: {  	_ =	shalt  }
0x64: {  	_ =	shalt  }
0x65: {  	_ =	shalt  }
0x66: {  	_ =	shalt  }
0x67: {  	_ =	shalt  }
0x68: {  	_ =	shalt  }
0x69: {  	_ =	shalt  }
0x6a: {  	_ =	shalt  }
0x6b: {  	_ =	shalt  }
0x6c: {  	_ =	shalt  }
0x6d: {  	_ =	shalt  }
0x6e: {  	_ =	shalt  }
0x6f: {  	_ =	shalt  }
0x70: {  	_ =	shalt  }
0x71: {  	_ =	shalt  }
0x72: {  	_ =	shalt  }
0x73: {  	_ =	shalt  }
0x74: {  	_ =	shalt  }
0x75: {  	_ =	shalt  }
0x76: {  	_ =	shalt  }
0x77: {  	_ =	shalt  }
0x78: {  	_ =	shalt  }
0x79: {  	_ =	shalt  }
0x7a: {  	_ =	shalt  }
0x7b: {  	_ =	shalt  }
0x7c: {  	_ =	shalt  }
0x7d: {  	_ =	shalt  }
0x7e: {  	_ =	shalt  }
0x7f: {  	_ =	shalt  }
0x80: {  	_ =	shalt  }
0x81: {  	_ =	shalt  }
0x82: {  	_ =	shalt  }
0x83: {  	_ =	shalt  }
0x84: {  	_ =	shalt  }
0x85: {  	_ =	shalt  }
0x86: {  	_ =	shalt  }
0x87: {  	_ =	shalt  }
.Lfunc_end0:
.L_simem_size_0:
called_computation.1_lowered:
.L_overlay_start_0:
0x88: {  	s2 =	sld [smem:$0x3FD9]  }
0x89: {  	s3 =	sld [smem:$0x3FFE];
	_ =	sdelay $0x1  }
0x8a: {  	s1 =	srdreg.scid  }
0x8b: {  	s0 =	sand.u32 $0x1, s1  }
0x8c: {  	s16 =	sshll.u32 s0, $0xA;
	s2 =	sadd.s32 s3, s2  }
0x8d: {  	s2 =	sadd.s32 s2, s16  }
0x8e: {  	[smem:$0x3FBC] =	sst s2  }
0x8f: {  	_ = 	snop  }
0x90: {  	(tm) =	ssettm $0x1  }
0x91: {  	s17 =	sld [smem:$0x3FFB];
	_ =	sdelay $0x3  }
0x92: {  	_ =	strace s17  }
0x93: {  	s2 =	sld [smem:$0x3FFC];
	_ =	sdelay $0x3  }
0x94: {  	_ =	strace s2  }
0x95: {  	s2 =	sld [smem:$0x3FFD];
	_ =	sdelay $0x3  }
0x96: {  	_ =	strace s2  }
0x97: {  	_ =	strace $0x8FFFFFFF  }
0x98: {  	s18 =	sld [smem:$0x3FDB];
	_ =	sdelay $0x1  }
0x99: {  	s19 =	simm.s32 $_scs_section_size  }
0x9a: {  	s4 =	simm.s32 $_size__tile_overlayer_lowered;
	s5 =	simm.s32 $_tile_overlayer_lowered  }
0x9b: {  	s22 =	simm.s32 $0x1BFF;
	s21 =	sshll.u32 s5, $0x1;
	s2 =	sadd.s32 s19, s18  }
0x9c: {  	s6 =	simm.s32 $0x0;
	s20 =	sshll.u32 s4, $0x1;
	s4 =	sadd.s32 s21, s2  }
0x9d: {  	[timem:s6], [sflag:s22] =	dma.local [hbm:s4], s20  }
0x9e: {  	_ =	swait.ge [sflag:s22], s20  }
0x9f: {  	s3 =	ssub.s32 $0x0, s20;
	[sflag:s22] =	ssyncset.done $0x0  }
0xa0: {  	[sflag:s22] =	ssyncadd.s32 s3;
	_ =	sdelay $0x1  }
0xa1: {  	s23 =	simm.s32 $0x1B8B  }
0xa2: {  	_ =	swait.ge [sflag:s23], $0x1  }
0xa3: {  	[sflag:s23] =	ssyncset.done $0x0  }
0xa4: {  	s25 =	simm.s32 $0x1B8E;
	s24 =	sld [smem:$0x3FFE];
	[sflag:s23] =	ssyncadd.s32 $0xFFFFFFFF  }
0xa5: {  	s26 =	simm.s32 $execute0_lowered;
	[smem:$0x3FD2] =	sst s25  }
0xa6: {  	s4 =	sshll.u32 s26, $0x1;
	_ =	strace $0x80000049;
	[dreg:$0x1] =	wrdreg $0xFFFFFFFF  }
0xa7: {  	s28 =	simm.s32 $_size_execute0_lowered;
	s2 =	sadd.s32 s2, s4;
	[dreg:$0x0] =	wrdreg $0x0  }
0xa8: {  	s4 =	sshll.u32 s28, $0x1;
	[dreg:$0x2] =	wrdreg s2  }
0xa9: {  	[dreg:$0x3] =	wrdreg s4  }
0xaa: {  	[dreg:$0x4] =	wrdreg $0xC0  }
0xab: {  	_ =	task [dreg:s6], $0x5FFFF  }
0xac: {  	[dreg:$0x1] =	wrdreg $0xFFFFFFFF  }
0xad: {  	[dreg:$0x0] =	wrdreg $0x60  }
0xae: {  	[dreg:$0x2] =	wrdreg s24  }
0xaf: {  	[dreg:$0x3] =	wrdreg $0xA4000  }
0xb0: {  	[dreg:$0x4] =	wrdreg $0x9  }
0xb1: {  	_ =	task.clear_ibuf [dreg:s6], $0x5FFFF;
	_ =	strace $0x90000049  }
0xb2: {  	s29 =	simm.s32 $0x9;
	_ =	strace $0x8000004B  }
0xb3: {  	_ =	swait.ge [sflag:s29], $0x1  }
0xb4: {  	[sflag:s29] =	ssyncadd.s32 $0xFFFFFFFF  }
0xb5: {  	_ =	strace $0x9000004B  }
0xb6: {  	_ =	sfence  }
0xb7: {  	s30 =	sld [smem:$0x0];
	_ =	sdelay $0x2  }
0xb8: {  	s31 =	sshll.u32 s1, $0xD;
	s1 =	sshrl.u32 s1, $0x2  }
0xb9: {  	s3 =	sand.u32 $0x4000, s31;
	s1 =	sadd.s32 s1, s30  }
0xba: {  	s0 =	sor.u32 s3, s0;
	s1 =	sshll.u32 s1, $0x11  }
0xbb: {  	s0 =	sor.u32 s1, s0  }
0xbc: {  	s0 =	sadd.s32 $0x8F2B, s0  }
0xbd: {  	[sflag:s0] =	ssyncadd.remote.s32 $0x1  }
0xbe: {  	_ =	sfence.sel $0xFFFF  }
0xbf: {  	[dreg:$0x0] =	wrdreg $0xFFFFFFFF;
	(pc) =	sbr.abs _section_cstart, $3  }
0xc0: {  	[dreg:$0x1] =	wrdreg $0xFFFFFFFF  }
0xc1: {  	_ =	task.clear_ibuf [dreg:s6], $0x2FFFF;
	_ =	strace $0x9FFFFFFF  }
0xc2: {  	(tm) =	ssettm $0x7FFFFFFF  }
0xc3: {  	_ =	shalt  }
tec
execute0_lowered:
.L_overlay_start_1:
0x0: {  	(tag) =	ssettag $0x1  }
0x1: {  	s4 =	rddreg [dreg:$0x0];
	s3 =	srdreg.scid  }
0x2: {  	s1 =	rddreg [dreg:$0x1];
	s6 =	sand.u32 $0x1, s3  }
0x3: {  	s2 =	simm.s32 $0x0;
	s3 =	stileid.u32;
	s7 =	smul.u32 $0x27100, s6  }
0x4: {  	s21 =	simm.s32 $0x4000;
	s22 =	simm.s32 $0x6800;
	s11 =	smul.u32 $0x2710, s3  }
0x5: {  	s23 =	simm.s32 $0x1;
	s10 =	sadd.s32 $0x2735E00, s4;
	s26 =	smul.u32 $0x138800, s6  }
0x6: {  	[smem:$0x7FF] =	sst s2;
	s18 =	sadd.s32 $0x13ADE00, s4;
	s12 =	smul.u32 $0x7D000, s3  }
0x7: {  	s28 =	simm.s32 $0x0;
	_ =	strace $0x8000004A;
	s13 =	smul.u32 $0x271000, s6  }
0x8: {  	s5 =	ssub.s32 $0x2, s6;
	s8 =	sshll.u32 s3, $0xB;
	s14 =	smul.u32 $0x1F400, s3  }
0x9: {  	s24 =	sshll.u32 s6, $0xF;
	s15 =	smul.u32 $0x27100, s3;
	s9 =	sshrl.u32 s5, $0x1  }
0xa: {  	p0 =	sgt.u32 s3, $0x9;
	s8 =	sadd.s32 s8, s4;
	s9 =	ssub.s32 s5, s9  }
0xb: {  	s25 =	sadd.s32 s11, s7;
	s4 =	sadd.s32 s24, s8;
	s12 =	sshrl.u32 s12, $0x2  }
0xc: {  	s13 =	sadd.s32 s13, s10;
	s16 =	sadd.s32 s14, s26;
	s24 =	simm.s32 $0x50  }
0xd: {  	s26 =	simm.s32 $0x3E00;
	s5 =	sshll.u32 s25, $0x4;
	s0 =	sadd.s32 $0x139DE00, s4  }
0xe: {  	s9 =	smax.u32 s9, $0x1;
	s17 =	sadd.s32 s15, s13;
	s29 =	sshrl.u32 s16, $0x3  }
0xf: {  	s14 =	sadd.s32 $0x271000, s16;
	s30 =	sadd.s32 $0x4E2000, s16;
	s20 =	sadd.s32 $0x753000, s16  }
0x10: {  	s25 =	simm.s32 $0x2;
	[dreg:$0x3] =	wrdreg s0;
	s5 =	sadd.s32 s10, s5  }
0x11: {  	s10 =	sadd.s32 s12, s1;
	s11 =	sadd.s32 $0xA00, s17;
	s12 =	sadd.s32 s29, s18  }
.Ltmp0:
0x12: {  	s13 =	sadd.s32 $0x4E2A00, s17;
	s14 =	sshrl.u32 s14, $0x3;
	(pc) =	sbr.rel .LBB2_1-.Ltmp0, $4  }
0x13: {  	s19 =	sshrl.u32 s30, $0x3;
	s15 =	sadd.s32 $0x9C4A00, s17;
	s31 =	sshrl.u32 s20, $0x3  }
0x14: {  	s17 =	sadd.s32 $0xEA6A00, s17;
	s20 =	simm.s32 $0x9000;
	s6 =	sadd.s32 $0x4E2000, s5  }
0x15: {  	s7 =	sadd.s32 $0x9C4000, s5;
	s8 =	sadd.s32 $0xEA6000, s5;
	s14 =	sadd.s32 s14, s18  }
0x16: {  	v0 =	vimm.f32 $0.0e+00;
	s16 =	sadd.s32 s19, s18;
	s18 =	sadd.s32 s31, s18;
	s19 =	simm.s32 $0x3  }
.LBB2_39:
0x17: {  	[sflag:s19] =	ssyncset.done $0x0  }
0x18: {  	[sflag:s19] =	ssyncadd.s32 $0xFFFFFD80  }
.LBB2_40:
0x19: {  	s28 =	sadd.s32 $0x1, s28  }
0x1a: {  	p1 =	sne.s32 s28, s9  }
.Ltmp1:
0x1b: {  	_ = 	snop;
	(pc) =	sbr.rel @!p1 .LBB2_41-.Ltmp1, $2  }
0x1c: {  	_ =	sdelay $0x1  }
0x1d: {  	[bflag:$0x0] =	sbarrier.arrive $0xFFFF;
	_ =	sdelay $0x1  }
.LBB2_1:
0x1e: {  	s0 =	rddreg [dreg:$0x3]  }
0x1f: {  	[tilespmem:s2], [sflag:$0x3] =	stream.linear.gather [hbm4b:s0+s2], $0x3E80, $0x38;
	[tilespmem:$0x1DC80] =	vst v63  }
0x20: {  	_ =	swait.ge [sflag:s19], $0x3E80  }
0x21: {  	[sflag:s19] =	ssyncset.done $0x0  }
0x22: {  	s29 =	simm.s32 $0x0;
	s30 =	simm.s32 $0x200;
	[sflag:s19] =	ssyncadd.s32 $0xFFFFC180  }
.LBB2_2:
0x23: {  	p1 =	sne.s32 s30, $0x4E00;
	[tilespmem:s29+$0x9070] =	vst v0  }
0x24: {  	[tilespmem:s29+$0x9000] =	vst v0  }
0x25: {  	[tilespmem:s29+$0x9010] =	vst v0  }
.Ltmp2:
0x26: {  	[tilespmem:s29+$0x9020] =	vst v0;
	(pc) =	sbr.rel @p1 .LBB2_2-.Ltmp2, $4  }
0x27: {  	[tilespmem:s29+$0x9030] =	vst v0  }
0x28: {  	[tilespmem:s29+$0x9040] =	vst v0  }
0x29: {  	[tilespmem:s29+$0x9050] =	vst v0  }
0x2a: {  	[tilespmem:s29+$0x9060] =	vst v0;
	s29 =	sshra.s32 s30, $0x2;
	s30 =	sadd.s32 $0x200, s30  }
0x2b: {  	[tilespmem:s29+$0x9070] =	vst v0  }
0x2c: {  	[tilespmem:s29+$0x9000] =	vst v0  }
0x2d: {  	[tilespmem:s29+$0x9010] =	vst v0  }
.Ltmp3:
0x2e: {  	[tilespmem:s29+$0x9020] =	vst v0;
	(pc) =	sbr.rel @p0 .LBB2_7-.Ltmp3, $4  }
0x2f: {  	[tilespmem:s29+$0x9030] =	vst v0  }
0x30: {  	[tilespmem:s29+$0x9040] =	vst v0  }
0x31: {  	[tilespmem:s29+$0x9050] =	vst v0  }
0x32: {  	[tilespmem:s29+$0x9060] =	vst v0;
	s29 =	simm.s32 $0x0  }
0x33: {  	s30 =	sshra.s32 s29, $0x2  }
0x34: {  	s30 =	sadd.s32 s30, s10  }
0x35: {  	[spmem:s30] =	stream.linear.scatter [tilespmem:s20], [sflag:$0x3], $0x1400, $0x38;
	[tilespmem:$0x1DC80] =	vst v63  }
0x36: {  	s29 =	sadd.s32 $0x5000, s29;
	_ =	swait.ge [sflag:s19], $0x1400  }
.LBB2_5:
0x37: {  	s30 =	sshra.s32 s29, $0x2;
	[sflag:s19] =	ssyncset.done $0x0;
	p1 =	sne.s32 s29, $0x78000  }
.Ltmp4:
0x38: {  	s30 =	sadd.s32 s30, s10;
	[sflag:s19] =	ssyncadd.s32 $0xFFFFEC00;
	(pc) =	sbr.rel @p1 .LBB2_5-.Ltmp4, $3  }
0x39: {  	[spmem:s30] =	stream.linear.scatter [tilespmem:s20], [sflag:$0x3], $0x1400, $0x38;
	[tilespmem:$0x1DC80] =	vst v63  }
0x3a: {  	s29 =	sadd.s32 $0x5000, s29;
	_ =	sdelay $0x1  }
0x3b: {  	_ =	swait.ge [sflag:s19], $0x1400  }
0x3c: {  	[sflag:s19] =	ssyncset.done $0x0  }
0x3d: {  	[sflag:s19] =	ssyncadd.s32 $0xFFFFEC00  }
.LBB2_7:
0x3e: {  	[bflag:$0x0] =	sbarrier.arrive $0xFFFF;
	s29 =	simm.s32 $0x0  }
0x3f: {  	[tilespmem:s21], [sflag:$0x1] =	stream.linear.gather [hbm4b:s5+s29], $0x2800, $0x38;
	[tilespmem:$0x1DC80] =	vst v63  }
0x40: {  	s29 =	sadd.s32 $0xFFFFFB00, s11  }
0x41: {  	[tilespmem:s22], [sflag:$0x2] =	stream.linear.gather [hbm4b:s29+s2], $0x2800, $0x38;
	[tilespmem:$0x1DC80] =	vst v63  }
0x42: {  	_ =	swait.ge [sflag:s23], $0x2800  }
0x43: {  	[sflag:s23] =	ssyncset.done $0x0  }
0x44: {  	s29 =	simm.s32 $0x0;
	[sflag:s23] =	ssyncadd.s32 $0xFFFFD800  }
0x45: {  	[spmem:s1] =	stream.indirect.scatter.add.f32 [tilespmem:s21], [sflag:$0x3], $0x80, s29, s24, $0xb8;
	[tilespmem:$0x1DC80] =	vst v63  }
0x46: {  	_ =	swait.ge [sflag:s19], $0x2800  }
0x47: {  	[sflag:s19] =	ssyncset.done $0x0  }
0x48: {  	[sflag:s19] =	ssyncadd.s32 $0xFFFFD800  }
0x49: {  	[tilespmem:s21], [sflag:$0x1] =	stream.linear.gather [hbm4b:s11+s2], $0x2800, $0x38;
	[tilespmem:$0x1DC80] =	vst v63  }
0x4a: {  	_ =	swait.ge [sflag:s25], $0x2800  }
0x4b: {  	[sflag:s25] =	ssyncset.done $0x0  }
0x4c: {  	s29 =	simm.s32 $0x80;
	[sflag:s25] =	ssyncadd.s32 $0xFFFFD800  }
0x4d: {  	[spmem:s1] =	stream.indirect.scatter.add.f32 [tilespmem:s22], [sflag:$0x3], $0x80, s29, s24, $0xb8;
	[tilespmem:$0x1DC80] =	vst v63  }
0x4e: {  	s30 =	simm.s32 $0x400;
	_ =	swait.ge [sflag:s19], $0x2800  }
0x4f: {  	s31 =	simm.s32 $0x800;
	s29 =	sadd.s32 $0xA00, s11;
	[sflag:s19] =	ssyncset.done $0x0  }
.LBB2_8:
0x50: {  	p1 =	sne.s32 s31, $0xF400;
	s0 =	sadd.s32 $0xFFFFFB00, s29;
	[sflag:s19] =	ssyncadd.s32 $0xFFFFD800  }
0x51: {  	[tilespmem:s22], [sflag:$0x2] =	stream.linear.gather [hbm4b:s0+s2], $0x2800, $0x38;
	[tilespmem:$0x1DC80] =	vst v63  }
0x52: {  	s0 =	smov.u32 s31;
	s31 =	sadd.s32 $0x400, s31;
	_ =	swait.ge [sflag:s23], $0x2800  }
0x53: {  	[sflag:s23] =	ssyncset.done $0x0  }
0x54: {  	s4 =	sshra.s32 s30, $0x2;
	s30 =	smov.u32 s0;
	[sflag:s23] =	ssyncadd.s32 $0xFFFFD800  }
0x55: {  	[spmem:s1] =	stream.indirect.scatter.add.f32 [tilespmem:s21], [sflag:$0x3], $0x80, s4, s24, $0xb8;
	[tilespmem:$0x1DC80] =	vst v63  }
0x56: {  	_ =	swait.ge [sflag:s19], $0x2800  }
0x57: {  	[sflag:s19] =	ssyncset.done $0x0  }
0x58: {  	[sflag:s19] =	ssyncadd.s32 $0xFFFFD800  }
0x59: {  	[tilespmem:s21], [sflag:$0x1] =	stream.linear.gather [hbm4b:s29+s2], $0x2800, $0x38;
	[tilespmem:$0x1DC80] =	vst v63  }
0x5a: {  	_ =	swait.ge [sflag:s25], $0x2800  }
.Ltmp5:
0x5b: {  	[sflag:s25] =	ssyncset.done $0x0;
	(pc) =	sbr.rel @p1 .LBB2_8-.Ltmp5, $4  }
0x5c: {  	s0 =	sadd.s32 $0x80, s4;
	[sflag:s25] =	ssyncadd.s32 $0xFFFFD800  }
0x5d: {  	[spmem:s1] =	stream.indirect.scatter.add.f32 [tilespmem:s22], [sflag:$0x3], $0x80, s0, s24, $0xb8;
	[tilespmem:$0x1DC80] =	vst v63  }
0x5e: {  	_ =	swait.ge [sflag:s19], $0x2800  }
0x5f: {  	s29 =	sadd.s32 $0xA00, s29;
	[sflag:s19] =	ssyncset.done $0x0  }
0x60: {  	s0 =	sadd.s32 $0xFFFFFB00, s29;
	[sflag:s19] =	ssyncadd.s32 $0xFFFFD800  }
0x61: {  	[tilespmem:s22], [sflag:$0x2] =	stream.linear.gather [hbm4b:s0+s2], $0x2800, $0x38;
	[tilespmem:$0x1DC80] =	vst v63  }
0x62: {  	_ =	swait.ge [sflag:s23], $0x2800  }
0x63: {  	[sflag:s23] =	ssyncset.done $0x0  }
0x64: {  	s31 =	sshra.s32 s30, $0x2;
	[sflag:s23] =	ssyncadd.s32 $0xFFFFD800  }
0x65: {  	[spmem:s1] =	stream.indirect.scatter.add.f32 [tilespmem:s21], [sflag:$0x3], $0x80, s31, s24, $0xb8;
	[tilespmem:$0x1DC80] =	vst v63  }
0x66: {  	_ =	swait.ge [sflag:s19], $0x2800  }
0x67: {  	[sflag:s19] =	ssyncset.done $0x0  }
0x68: {  	[sflag:s19] =	ssyncadd.s32 $0xFFFFD800  }
0x69: {  	[tilespmem:s21], [sflag:$0x1] =	stream.linear.gather [hbm4b:s29+s2], $0x2800, $0x38;
	[tilespmem:$0x1DC80] =	vst v63  }
0x6a: {  	_ =	swait.ge [sflag:s25], $0x2800  }
0x6b: {  	[sflag:s25] =	ssyncset.done $0x0  }
0x6c: {  	s0 =	sadd.s32 $0x80, s31;
	[sflag:s25] =	ssyncadd.s32 $0xFFFFD800  }
0x6d: {  	[spmem:s1] =	stream.indirect.scatter.add.f32 [tilespmem:s22], [sflag:$0x3], $0x80, s0, s24, $0xb8;
	[tilespmem:$0x1DC80] =	vst v63  }
0x6e: {  	_ =	swait.ge [sflag:s19], $0x2800  }
0x6f: {  	[sflag:s19] =	ssyncset.done $0x0  }
0x70: {  	[sflag:s19] =	ssyncadd.s32 $0xFFFFD800  }
0x71: {  	_ =	swait.ge [sflag:s23], $0x2800  }
0x72: {  	[sflag:s23] =	ssyncset.done $0x0  }
0x73: {  	[sflag:s23] =	ssyncadd.s32 $0xFFFFD800  }
0x74: {  	[spmem:s1] =	stream.indirect.scatter.add.f32 [tilespmem:s21], [sflag:$0x3], $0x80, s26, s24, $0xb8;
	[tilespmem:$0x1DC80] =	vst v63  }
.Ltmp6:
0x75: {  	_ =	swait.ge [sflag:s19], $0x2800;
	(pc) =	sbr.rel @p0 .LBB2_15-.Ltmp6, $4  }
0x76: {  	[sflag:s19] =	ssyncset.done $0x0  }
0x77: {  	[sflag:s19] =	ssyncadd.s32 $0xFFFFD800  }
0x78: {  	[bflag:$0x0] =	sbarrier.arrive $0xFFFF  }
0x79: {  	s30 =	simm.s32 $0x0  }
0x7a: {  	s0 =	sshll.u32 s3, $0x6  }
0x7b: {  	s4 =	sadd.s32 s30, s12;
	s29 =	sor.u32 $0x1C03, s0;
	s0 =	sshrl.u32 s10, $0x3  }
0x7c: {  	[hbm:s4], [sflag:s29] =	dma.local [spmem:s0], $0x280  }
0x7d: {  	s30 =	sadd.s32 $0x280, s30;
	s31 =	sadd.s32 $0x1400, s10;
	_ =	swait.ge [sflag:s19], $0x280  }
.LBB2_11:
0x7e: {  	s0 =	sadd.s32 s30, s12;
	[sflag:s19] =	ssyncset.done $0x0;
	p1 =	sne.s32 s30, $0x3C00  }
.Ltmp7:
0x7f: {  	s4 =	sshrl.u32 s31, $0x3;
	[sflag:s19] =	ssyncadd.s32 $0xFFFFFD80;
	(pc) =	sbr.rel @p1 .LBB2_11-.Ltmp7, $3  }
0x80: {  	[hbm:s0], [sflag:s29] =	dma.local [spmem:s4], $0x280  }
0x81: {  	s30 =	sadd.s32 $0x280, s30;
	_ =	sdelay $0x1  }
0x82: {  	s31 =	sadd.s32 $0x1400, s31;
	_ =	swait.ge [sflag:s19], $0x280  }
0x83: {  	[sflag:s19] =	ssyncset.done $0x0  }
0x84: {  	[sflag:s19] =	ssyncadd.s32 $0xFFFFFD80  }
0x85: {  	s0 =	sadd.s32 $0x0, s10;
	[bflag:$0x0] =	sbarrier.arrive $0xFFFF  }
0x86: {  	[spmem:s0] =	stream.linear.scatter [tilespmem:s20], [sflag:$0x3], $0x1400, $0x38;
	[tilespmem:$0x1DC80] =	vst v63  }
0x87: {  	s29 =	simm.s32 $0x5000;
	_ =	swait.ge [sflag:s19], $0x1400  }
.LBB2_13:
0x88: {  	s0 =	sshra.s32 s29, $0x2;
	[sflag:s19] =	ssyncset.done $0x0;
	p1 =	seq.s32 s29, $0x78000  }
.Ltmp8:
0x89: {  	s0 =	sadd.s32 s0, s10;
	[sflag:s19] =	ssyncadd.s32 $0xFFFFEC00;
	(pc) =	sbr.rel @!p1 .LBB2_13-.Ltmp8, $3  }
0x8a: {  	[spmem:s0] =	stream.linear.scatter [tilespmem:s20], [sflag:$0x3], $0x1400, $0x38;
	[tilespmem:$0x1DC80] =	vst v63  }
0x8b: {  	s29 =	sadd.s32 $0x5000, s29;
	_ =	sdelay $0x1  }
0x8c: {  	_ =	swait.ge [sflag:s19], $0x1400  }
.Ltmp9:
0x8d: {  	(pc) =	sbr.rel .LBB2_16-.Ltmp9, $3  }
0x8e: {  	_ =	sdelay $0x1  }
0x8f: {  	[sflag:s19] =	ssyncset.done $0x0  }
0x90: {  	[sflag:s19] =	ssyncadd.s32 $0xFFFFEC00  }
.LBB2_15:
0x91: {  	[bflag:$0x0] =	sbarrier.arrive $0xFFFF  }
.LBB2_16:
0x92: {  	[bflag:$0x0] =	sbarrier.arrive $0xFFFF;
	s0 =	simm.s32 $0x0  }
0x93: {  	[tilespmem:s21], [sflag:$0x1] =	stream.linear.gather [hbm4b:s6+s0], $0x2800, $0x38;
	[tilespmem:$0x1DC80] =	vst v63  }
0x94: {  	s4 =	sadd.s32 $0xFFFFFB00, s13  }
0x95: {  	[tilespmem:s22], [sflag:$0x2] =	stream.linear.gather [hbm4b:s4+s2], $0x2800, $0x38;
	[tilespmem:$0x1DC80] =	vst v63  }
0x96: {  	_ =	swait.ge [sflag:s23], $0x2800  }
0x97: {  	[sflag:s23] =	ssyncset.done $0x0  }
0x98: {  	s4 =	simm.s32 $0x0;
	[sflag:s23] =	ssyncadd.s32 $0xFFFFD800  }
0x99: {  	[spmem:s1] =	stream.indirect.scatter.add.f32 [tilespmem:s21], [sflag:$0x3], $0x80, s4, s24, $0xb8;
	[tilespmem:$0x1DC80] =	vst v63  }
0x9a: {  	_ =	swait.ge [sflag:s19], $0x2800  }
0x9b: {  	[sflag:s19] =	ssyncset.done $0x0  }
0x9c: {  	[sflag:s19] =	ssyncadd.s32 $0xFFFFD800  }
0x9d: {  	[tilespmem:s21], [sflag:$0x1] =	stream.linear.gather [hbm4b:s13+s2], $0x2800, $0x38;
	[tilespmem:$0x1DC80] =	vst v63  }
0x9e: {  	_ =	swait.ge [sflag:s25], $0x2800  }
0x9f: {  	[sflag:s25] =	ssyncset.done $0x0  }
0xa0: {  	s4 =	simm.s32 $0x80;
	[sflag:s25] =	ssyncadd.s32 $0xFFFFD800  }
0xa1: {  	[spmem:s1] =	stream.indirect.scatter.add.f32 [tilespmem:s22], [sflag:$0x3], $0x80, s4, s24, $0xb8;
	[tilespmem:$0x1DC80] =	vst v63  }
0xa2: {  	s30 =	simm.s32 $0x400;
	_ =	swait.ge [sflag:s19], $0x2800  }
0xa3: {  	s31 =	simm.s32 $0x800;
	s29 =	sadd.s32 $0xA00, s13;
	[sflag:s19] =	ssyncset.done $0x0  }
.LBB2_17:
0xa4: {  	p1 =	sne.s32 s31, $0xF400;
	s0 =	sadd.s32 $0xFFFFFB00, s29;
	[sflag:s19] =	ssyncadd.s32 $0xFFFFD800  }
0xa5: {  	[tilespmem:s22], [sflag:$0x2] =	stream.linear.gather [hbm4b:s0+s2], $0x2800, $0x38;
	[tilespmem:$0x1DC80] =	vst v63  }
0xa6: {  	s0 =	smov.u32 s31;
	s31 =	sadd.s32 $0x400, s31;
	_ =	swait.ge [sflag:s23], $0x2800  }
0xa7: {  	[sflag:s23] =	ssyncset.done $0x0  }
0xa8: {  	s4 =	sshra.s32 s30, $0x2;
	s30 =	smov.u32 s0;
	[sflag:s23] =	ssyncadd.s32 $0xFFFFD800  }
0xa9: {  	[spmem:s1] =	stream.indirect.scatter.add.f32 [tilespmem:s21], [sflag:$0x3], $0x80, s4, s24, $0xb8;
	[tilespmem:$0x1DC80] =	vst v63  }
0xaa: {  	_ =	swait.ge [sflag:s19], $0x2800  }
0xab: {  	[sflag:s19] =	ssyncset.done $0x0  }
0xac: {  	[sflag:s19] =	ssyncadd.s32 $0xFFFFD800  }
0xad: {  	[tilespmem:s21], [sflag:$0x1] =	stream.linear.gather [hbm4b:s29+s2], $0x2800, $0x38;
	[tilespmem:$0x1DC80] =	vst v63  }
0xae: {  	_ =	swait.ge [sflag:s25], $0x2800  }
.Ltmp10:
0xaf: {  	[sflag:s25] =	ssyncset.done $0x0;
	(pc) =	sbr.rel @p1 .LBB2_17-.Ltmp10, $4  }
0xb0: {  	s0 =	sadd.s32 $0x80, s4;
	[sflag:s25] =	ssyncadd.s32 $0xFFFFD800  }
0xb1: {  	[spmem:s1] =	stream.indirect.scatter.add.f32 [tilespmem:s22], [sflag:$0x3], $0x80, s0, s24, $0xb8;
	[tilespmem:$0x1DC80] =	vst v63  }
0xb2: {  	_ =	swait.ge [sflag:s19], $0x2800  }
0xb3: {  	s29 =	sadd.s32 $0xA00, s29;
	[sflag:s19] =	ssyncset.done $0x0  }
0xb4: {  	s0 =	sadd.s32 $0xFFFFFB00, s29;
	[sflag:s19] =	ssyncadd.s32 $0xFFFFD800  }
0xb5: {  	[tilespmem:s22], [sflag:$0x2] =	stream.linear.gather [hbm4b:s0+s2], $0x2800, $0x38;
	[tilespmem:$0x1DC80] =	vst v63  }
0xb6: {  	_ =	swait.ge [sflag:s23], $0x2800  }
0xb7: {  	[sflag:s23] =	ssyncset.done $0x0  }
0xb8: {  	s31 =	sshra.s32 s30, $0x2;
	[sflag:s23] =	ssyncadd.s32 $0xFFFFD800  }
0xb9: {  	[spmem:s1] =	stream.indirect.scatter.add.f32 [tilespmem:s21], [sflag:$0x3], $0x80, s31, s24, $0xb8;
	[tilespmem:$0x1DC80] =	vst v63  }
0xba: {  	_ =	swait.ge [sflag:s19], $0x2800  }
0xbb: {  	[sflag:s19] =	ssyncset.done $0x0  }
0xbc: {  	[sflag:s19] =	ssyncadd.s32 $0xFFFFD800  }
0xbd: {  	[tilespmem:s21], [sflag:$0x1] =	stream.linear.gather [hbm4b:s29+s2], $0x2800, $0x38;
	[tilespmem:$0x1DC80] =	vst v63  }
0xbe: {  	_ =	swait.ge [sflag:s25], $0x2800  }
0xbf: {  	[sflag:s25] =	ssyncset.done $0x0  }
0xc0: {  	s0 =	sadd.s32 $0x80, s31;
	[sflag:s25] =	ssyncadd.s32 $0xFFFFD800  }
0xc1: {  	[spmem:s1] =	stream.indirect.scatter.add.f32 [tilespmem:s22], [sflag:$0x3], $0x80, s0, s24, $0xb8;
	[tilespmem:$0x1DC80] =	vst v63  }
0xc2: {  	_ =	swait.ge [sflag:s19], $0x2800  }
0xc3: {  	[sflag:s19] =	ssyncset.done $0x0  }
0xc4: {  	[sflag:s19] =	ssyncadd.s32 $0xFFFFD800  }
0xc5: {  	_ =	swait.ge [sflag:s23], $0x2800  }
0xc6: {  	[sflag:s23] =	ssyncset.done $0x0  }
0xc7: {  	[sflag:s23] =	ssyncadd.s32 $0xFFFFD800  }
0xc8: {  	[spmem:s1] =	stream.indirect.scatter.add.f32 [tilespmem:s21], [sflag:$0x3], $0x80, s26, s24, $0xb8;
	[tilespmem:$0x1DC80] =	vst v63  }
.Ltmp11:
0xc9: {  	_ =	swait.ge [sflag:s19], $0x2800;
	(pc) =	sbr.rel @p0 .LBB2_24-.Ltmp11, $4  }
0xca: {  	[sflag:s19] =	ssyncset.done $0x0  }
0xcb: {  	[sflag:s19] =	ssyncadd.s32 $0xFFFFD800  }
0xcc: {  	[bflag:$0x0] =	sbarrier.arrive $0xFFFF  }
0xcd: {  	s30 =	simm.s32 $0x0  }
0xce: {  	s0 =	sshll.u32 s3, $0x6  }
0xcf: {  	s4 =	sadd.s32 s30, s14;
	s29 =	sor.u32 $0x1C03, s0;
	s0 =	sshrl.u32 s10, $0x3  }
0xd0: {  	[hbm:s4], [sflag:s29] =	dma.local [spmem:s0], $0x280  }
0xd1: {  	s30 =	sadd.s32 $0x280, s30;
	s31 =	sadd.s32 $0x1400, s10;
	_ =	swait.ge [sflag:s19], $0x280  }
.LBB2_20:
0xd2: {  	s0 =	sadd.s32 s30, s14;
	[sflag:s19] =	ssyncset.done $0x0;
	p1 =	sne.s32 s30, $0x3C00  }
.Ltmp12:
0xd3: {  	s4 =	sshrl.u32 s31, $0x3;
	[sflag:s19] =	ssyncadd.s32 $0xFFFFFD80;
	(pc) =	sbr.rel @p1 .LBB2_20-.Ltmp12, $3  }
0xd4: {  	[hbm:s0], [sflag:s29] =	dma.local [spmem:s4], $0x280  }
0xd5: {  	s30 =	sadd.s32 $0x280, s30;
	_ =	sdelay $0x1  }
0xd6: {  	s31 =	sadd.s32 $0x1400, s31;
	_ =	swait.ge [sflag:s19], $0x280  }
0xd7: {  	[sflag:s19] =	ssyncset.done $0x0  }
0xd8: {  	[sflag:s19] =	ssyncadd.s32 $0xFFFFFD80  }
0xd9: {  	s0 =	sadd.s32 $0x0, s10;
	[bflag:$0x0] =	sbarrier.arrive $0xFFFF  }
0xda: {  	[spmem:s0] =	stream.linear.scatter [tilespmem:s20], [sflag:$0x3], $0x1400, $0x38;
	[tilespmem:$0x1DC80] =	vst v63  }
0xdb: {  	s29 =	simm.s32 $0x5000;
	_ =	swait.ge [sflag:s19], $0x1400  }
.LBB2_22:
0xdc: {  	s0 =	sshra.s32 s29, $0x2;
	[sflag:s19] =	ssyncset.done $0x0;
	p1 =	seq.s32 s29, $0x78000  }
.Ltmp13:
0xdd: {  	s0 =	sadd.s32 s0, s10;
	[sflag:s19] =	ssyncadd.s32 $0xFFFFEC00;
	(pc) =	sbr.rel @!p1 .LBB2_22-.Ltmp13, $3  }
0xde: {  	[spmem:s0] =	stream.linear.scatter [tilespmem:s20], [sflag:$0x3], $0x1400, $0x38;
	[tilespmem:$0x1DC80] =	vst v63  }
0xdf: {  	s29 =	sadd.s32 $0x5000, s29;
	_ =	sdelay $0x1  }
0xe0: {  	_ =	swait.ge [sflag:s19], $0x1400  }
.Ltmp14:
0xe1: {  	(pc) =	sbr.rel .LBB2_25-.Ltmp14, $3  }
0xe2: {  	_ =	sdelay $0x1  }
0xe3: {  	[sflag:s19] =	ssyncset.done $0x0  }
0xe4: {  	[sflag:s19] =	ssyncadd.s32 $0xFFFFEC00  }
.LBB2_24:
0xe5: {  	[bflag:$0x0] =	sbarrier.arrive $0xFFFF  }
.LBB2_25:
0xe6: {  	[bflag:$0x0] =	sbarrier.arrive $0xFFFF;
	s0 =	simm.s32 $0x0  }
0xe7: {  	[tilespmem:s21], [sflag:$0x1] =	stream.linear.gather [hbm4b:s7+s0], $0x2800, $0x38;
	[tilespmem:$0x1DC80] =	vst v63  }
0xe8: {  	s4 =	sadd.s32 $0xFFFFFB00, s15  }
0xe9: {  	[tilespmem:s22], [sflag:$0x2] =	stream.linear.gather [hbm4b:s4+s2], $0x2800, $0x38;
	[tilespmem:$0x1DC80] =	vst v63  }
0xea: {  	_ =	swait.ge [sflag:s23], $0x2800  }
0xeb: {  	[sflag:s23] =	ssyncset.done $0x0  }
0xec: {  	s4 =	simm.s32 $0x0;
	[sflag:s23] =	ssyncadd.s32 $0xFFFFD800  }
0xed: {  	[spmem:s1] =	stream.indirect.scatter.add.f32 [tilespmem:s21], [sflag:$0x3], $0x80, s4, s24, $0xb8;
	[tilespmem:$0x1DC80] =	vst v63  }
0xee: {  	_ =	swait.ge [sflag:s19], $0x2800  }
0xef: {  	[sflag:s19] =	ssyncset.done $0x0  }
0xf0: {  	[sflag:s19] =	ssyncadd.s32 $0xFFFFD800  }
0xf1: {  	[tilespmem:s21], [sflag:$0x1] =	stream.linear.gather [hbm4b:s15+s2], $0x2800, $0x38;
	[tilespmem:$0x1DC80] =	vst v63  }
0xf2: {  	_ =	swait.ge [sflag:s25], $0x2800  }
0xf3: {  	[sflag:s25] =	ssyncset.done $0x0  }
0xf4: {  	s4 =	simm.s32 $0x80;
	[sflag:s25] =	ssyncadd.s32 $0xFFFFD800  }
0xf5: {  	[spmem:s1] =	stream.indirect.scatter.add.f32 [tilespmem:s22], [sflag:$0x3], $0x80, s4, s24, $0xb8;
	[tilespmem:$0x1DC80] =	vst v63  }
0xf6: {  	s30 =	simm.s32 $0x400;
	_ =	swait.ge [sflag:s19], $0x2800  }
0xf7: {  	s31 =	simm.s32 $0x800;
	s29 =	sadd.s32 $0xA00, s15;
	[sflag:s19] =	ssyncset.done $0x0  }
.LBB2_26:
0xf8: {  	p1 =	sne.s32 s31, $0xF400;
	s0 =	sadd.s32 $0xFFFFFB00, s29;
	[sflag:s19] =	ssyncadd.s32 $0xFFFFD800  }
0xf9: {  	[tilespmem:s22], [sflag:$0x2] =	stream.linear.gather [hbm4b:s0+s2], $0x2800, $0x38;
	[tilespmem:$0x1DC80] =	vst v63  }
0xfa: {  	s0 =	smov.u32 s31;
	s31 =	sadd.s32 $0x400, s31;
	_ =	swait.ge [sflag:s23], $0x2800  }
0xfb: {  	[sflag:s23] =	ssyncset.done $0x0  }
0xfc: {  	s4 =	sshra.s32 s30, $0x2;
	s30 =	smov.u32 s0;
	[sflag:s23] =	ssyncadd.s32 $0xFFFFD800  }
0xfd: {  	[spmem:s1] =	stream.indirect.scatter.add.f32 [tilespmem:s21], [sflag:$0x3], $0x80, s4, s24, $0xb8;
	[tilespmem:$0x1DC80] =	vst v63  }
0xfe: {  	_ =	swait.ge [sflag:s19], $0x2800  }
0xff: {  	[sflag:s19] =	ssyncset.done $0x0  }
0x100: {  	[sflag:s19] =	ssyncadd.s32 $0xFFFFD800  }
0x101: {  	[tilespmem:s21], [sflag:$0x1] =	stream.linear.gather [hbm4b:s29+s2], $0x2800, $0x38;
	[tilespmem:$0x1DC80] =	vst v63  }
0x102: {  	_ =	swait.ge [sflag:s25], $0x2800  }
.Ltmp15:
0x103: {  	[sflag:s25] =	ssyncset.done $0x0;
	(pc) =	sbr.rel @p1 .LBB2_26-.Ltmp15, $4  }
0x104: {  	s0 =	sadd.s32 $0x80, s4;
	[sflag:s25] =	ssyncadd.s32 $0xFFFFD800  }
0x105: {  	[spmem:s1] =	stream.indirect.scatter.add.f32 [tilespmem:s22], [sflag:$0x3], $0x80, s0, s24, $0xb8;
	[tilespmem:$0x1DC80] =	vst v63  }
0x106: {  	_ =	swait.ge [sflag:s19], $0x2800  }
0x107: {  	s29 =	sadd.s32 $0xA00, s29;
	[sflag:s19] =	ssyncset.done $0x0  }
0x108: {  	s0 =	sadd.s32 $0xFFFFFB00, s29;
	[sflag:s19] =	ssyncadd.s32 $0xFFFFD800  }
0x109: {  	[tilespmem:s22], [sflag:$0x2] =	stream.linear.gather [hbm4b:s0+s2], $0x2800, $0x38;
	[tilespmem:$0x1DC80] =	vst v63  }
0x10a: {  	_ =	swait.ge [sflag:s23], $0x2800  }
0x10b: {  	[sflag:s23] =	ssyncset.done $0x0  }
0x10c: {  	s31 =	sshra.s32 s30, $0x2;
	[sflag:s23] =	ssyncadd.s32 $0xFFFFD800  }
0x10d: {  	[spmem:s1] =	stream.indirect.scatter.add.f32 [tilespmem:s21], [sflag:$0x3], $0x80, s31, s24, $0xb8;
	[tilespmem:$0x1DC80] =	vst v63  }
0x10e: {  	_ =	swait.ge [sflag:s19], $0x2800  }
0x10f: {  	[sflag:s19] =	ssyncset.done $0x0  }
0x110: {  	[sflag:s19] =	ssyncadd.s32 $0xFFFFD800  }
0x111: {  	[tilespmem:s21], [sflag:$0x1] =	stream.linear.gather [hbm4b:s29+s2], $0x2800, $0x38;
	[tilespmem:$0x1DC80] =	vst v63  }
0x112: {  	_ =	swait.ge [sflag:s25], $0x2800  }
0x113: {  	[sflag:s25] =	ssyncset.done $0x0  }
0x114: {  	s0 =	sadd.s32 $0x80, s31;
	[sflag:s25] =	ssyncadd.s32 $0xFFFFD800  }
0x115: {  	[spmem:s1] =	stream.indirect.scatter.add.f32 [tilespmem:s22], [sflag:$0x3], $0x80, s0, s24, $0xb8;
	[tilespmem:$0x1DC80] =	vst v63  }
0x116: {  	_ =	swait.ge [sflag:s19], $0x2800  }
0x117: {  	[sflag:s19] =	ssyncset.done $0x0  }
0x118: {  	[sflag:s19] =	ssyncadd.s32 $0xFFFFD800  }
0x119: {  	_ =	swait.ge [sflag:s23], $0x2800  }
0x11a: {  	[sflag:s23] =	ssyncset.done $0x0  }
0x11b: {  	[sflag:s23] =	ssyncadd.s32 $0xFFFFD800  }
0x11c: {  	[spmem:s1] =	stream.indirect.scatter.add.f32 [tilespmem:s21], [sflag:$0x3], $0x80, s26, s24, $0xb8;
	[tilespmem:$0x1DC80] =	vst v63  }
.Ltmp16:
0x11d: {  	_ =	swait.ge [sflag:s19], $0x2800;
	(pc) =	sbr.rel @p0 .LBB2_33-.Ltmp16, $4  }
0x11e: {  	[sflag:s19] =	ssyncset.done $0x0  }
0x11f: {  	[sflag:s19] =	ssyncadd.s32 $0xFFFFD800  }
0x120: {  	[bflag:$0x0] =	sbarrier.arrive $0xFFFF  }
0x121: {  	s30 =	simm.s32 $0x0  }
0x122: {  	s0 =	sshll.u32 s3, $0x6  }
0x123: {  	s4 =	sadd.s32 s30, s16;
	s29 =	sor.u32 $0x1C03, s0;
	s0 =	sshrl.u32 s10, $0x3  }
0x124: {  	[hbm:s4], [sflag:s29] =	dma.local [spmem:s0], $0x280  }
0x125: {  	s30 =	sadd.s32 $0x280, s30;
	s31 =	sadd.s32 $0x1400, s10;
	_ =	swait.ge [sflag:s19], $0x280  }
.LBB2_29:
0x126: {  	s0 =	sadd.s32 s30, s16;
	[sflag:s19] =	ssyncset.done $0x0;
	p1 =	sne.s32 s30, $0x3C00  }
.Ltmp17:
0x127: {  	s4 =	sshrl.u32 s31, $0x3;
	[sflag:s19] =	ssyncadd.s32 $0xFFFFFD80;
	(pc) =	sbr.rel @p1 .LBB2_29-.Ltmp17, $3  }
0x128: {  	[hbm:s0], [sflag:s29] =	dma.local [spmem:s4], $0x280  }
0x129: {  	s30 =	sadd.s32 $0x280, s30;
	_ =	sdelay $0x1  }
0x12a: {  	s31 =	sadd.s32 $0x1400, s31;
	_ =	swait.ge [sflag:s19], $0x280  }
0x12b: {  	[sflag:s19] =	ssyncset.done $0x0  }
0x12c: {  	[sflag:s19] =	ssyncadd.s32 $0xFFFFFD80  }
0x12d: {  	s0 =	sadd.s32 $0x0, s10;
	[bflag:$0x0] =	sbarrier.arrive $0xFFFF  }
0x12e: {  	[spmem:s0] =	stream.linear.scatter [tilespmem:s20], [sflag:$0x3], $0x1400, $0x38;
	[tilespmem:$0x1DC80] =	vst v63  }
0x12f: {  	s29 =	simm.s32 $0x5000;
	_ =	swait.ge [sflag:s19], $0x1400  }
.LBB2_31:
0x130: {  	s0 =	sshra.s32 s29, $0x2;
	[sflag:s19] =	ssyncset.done $0x0;
	p1 =	seq.s32 s29, $0x78000  }
.Ltmp18:
0x131: {  	s0 =	sadd.s32 s0, s10;
	[sflag:s19] =	ssyncadd.s32 $0xFFFFEC00;
	(pc) =	sbr.rel @!p1 .LBB2_31-.Ltmp18, $3  }
0x132: {  	[spmem:s0] =	stream.linear.scatter [tilespmem:s20], [sflag:$0x3], $0x1400, $0x38;
	[tilespmem:$0x1DC80] =	vst v63  }
0x133: {  	s29 =	sadd.s32 $0x5000, s29;
	_ =	sdelay $0x1  }
0x134: {  	_ =	swait.ge [sflag:s19], $0x1400  }
.Ltmp19:
0x135: {  	(pc) =	sbr.rel .LBB2_34-.Ltmp19, $3  }
0x136: {  	_ =	sdelay $0x1  }
0x137: {  	[sflag:s19] =	ssyncset.done $0x0  }
0x138: {  	[sflag:s19] =	ssyncadd.s32 $0xFFFFEC00  }
.LBB2_33:
0x139: {  	[bflag:$0x0] =	sbarrier.arrive $0xFFFF  }
.LBB2_34:
0x13a: {  	[bflag:$0x0] =	sbarrier.arrive $0xFFFF;
	s0 =	simm.s32 $0x0  }
0x13b: {  	[tilespmem:s21], [sflag:$0x1] =	stream.linear.gather [hbm4b:s8+s0], $0x2800, $0x38;
	[tilespmem:$0x1DC80] =	vst v63  }
0x13c: {  	s4 =	sadd.s32 $0xFFFFFB00, s17  }
0x13d: {  	[tilespmem:s22], [sflag:$0x2] =	stream.linear.gather [hbm4b:s4+s2], $0x2800, $0x38;
	[tilespmem:$0x1DC80] =	vst v63  }
0x13e: {  	_ =	swait.ge [sflag:s23], $0x2800  }
0x13f: {  	[sflag:s23] =	ssyncset.done $0x0  }
0x140: {  	s4 =	simm.s32 $0x0;
	[sflag:s23] =	ssyncadd.s32 $0xFFFFD800  }
0x141: {  	[spmem:s1] =	stream.indirect.scatter.add.f32 [tilespmem:s21], [sflag:$0x3], $0x80, s4, s24, $0xb8;
	[tilespmem:$0x1DC80] =	vst v63  }
0x142: {  	_ =	swait.ge [sflag:s19], $0x2800  }
0x143: {  	[sflag:s19] =	ssyncset.done $0x0  }
0x144: {  	[sflag:s19] =	ssyncadd.s32 $0xFFFFD800  }
0x145: {  	[tilespmem:s21], [sflag:$0x1] =	stream.linear.gather [hbm4b:s17+s2], $0x2800, $0x38;
	[tilespmem:$0x1DC80] =	vst v63  }
0x146: {  	_ =	swait.ge [sflag:s25], $0x2800  }
0x147: {  	[sflag:s25] =	ssyncset.done $0x0  }
0x148: {  	s4 =	simm.s32 $0x80;
	[sflag:s25] =	ssyncadd.s32 $0xFFFFD800  }
0x149: {  	[spmem:s1] =	stream.indirect.scatter.add.f32 [tilespmem:s22], [sflag:$0x3], $0x80, s4, s24, $0xb8;
	[tilespmem:$0x1DC80] =	vst v63  }
0x14a: {  	s30 =	simm.s32 $0x400;
	_ =	swait.ge [sflag:s19], $0x2800  }
0x14b: {  	s31 =	simm.s32 $0x800;
	s29 =	sadd.s32 $0xA00, s17;
	[sflag:s19] =	ssyncset.done $0x0  }
.LBB2_35:
0x14c: {  	p1 =	sne.s32 s31, $0xF400;
	s0 =	sadd.s32 $0xFFFFFB00, s29;
	[sflag:s19] =	ssyncadd.s32 $0xFFFFD800  }
0x14d: {  	[tilespmem:s22], [sflag:$0x2] =	stream.linear.gather [hbm4b:s0+s2], $0x2800, $0x38;
	[tilespmem:$0x1DC80] =	vst v63  }
0x14e: {  	s0 =	smov.u32 s31;
	s31 =	sadd.s32 $0x400, s31;
	_ =	swait.ge [sflag:s23], $0x2800  }
0x14f: {  	[sflag:s23] =	ssyncset.done $0x0  }
0x150: {  	s4 =	sshra.s32 s30, $0x2;
	s30 =	smov.u32 s0;
	[sflag:s23] =	ssyncadd.s32 $0xFFFFD800  }
0x151: {  	[spmem:s1] =	stream.indirect.scatter.add.f32 [tilespmem:s21], [sflag:$0x3], $0x80, s4, s24, $0xb8;
	[tilespmem:$0x1DC80] =	vst v63  }
0x152: {  	_ =	swait.ge [sflag:s19], $0x2800  }
0x153: {  	[sflag:s19] =	ssyncset.done $0x0  }
0x154: {  	[sflag:s19] =	ssyncadd.s32 $0xFFFFD800  }
0x155: {  	[tilespmem:s21], [sflag:$0x1] =	stream.linear.gather [hbm4b:s29+s2], $0x2800, $0x38;
	[tilespmem:$0x1DC80] =	vst v63  }
0x156: {  	_ =	swait.ge [sflag:s25], $0x2800  }
.Ltmp20:
0x157: {  	[sflag:s25] =	ssyncset.done $0x0;
	(pc) =	sbr.rel @p1 .LBB2_35-.Ltmp20, $4  }
0x158: {  	s0 =	sadd.s32 $0x80, s4;
	[sflag:s25] =	ssyncadd.s32 $0xFFFFD800  }
0x159: {  	[spmem:s1] =	stream.indirect.scatter.add.f32 [tilespmem:s22], [sflag:$0x3], $0x80, s0, s24, $0xb8;
	[tilespmem:$0x1DC80] =	vst v63  }
0x15a: {  	_ =	swait.ge [sflag:s19], $0x2800  }
0x15b: {  	s29 =	sadd.s32 $0xA00, s29;
	[sflag:s19] =	ssyncset.done $0x0  }
0x15c: {  	s0 =	sadd.s32 $0xFFFFFB00, s29;
	[sflag:s19] =	ssyncadd.s32 $0xFFFFD800  }
0x15d: {  	[tilespmem:s22], [sflag:$0x2] =	stream.linear.gather [hbm4b:s0+s2], $0x2800, $0x38;
	[tilespmem:$0x1DC80] =	vst v63  }
0x15e: {  	_ =	swait.ge [sflag:s23], $0x2800  }
0x15f: {  	[sflag:s23] =	ssyncset.done $0x0  }
0x160: {  	s31 =	sshra.s32 s30, $0x2;
	[sflag:s23] =	ssyncadd.s32 $0xFFFFD800  }
0x161: {  	[spmem:s1] =	stream.indirect.scatter.add.f32 [tilespmem:s21], [sflag:$0x3], $0x80, s31, s24, $0xb8;
	[tilespmem:$0x1DC80] =	vst v63  }
0x162: {  	_ =	swait.ge [sflag:s19], $0x2800  }
0x163: {  	[sflag:s19] =	ssyncset.done $0x0  }
0x164: {  	[sflag:s19] =	ssyncadd.s32 $0xFFFFD800  }
0x165: {  	[tilespmem:s21], [sflag:$0x1] =	stream.linear.gather [hbm4b:s29+s2], $0x2800, $0x38;
	[tilespmem:$0x1DC80] =	vst v63  }
0x166: {  	_ =	swait.ge [sflag:s25], $0x2800  }
0x167: {  	[sflag:s25] =	ssyncset.done $0x0  }
0x168: {  	s0 =	sadd.s32 $0x80, s31;
	[sflag:s25] =	ssyncadd.s32 $0xFFFFD800  }
0x169: {  	[spmem:s1] =	stream.indirect.scatter.add.f32 [tilespmem:s22], [sflag:$0x3], $0x80, s0, s24, $0xb8;
	[tilespmem:$0x1DC80] =	vst v63  }
0x16a: {  	_ =	swait.ge [sflag:s19], $0x2800  }
0x16b: {  	[sflag:s19] =	ssyncset.done $0x0  }
0x16c: {  	[sflag:s19] =	ssyncadd.s32 $0xFFFFD800  }
0x16d: {  	_ =	swait.ge [sflag:s23], $0x2800  }
0x16e: {  	[sflag:s23] =	ssyncset.done $0x0  }
0x16f: {  	[sflag:s23] =	ssyncadd.s32 $0xFFFFD800  }
0x170: {  	[spmem:s1] =	stream.indirect.scatter.add.f32 [tilespmem:s21], [sflag:$0x3], $0x80, s26, s24, $0xb8;
	[tilespmem:$0x1DC80] =	vst v63  }
.Ltmp21:
0x171: {  	_ =	swait.ge [sflag:s19], $0x2800;
	(pc) =	sbr.rel @p0 .LBB2_40-.Ltmp21, $4  }
0x172: {  	[sflag:s19] =	ssyncset.done $0x0  }
0x173: {  	[sflag:s19] =	ssyncadd.s32 $0xFFFFD800  }
0x174: {  	[bflag:$0x0] =	sbarrier.arrive $0xFFFF  }
0x175: {  	s30 =	simm.s32 $0x0  }
0x176: {  	s0 =	sshll.u32 s3, $0x6  }
0x177: {  	s4 =	sadd.s32 s30, s18;
	s29 =	sor.u32 $0x1C03, s0;
	s0 =	sshrl.u32 s10, $0x3  }
0x178: {  	[hbm:s4], [sflag:s29] =	dma.local [spmem:s0], $0x280  }
0x179: {  	s30 =	sadd.s32 $0x280, s30;
	s31 =	sadd.s32 $0x1400, s10;
	_ =	swait.ge [sflag:s19], $0x280  }
.LBB2_38:
0x17a: {  	s0 =	sadd.s32 s30, s18;
	[sflag:s19] =	ssyncset.done $0x0;
	p1 =	sne.s32 s30, $0x3C00  }
.Ltmp22:
0x17b: {  	s4 =	sshrl.u32 s31, $0x3;
	[sflag:s19] =	ssyncadd.s32 $0xFFFFFD80;
	(pc) =	sbr.rel @p1 .LBB2_38-.Ltmp22, $3  }
0x17c: {  	[hbm:s0], [sflag:s29] =	dma.local [spmem:s4], $0x280  }
0x17d: {  	s30 =	sadd.s32 $0x280, s30;
	_ =	sdelay $0x1  }
0x17e: {  	s31 =	sadd.s32 $0x1400, s31;
	_ =	swait.ge [sflag:s19], $0x280  }
.Ltmp23:
0x17f: {  	_ = 	snop;
	(pc) =	sbr.rel .LBB2_39-.Ltmp23, $1  }
0x180: {  	_ =	sdelay $0x3  }
.LBB2_41:
0x181: {  	_ =	sfence.sel $0x180000  }
0x182: {  	[bflag:$0x0] =	sbarrier.arrive $0xFFFF  }
0x183: {  	_ =	strace $0x9000004A  }
0x184: {  	[bflag:$0x2] =	sbarrier.arrive $0xFFFF  }
0x185: {  	p0 =	sne.s32 s3, $0x0;
	s0 =	rddreg [dreg:$0x2]  }
0x186: {  	s0 =	sadd.s32 @!p0 $0x100000, s0  }
0x187: {  	[sflag:s0] =	ssyncadd.tile.s32 @!p0 $0x1;
	_ =	shalt  }
.Lfunc_end2:
_tile_overlayer_lowered:
.L_overlay_start_2:
0x188: {  	(tag) =	ssettag $0x2  }
0x189: {  	s0 =	rddreg [dreg:$0x0];
	s2 =	stileid.u32  }
0x18a: {  	s1 =	rddreg [dreg:$0x1];
	p0 =	sne.s32 s2, $0x0  }
0x18b: {  	s3 =	rddreg [dreg:$0x2];
	[bflag:$0x3] =	sbarrier.arrive $0xFFFF;
	s2 =	simm.s32 @!p0 $0x1C03  }
0x18c: {  	[timem:s3], [sflag:s2] =	dma.local @!p0 [hbm:s0], s1  }
0x18d: {  	s0 =	simm.s32 @!p0 $0x3  }
0x18e: {  	_ =	swait.ge @!p0 [sflag:s0], s1  }
0x18f: {  	s1 =	ssub.s32 @!p0 $0x0, s1;
	[sflag:s0] =	ssyncset.done @!p0 $0x0  }
0x190: {  	[sflag:s0] =	ssyncadd.s32 @!p0 s1  }
0x191: {  	[bflag:$0x3] =	sbarrier.arrive $0xFFFF  }
0x192: {  	_ =	shalt  }

// kernel: kernel.7.cloned.1.call-start
scs
__scs_entry_jumppad:
0x0: {  	(pc) =	sbr.rel $0x88, $3  }
0x1: {  	(tag) =	ssettag $0x0;
	lr =	simm.s32 $0x1  }
0x2: {  	[smem:$0x3F95] =	sst lr;
	_ =	strace $0xD0000000  }
0x3: {  	_ = 	snop  }
0x4: {  	_ = 	snop  }
0x5: {  	_ = 	snop  }
0x6: {  	_ = 	snop  }
0x7: {  	_ = 	snop  }
__scs_overlays_trampoline_lowered:
0x8: {  	[smem:$0x3FA4] =	sst s0  }
0x9: {  	[smem:$0x3FA5] =	sst s1  }
0xa: {  	[smem:$0x3FA6] =	sst s2  }
0xb: {  	[smem:$0x3FA7] =	sst s3  }
0xc: {  	[smem:$0x3FA8] =	sst s4  }
0xd: {  	[smem:$0x3FA9] =	sst s5  }
0xe: {  	[smem:$0x3FAA] =	sst s6  }
0xf: {  	[smem:$0x3FAB] =	sst s7  }
0x10: {  	[smem:$0x3FAC] =	sst s8  }
0x11: {  	[smem:$0x3FAD] =	sst s9;
	s0 =	simm.s32 @!p0 $0x0  }
0x12: {  	s1 =	sld [smem:$0x3F93];
	s0 =	simm.s32 @p0 $0x1  }
0x13: {  	[smem:$0x3FAE] =	sst s0;
	s0 =	simm.s32 @!p1 $0x0  }
0x14: {  	s2 =	sld [smem:$0x3F92];
	s0 =	simm.s32 @p1 $0x1  }
0x15: {  	[smem:$0x3FAF] =	sst s0;
	s0 =	simm.s32 @!p2 $0x0  }
0x16: {  	s3 =	sld [smem:$0x3FDB];
	s0 =	simm.s32 @p2 $0x1  }
0x17: {  	s4 =	simm.s32 $0x1BF5;
	[smem:$0x3FB1] =	sst s0  }
0x18: {  	s0 =	sld [smem:$0x3F94];
	_ =	swait.ge [sflag:s4], $0x0  }
0x19: {  	s7 =	sld [smem:$0x3F95]  }
0x1a: {  	s8 =	sadd.s32 $0xFFFFE003, lr  }
0x1b: {  	s9 =	sadd.s32 $0xFFFFFEF7, lr;
	s5 =	simm.s32 $0xFFFFFFFF;
	p2 =	slt.u32 s8, $0xFFFFF086  }
0x1c: {  	p1 =	slt.u32 s9, $0xF7A;
	s5 =	simm.s32 @!p2 $0x0  }
0x1d: {  	s5 =	simm.s32 @p1 $0x1;
	p0 =	seq.s32 s7, s2  }
0x1e: {  	s7 =	smul.u32 @!p0 $0xF7A, s2;
	p2 =	seq.s32 @!p0 s5, $0x0  }
0x1f: {  	s9 =	smul.u32 $0xF7A, s1;
	s8 =	simm.s32 @!p0 $0x1BF5;
	p2 =	por !p2, p0  }
0x20: {  	[sflag:s8] =	ssyncset.s32 @!p0 $0xFFFFF086;
	s6 =	sadd.s32 @!p0 s3, s7;
	s7 =	simm.s32 @!p0 $0x108  }
0x21: {  	s3 =	sadd.s32 s3, s9;
	s6 =	sadd.s32 @!p0 $0x88, s6;
	s7 =	simm.s32 @p2 $0x1082  }
0x22: {  	[simem:s7], [sflag:s8] =	dma.local @!p0 [hbm:s6], $0xF7A  }
0x23: {  	s9 =	sor.u32 $0xD0000000, s2;
	s6 =	simm.s32 $0x108;
	_ =	swait.ge @!p0 [sflag:s8], $0x0  }
0x24: {  	s3 =	sadd.s32 $0x88, s3;
	s6 =	simm.s32 @!p1 $0x1082;
	[sflag:s4] =	ssyncset.s32 $0xFFFFF086  }
0x25: {  	[simem:s6], [sflag:s4] =	dma.local [hbm:s3], $0xF7A  }
0x26: {  	[smem:$0x3F95] =	sst s1;
	(tag) =	ssettag s2;
	_ =	strace s9  }
0x27: {  	s1 =	sld [smem:$0x3FA5]  }
0x28: {  	s2 =	sld [smem:$0x3FA6]  }
0x29: {  	s4 =	sld [smem:$0x3FA8]  }
0x2a: {  	p0 =	seq.s32 s5, $0x0;
	s5 =	sld [smem:$0x3FA9]  }
0x2b: {  	s6 =	sld [smem:$0x3FAA]  }
0x2c: {  	s7 =	sld [smem:$0x3FAB]  }
0x2d: {  	s3 =	simm.s32 $0x108;
	s8 =	sld [smem:$0x3FAC]  }
0x2e: {  	s3 =	simm.s32 @!p0 $0x1082;
	s9 =	sld [smem:$0x3FAD]  }
0x2f: {  	lr =	sadd.s32 s0, s3;
	s0 =	sld [smem:$0x3FA4]  }
0x30: {  	s3 =	sld [smem:$0x3FA7]  }
0x31: {  	[smem:$0x3FB0] =	sst s10  }
0x32: {  	s10 =	sld [smem:$0x3FAE];
	_ =	sdelay $0x3  }
0x33: {  	p0 =	seq.s32 s10, $0x1;
	s10 =	sld [smem:$0x3FB0];
	_ =	sdelay $0x3  }
0x34: {  	[smem:$0x3FB0] =	sst s10  }
0x35: {  	s10 =	sld [smem:$0x3FAF];
	_ =	sdelay $0x3  }
0x36: {  	p1 =	seq.s32 s10, $0x1;
	s10 =	sld [smem:$0x3FB0];
	_ =	sdelay $0x3  }
0x37: {  	[smem:$0x3FB0] =	sst s10  }
0x38: {  	s10 =	sld [smem:$0x3FB1]  }
0x39: {  	_ = 	snop;
	(pc) =	sbr.ind lr, $3  }
0x3a: {  	_ = 	snop  }
0x3b: {  	_ = 	snop  }
0x3c: {  	p2 =	seq.s32 s10, $0x1;
	s10 =	sld [smem:$0x3FB0]  }
0x3d: {  	_ =	shalt  }
0x3e: {  	_ =	shalt  }
0x3f: {  	_ =	shalt  }
0x40: {  	_ =	shalt  }
0x41: {  	_ =	shalt  }
0x42: {  	_ =	shalt  }
0x43: {  	_ =	shalt  }
0x44: {  	_ =	shalt  }
0x45: {  	_ =	shalt  }
0x46: {  	_ =	shalt  }
0x47: {  	_ =	shalt  }
0x48: {  	_ =	shalt  }
0x49: {  	_ =	shalt  }
0x4a: {  	_ =	shalt  }
0x4b: {  	_ =	shalt  }
0x4c: {  	_ =	shalt  }
0x4d: {  	_ =	shalt  }
0x4e: {  	_ =	shalt  }
0x4f: {  	_ =	shalt  }
0x50: {  	_ =	shalt  }
0x51: {  	_ =	shalt  }
0x52: {  	_ =	shalt  }
0x53: {  	_ =	shalt  }
0x54: {  	_ =	shalt  }
0x55: {  	_ =	shalt  }
0x56: {  	_ =	shalt  }
0x57: {  	_ =	shalt  }
0x58: {  	_ =	shalt  }
0x59: {  	_ =	shalt  }
0x5a: {  	_ =	shalt  }
0x5b: {  	_ =	shalt  }
0x5c: {  	_ =	shalt  }
0x5d: {  	_ =	shalt  }
0x5e: {  	_ =	shalt  }
0x5f: {  	_ =	shalt  }
0x60: {  	_ =	shalt  }
0x61: {  	_ =	shalt  }
0x62: {  	_ =	shalt  }
0x63: {  	_ =	shalt  }
0x64: {  	_ =	shalt  }
0x65: {  	_ =	shalt  }
0x66: {  	_ =	shalt  }
0x67: {  	_ =	shalt  }
0x68: {  	_ =	shalt  }
0x69: {  	_ =	shalt  }
0x6a: {  	_ =	shalt  }
0x6b: {  	_ =	shalt  }
0x6c: {  	_ =	shalt  }
0x6d: {  	_ =	shalt  }
0x6e: {  	_ =	shalt  }
0x6f: {  	_ =	shalt  }
0x70: {  	_ =	shalt  }
0x71: {  	_ =	shalt  }
0x72: {  	_ =	shalt  }
0x73: {  	_ =	shalt  }
0x74: {  	_ =	shalt  }
0x75: {  	_ =	shalt  }
0x76: {  	_ =	shalt  }
0x77: {  	_ =	shalt  }
0x78: {  	_ =	shalt  }
0x79: {  	_ =	shalt  }
0x7a: {  	_ =	shalt  }
0x7b: {  	_ =	shalt  }
0x7c: {  	_ =	shalt  }
0x7d: {  	_ =	shalt  }
0x7e: {  	_ =	shalt  }
0x7f: {  	_ =	shalt  }
0x80: {  	_ =	shalt  }
0x81: {  	_ =	shalt  }
0x82: {  	_ =	shalt  }
0x83: {  	_ =	shalt  }
0x84: {  	_ =	shalt  }
0x85: {  	_ =	shalt  }
0x86: {  	_ =	shalt  }
0x87: {  	_ =	shalt  }
.Lfunc_end0:
.L_simem_size_0:
called_computation_lowered:
.L_overlay_start_0:
0x88: {  	s2 =	sld [smem:$0x3FD9]  }
0x89: {  	s3 =	sld [smem:$0x3FFE];
	_ =	sdelay $0x1  }
0x8a: {  	s1 =	srdreg.scid  }
0x8b: {  	s0 =	sand.u32 $0x1, s1  }
0x8c: {  	s14 =	sshll.u32 s0, $0xA;
	s2 =	sadd.s32 s3, s2  }
0x8d: {  	s2 =	sadd.s32 s2, s14  }
0x8e: {  	[smem:$0x3FBC] =	sst s2  }
0x8f: {  	_ = 	snop  }
0x90: {  	s2 =	sld [smem:$0x3FD0];
	_ =	sdelay $0x2  }
0x91: {  	s15 =	simm.s32 $0xA;
	s4 =	simm.s32 $0x10  }
0x92: {  	[smem:s4], [sflag:s15] =	dma.local [hbm:s2], $0x1  }
0x93: {  	_ =	swait.eq [sflag:s15], $0x1  }
0x94: {  	[sflag:s15] =	ssyncset.done $0x0  }
0x95: {  	s16 =	sld [smem:$0x10];
	[sflag:s15] =	ssyncadd.s32 $0xFFFFFFFF  }
0x96: {  	s17 =	sld [smem:$0x11];
	(tm) =	ssettm $0x1  }
0x97: {  	s18 =	sld [smem:$0x3FFB];
	_ =	sdelay $0x3  }
0x98: {  	_ =	strace s18  }
0x99: {  	s4 =	sld [smem:$0x3FFC];
	_ =	sdelay $0x3  }
0x9a: {  	_ =	strace s4  }
0x9b: {  	s4 =	sld [smem:$0x3FFD];
	_ =	sdelay $0x3  }
0x9c: {  	_ =	strace s4  }
0x9d: {  	_ =	strace $0x8FFFFFFF  }
0x9e: {  	s19 =	sld [smem:$0x3FDB];
	_ =	sdelay $0x1  }
0x9f: {  	s5 =	simm.s32 $_scs_section_size  }
0xa0: {  	s6 =	simm.s32 $_size__tile_overlayer_lowered;
	s7 =	simm.s32 $_tile_overlayer_lowered  }
0xa1: {  	s22 =	simm.s32 $0x1BFF;
	s21 =	sshll.u32 s7, $0x1;
	s4 =	sadd.s32 s5, s19  }
0xa2: {  	s8 =	simm.s32 $0x0;
	s20 =	sshll.u32 s6, $0x1;
	s6 =	sadd.s32 s21, s4  }
0xa3: {  	[timem:s8], [sflag:s22] =	dma.local [hbm:s6], s20  }
0xa4: {  	_ =	swait.ge [sflag:s22], s20  }
0xa5: {  	s5 =	ssub.s32 $0x0, s20;
	[sflag:s22] =	ssyncset.done $0x0  }
0xa6: {  	[sflag:s22] =	ssyncadd.s32 s5;
	_ =	sdelay $0x1  }
0xa7: {  	s23 =	simm.s32 $0x1B8B  }
0xa8: {  	_ =	swait.ge [sflag:s23], $0x1  }
0xa9: {  	[sflag:s23] =	ssyncset.done $0x0  }
0xaa: {  	s25 =	simm.s32 $0x1B8E;
	s24 =	sld [smem:$0x3FFE];
	[sflag:s23] =	ssyncadd.s32 $0xFFFFFFFF  }
0xab: {  	s26 =	simm.s32 $execute0_lowered;
	[smem:$0x3FD2] =	sst s25  }
0xac: {  	s6 =	sshll.u32 s26, $0x1;
	_ =	strace $0x80000046;
	[dreg:$0x1] =	wrdreg $0xFFFFFFFF  }
0xad: {  	s28 =	simm.s32 $_size_execute0_lowered;
	s4 =	sadd.s32 s4, s6;
	[dreg:$0x0] =	wrdreg $0x0  }
0xae: {  	s6 =	sshll.u32 s28, $0x1;
	[dreg:$0x2] =	wrdreg s4  }
0xaf: {  	[dreg:$0x3] =	wrdreg s6  }
0xb0: {  	[dreg:$0x4] =	wrdreg $0xC0  }
0xb1: {  	_ =	task [dreg:s8], $0x5FFFF  }
0xb2: {  	[dreg:$0x1] =	wrdreg $0xFFFFFFFF  }
0xb3: {  	[dreg:$0x0] =	wrdreg $0x60  }
0xb4: {  	[dreg:$0x2] =	wrdreg s16  }
0xb5: {  	[dreg:$0x3] =	wrdreg s17  }
0xb6: {  	[dreg:$0x4] =	wrdreg s24  }
0xb7: {  	[dreg:$0x5] =	wrdreg $0x9  }
0xb8: {  	_ =	task.clear_ibuf [dreg:s8], $0x6FFFF;
	_ =	strace $0x90000046  }
0xb9: {  	s29 =	simm.s32 $0x9;
	_ =	strace $0x80000048  }
0xba: {  	_ =	swait.ge [sflag:s29], $0x1  }
0xbb: {  	[sflag:s29] =	ssyncadd.s32 $0xFFFFFFFF  }
0xbc: {  	_ =	strace $0x90000048  }
0xbd: {  	_ =	sfence  }
0xbe: {  	s30 =	sld [smem:$0x0];
	_ =	sdelay $0x2  }
0xbf: {  	s31 =	sshll.u32 s1, $0xD;
	s1 =	sshrl.u32 s1, $0x2  }
0xc0: {  	s3 =	sand.u32 $0x4000, s31;
	s1 =	sadd.s32 s1, s30  }
0xc1: {  	s0 =	sor.u32 s3, s0;
	s1 =	sshll.u32 s1, $0x11  }
0xc2: {  	s0 =	sor.u32 s1, s0  }
0xc3: {  	s0 =	sadd.s32 $0x8F2B, s0  }
0xc4: {  	[sflag:s0] =	ssyncadd.remote.s32 $0x1  }
0xc5: {  	_ =	sfence.sel $0xFFFF  }
0xc6: {  	[dreg:$0x0] =	wrdreg $0xFFFFFFFF;
	(pc) =	sbr.abs _section_cstart, $3  }
0xc7: {  	[dreg:$0x1] =	wrdreg $0xFFFFFFFF  }
0xc8: {  	_ =	task.clear_ibuf [dreg:s8], $0x2FFFF;
	_ =	strace $0x9FFFFFFF  }
0xc9: {  	(tm) =	ssettm $0x7FFFFFFF  }
tec
execute0_lowered:
.L_overlay_start_1:
0x0: {  	(tag) =	ssettag $0x1  }
0x1: {  	s0 =	srdreg.scid;
	s1 =	rddreg [dreg:$0x0]  }
0x2: {  	s9 =	stileid.u32;
	s3 =	rddreg [dreg:$0x1]  }
0x3: {  	s5 =	rddreg [dreg:$0x2];
	s4 =	simm.s32 $0x0;
	s25 =	simm.s32 $0xF700  }
0x4: {  	s26 =	simm.s32 $0xFF00;
	s11 =	simm.s32 $0x10F00;
	s13 =	simm.s32 $0x11700  }
0x5: {  	s14 =	simm.s32 $0x11F00;
	s15 =	simm.s32 $0x12700;
	[smem:$0x7FF] =	sst s4  }
0x6: {  	s16 =	simm.s32 $0x12F00;
	_ =	strace $0x80000047;
	[dreg:$0x6] =	wrdreg s25  }
0x7: {  	s17 =	simm.s32 $0x13700;
	s18 =	simm.s32 $0x14700;
	[dreg:$0x7] =	wrdreg s26  }
0x8: {  	s19 =	simm.s32 $0x14F00;
	s20 =	simm.s32 $0x15700;
	[dreg:$0x9] =	wrdreg s11  }
0x9: {  	s21 =	simm.s32 $0x15F00;
	s22 =	simm.s32 $0x16700;
	[dreg:$0xa] =	wrdreg s13  }
0xa: {  	s28 =	simm.s32 $0xCF00;
	s29 =	simm.s32 $0xDF00;
	[dreg:$0xb] =	wrdreg s14  }
0xb: {  	s30 =	simm.s32 $0xE700;
	s31 =	simm.s32 $0xCF00;
	[dreg:$0xc] =	wrdreg s15  }
0xc: {  	s0 =	sand.u32 $0x1, s0;
	s2 =	sshll.u32 s9, $0x1;
	[dreg:$0xd] =	wrdreg s16  }
0xd: {  	s7 =	sadd.s32 $0x15C00, s5;
	s9 =	smul.u32 $0x9C400, s9;
	[dreg:$0xe] =	wrdreg s17  }
0xe: {  	s2 =	sor.u32 s0, s2;
	s8 =	ssub.s32 $0x2, s0;
	[dreg:$0xf] =	wrdreg s18  }
0xf: {  	s0 =	smul.u32 $0x4E200, s0;
	s13 =	simm.s32 $0x5F00;
	[dreg:$0x10] =	wrdreg s19  }
0x10: {  	s14 =	simm.s32 $0x6700;
	s15 =	simm.s32 $0x6F00;
	[dreg:$0x11] =	wrdreg s20  }
0x11: {  	s16 =	simm.s32 $0x7700;
	s17 =	simm.s32 $0x7F00;
	[dreg:$0x12] =	wrdreg s21  }
0x12: {  	s18 =	simm.s32 $0x8700;
	[dreg:$0x13] =	wrdreg s22;
	s19 =	simm.s32 $0x8F00  }
0x13: {  	s20 =	simm.s32 $0x9700;
	s25 =	simm.s32 $0x17F00;
	s22 =	simm.s32 $0x9F00  }
0x14: {  	s26 =	simm.s32 $0x18700;
	s21 =	simm.s32 $0xA700;
	s11 =	simm.s32 $0x13F00  }
0x15: {  	s6 =	smul.u32 $0x2710, s2;
	s10 =	sshrl.u32 s8, $0x1;
	[dreg:$0x16] =	wrdreg s25  }
0x16: {  	s2 =	smul.u32 $0x271000, s2;
	[dreg:$0x17] =	wrdreg s26;
	s25 =	simm.s32 $0xBF00  }
0x17: {  	s26 =	simm.s32 $0xC700;
	s8 =	ssub.s32 s8, s10;
	s6 =	sshrl.u32 s6, $0x3  }
0x18: {  	s2 =	sshrl.u32 s2, $0x3;
	s12 =	smax.u32 s8, $0x1;
	s6 =	sadd.s32 s6, s5  }
0x19: {  	s5 =	sadd.s32 $0x9D9C00, s5;
	[dreg:$0x1c] =	wrdreg s12;
	s23 =	sadd.s32 $0xBE00, s6  }
0x1a: {  	s24 =	sadd.s32 s9, s5;
	s6 =	sadd.s32 $0x2000, s6;
	[dreg:$0x18] =	wrdreg s23  }
0x1b: {  	s9 =	sadd.s32 s9, s7;
	s10 =	sadd.s32 s0, s24;
	[dreg:$0x19] =	wrdreg s6  }
0x1c: {  	s2 =	sadd.s32 $0x4D800, s2;
	s0 =	sadd.s32 s0, s9;
	[dreg:$0x4] =	wrdreg s10  }
0x1d: {  	s8 =	simm.s32 $0x0;
	s9 =	sadd.s32 s7, s2;
	[dreg:$0x5] =	wrdreg s0  }
0x1e: {  	s12 =	simm.s32 $0x4F00;
	s2 =	sadd.s32 s5, s2;
	[dreg:$0x1a] =	wrdreg s9  }
0x1f: {  	s23 =	simm.s32 $0x16F00;
	s24 =	simm.s32 $0x17700;
	[dreg:$0x1b] =	wrdreg s2  }
0x20: {  	s5 =	simm.s32 $0x1;
	s6 =	simm.s32 $0x2;
	[dreg:$0x14] =	wrdreg s23  }
0x21: {  	v2 =	vlaneseq.u32;
	s10 =	simm.s32 $0x10700;
	s9 =	simm.s32 $0x5700;
	[dreg:$0x15] =	wrdreg s24  }
0x22: {  	vm0 =	vmmov $0xffff;
	v1 =	vshrl.u32 v2, $0x3;
	s23 =	simm.s32 $0xAF00;
	s24 =	simm.s32 $0xB700;
	s2 =	simm.s32 $0xD700  }
0x23: {  	v0 =	vand.u32 $0x7, v2;
	v2 =	vor.u32 $0x8, v2;
	v1 =	vmul.u32 $0x8, v1;
	s0 =	simm.s32 $0xEF00;
	[dreg:$0x8] =	wrdreg s10;
	s10 =	simm.s32 $0x3  }
.LBB2_1:
0x24: {  	[dreg:$0x1d] =	wrdreg s8  }
0x25: {  	s7 =	rddreg [dreg:$0x18]  }
0x26: {  	[tilespmem:s4], [sflag:$0x3] =	stream.linear.gather [hbm4b:s7+s4], $0x2710, $0x38;
	[tilespmem:$0x18F00] =	vst v63  }
0x27: {  	_ =	swait.ge [sflag:s10], $0x2710  }
0x28: {  	[sflag:s10] =	ssyncset.done $0x0  }
0x29: {  	s8 =	simm.s32 $0x2780;
	s7 =	rddreg [dreg:$0x19];
	[sflag:s10] =	ssyncadd.s32 $0xFFFFD8F0  }
0x2a: {  	[tilespmem:s8], [sflag:$0x3] =	stream.linear.gather [hbm4b:s7+s4], $0x2710, $0x38;
	[tilespmem:$0x18F00] =	vst v63  }
0x2b: {  	_ =	swait.ge [sflag:s10], $0x2710  }
0x2c: {  	[sflag:s10] =	ssyncset.done $0x0  }
0x2d: {  	[sflag:s10] =	ssyncadd.s32 $0xFFFFD8F0  }
0x2e: {  	v3 =	vld [tilespmem:$0x0];
	_ =	sdelay $0x4  }
0x2f: {  	v4 =	vshll.u32 v3, $0x1  }
0x30: {  	v3 =	vand.u32 $0x7, v3;
	v4 =	vand.u32 $0xFFFFFFF0, v4  }
0x31: {  	v3 =	vor.u32 v3, v4  }
0x32: {  	v4 =	vperm.xlane v3, v0;
	_ =	sdelay $0x1  }
0x33: {  	v3 =	vperm.xlane v3, v2;
	v4 =	vadd.s32 v1, v4;
	_ =	sdelay $0x1  }
0x34: {  	v3 =	vadd.s32 v1, v3;
	_ =	sdelay $0x2  }
0x35: {  	[tilespmem:s12], [sflag:$0x1] =	stream.indirect_vreg.gather [hbm4b:s1+s4], $0x80, v4, vm0, $0xb8;
	[tilespmem:$0x18F00] =	vst v63  }
0x36: {  	_ = 	snop  }
0x37: {  	[tilespmem:s9], [sflag:$0x1] =	stream.indirect_vreg.gather [hbm4b:s1+s4], $0x80, v3, vm0, $0xb8;
	[tilespmem:$0x18F00] =	vst v63  }
0x38: {  	v3 =	vld [tilespmem:$0x10];
	_ =	sdelay $0x4  }
0x39: {  	v55 =	vshll.u32 v3, $0x1  }
0x3a: {  	v3 =	vand.u32 $0x7, v3;
	v4 =	vand.u32 $0xFFFFFFF0, v55  }
0x3b: {  	v3 =	vor.u32 v3, v4  }
0x3c: {  	v4 =	vperm.xlane v3, v0;
	_ =	sdelay $0x1  }
0x3d: {  	v3 =	vperm.xlane v3, v2;
	v4 =	vadd.s32 v1, v4;
	_ =	sdelay $0x1  }
0x3e: {  	v3 =	vadd.s32 v1, v3;
	_ =	sdelay $0x2  }
0x3f: {  	[tilespmem:s13], [sflag:$0x1] =	stream.indirect_vreg.gather [hbm4b:s1+s4], $0x80, v4, vm0, $0xb8;
	[tilespmem:$0x18F00] =	vst v63  }
0x40: {  	_ = 	snop  }
0x41: {  	[tilespmem:s14], [sflag:$0x1] =	stream.indirect_vreg.gather [hbm4b:s1+s4], $0x80, v3, vm0, $0xb8;
	[tilespmem:$0x18F00] =	vst v63  }
0x42: {  	v3 =	vld [tilespmem:$0x20];
	_ =	sdelay $0x4  }
0x43: {  	v56 =	vshll.u32 v3, $0x1  }
0x44: {  	v3 =	vand.u32 $0x7, v3;
	v4 =	vand.u32 $0xFFFFFFF0, v56  }
0x45: {  	v3 =	vor.u32 v3, v4  }
0x46: {  	v4 =	vperm.xlane v3, v0;
	_ =	sdelay $0x1  }
0x47: {  	v3 =	vperm.xlane v3, v2;
	v4 =	vadd.s32 v1, v4;
	_ =	sdelay $0x1  }
0x48: {  	v3 =	vadd.s32 v1, v3;
	_ =	sdelay $0x2  }
0x49: {  	[tilespmem:s15], [sflag:$0x1] =	stream.indirect_vreg.gather [hbm4b:s1+s4], $0x80, v4, vm0, $0xb8;
	[tilespmem:$0x18F00] =	vst v63  }
0x4a: {  	_ = 	snop  }
0x4b: {  	[tilespmem:s16], [sflag:$0x1] =	stream.indirect_vreg.gather [hbm4b:s1+s4], $0x80, v3, vm0, $0xb8;
	[tilespmem:$0x18F00] =	vst v63  }
0x4c: {  	v3 =	vld [tilespmem:$0x30];
	_ =	sdelay $0x4  }
0x4d: {  	v57 =	vshll.u32 v3, $0x1  }
0x4e: {  	v3 =	vand.u32 $0x7, v3;
	v4 =	vand.u32 $0xFFFFFFF0, v57  }
0x4f: {  	v3 =	vor.u32 v3, v4  }
0x50: {  	v4 =	vperm.xlane v3, v0;
	_ =	sdelay $0x1  }
0x51: {  	v3 =	vperm.xlane v3, v2;
	v4 =	vadd.s32 v1, v4;
	_ =	sdelay $0x1  }
0x52: {  	v3 =	vadd.s32 v1, v3;
	_ =	sdelay $0x2  }
0x53: {  	[tilespmem:s17], [sflag:$0x1] =	stream.indirect_vreg.gather [hbm4b:s1+s4], $0x80, v4, vm0, $0xb8;
	[tilespmem:$0x18F00] =	vst v63  }
0x54: {  	_ = 	snop  }
0x55: {  	[tilespmem:s18], [sflag:$0x1] =	stream.indirect_vreg.gather [hbm4b:s1+s4], $0x80, v3, vm0, $0xb8;
	[tilespmem:$0x18F00] =	vst v63  }
0x56: {  	v3 =	vld [tilespmem:$0x40];
	_ =	sdelay $0x4  }
0x57: {  	v58 =	vshll.u32 v3, $0x1  }
0x58: {  	v3 =	vand.u32 $0x7, v3;
	v4 =	vand.u32 $0xFFFFFFF0, v58  }
0x59: {  	v3 =	vor.u32 v3, v4  }
0x5a: {  	v4 =	vperm.xlane v3, v0;
	_ =	sdelay $0x1  }
0x5b: {  	v3 =	vperm.xlane v3, v2;
	v4 =	vadd.s32 v1, v4;
	_ =	sdelay $0x1  }
0x5c: {  	v3 =	vadd.s32 v1, v3;
	_ =	sdelay $0x2  }
0x5d: {  	[tilespmem:s19], [sflag:$0x1] =	stream.indirect_vreg.gather [hbm4b:s1+s4], $0x80, v4, vm0, $0xb8;
	[tilespmem:$0x18F00] =	vst v63  }
0x5e: {  	_ = 	snop  }
0x5f: {  	[tilespmem:s20], [sflag:$0x1] =	stream.indirect_vreg.gather [hbm4b:s1+s4], $0x80, v3, vm0, $0xb8;
	[tilespmem:$0x18F00] =	vst v63  }
0x60: {  	v3 =	vld [tilespmem:$0x2780];
	_ =	sdelay $0x4  }
0x61: {  	v59 =	vshll.u32 v3, $0x1  }
0x62: {  	v3 =	vand.u32 $0x7, v3;
	v4 =	vand.u32 $0xFFFFFFF0, v59  }
0x63: {  	v3 =	vor.u32 v3, v4  }
0x64: {  	v4 =	vperm.xlane v3, v0;
	_ =	sdelay $0x1  }
0x65: {  	v3 =	vperm.xlane v3, v2;
	v4 =	vadd.s32 v1, v4;
	_ =	sdelay $0x1  }
0x66: {  	v3 =	vadd.s32 v1, v3;
	_ =	sdelay $0x2  }
0x67: {  	[tilespmem:s22], [sflag:$0x1] =	stream.indirect_vreg.gather [hbm4b:s3+s4], $0x80, v4, vm0, $0xb8;
	[tilespmem:$0x18F00] =	vst v63  }
0x68: {  	_ = 	snop  }
0x69: {  	[tilespmem:s21], [sflag:$0x1] =	stream.indirect_vreg.gather [hbm4b:s3+s4], $0x80, v3, vm0, $0xb8;
	[tilespmem:$0x18F00] =	vst v63  }
0x6a: {  	v3 =	vld [tilespmem:$0x2790];
	_ =	sdelay $0x4  }
0x6b: {  	v60 =	vshll.u32 v3, $0x1  }
0x6c: {  	v3 =	vand.u32 $0x7, v3;
	v4 =	vand.u32 $0xFFFFFFF0, v60  }
0x6d: {  	v3 =	vor.u32 v3, v4  }
0x6e: {  	v4 =	vperm.xlane v3, v0;
	_ =	sdelay $0x1  }
0x6f: {  	v3 =	vperm.xlane v3, v2;
	v4 =	vadd.s32 v1, v4;
	_ =	sdelay $0x1  }
0x70: {  	v3 =	vadd.s32 v1, v3;
	_ =	sdelay $0x2  }
0x71: {  	[tilespmem:s23], [sflag:$0x1] =	stream.indirect_vreg.gather [hbm4b:s3+s4], $0x80, v4, vm0, $0xb8;
	[tilespmem:$0x18F00] =	vst v63  }
0x72: {  	_ = 	snop  }
0x73: {  	[tilespmem:s24], [sflag:$0x1] =	stream.indirect_vreg.gather [hbm4b:s3+s4], $0x80, v3, vm0, $0xb8;
	[tilespmem:$0x18F00] =	vst v63  }
0x74: {  	v3 =	vld [tilespmem:$0x27A0];
	_ =	sdelay $0x4  }
0x75: {  	v61 =	vshll.u32 v3, $0x1  }
0x76: {  	v3 =	vand.u32 $0x7, v3;
	v4 =	vand.u32 $0xFFFFFFF0, v61  }
0x77: {  	v3 =	vor.u32 v3, v4  }
0x78: {  	v4 =	vperm.xlane v3, v0;
	_ =	sdelay $0x1  }
0x79: {  	v3 =	vperm.xlane v3, v2;
	v4 =	vadd.s32 v1, v4;
	_ =	sdelay $0x1  }
0x7a: {  	v3 =	vadd.s32 v1, v3;
	_ =	sdelay $0x2  }
0x7b: {  	[tilespmem:s25], [sflag:$0x1] =	stream.indirect_vreg.gather [hbm4b:s3+s4], $0x80, v4, vm0, $0xb8;
	[tilespmem:$0x18F00] =	vst v63  }
0x7c: {  	_ = 	snop  }
0x7d: {  	[tilespmem:s26], [sflag:$0x1] =	stream.indirect_vreg.gather [hbm4b:s3+s4], $0x80, v3, vm0, $0xb8;
	[tilespmem:$0x18F00] =	vst v63  }
0x7e: {  	v3 =	vld [tilespmem:$0x27B0];
	_ =	sdelay $0x4  }
0x7f: {  	v62 =	vshll.u32 v3, $0x1  }
0x80: {  	v3 =	vand.u32 $0x7, v3;
	v4 =	vand.u32 $0xFFFFFFF0, v62  }
0x81: {  	v3 =	vor.u32 v3, v4  }
0x82: {  	v4 =	vperm.xlane v3, v0;
	_ =	sdelay $0x1  }
0x83: {  	v3 =	vperm.xlane v3, v2;
	v4 =	vadd.s32 v1, v4;
	_ =	sdelay $0x1  }
0x84: {  	v3 =	vadd.s32 v1, v3;
	_ =	sdelay $0x2  }
0x85: {  	[tilespmem:s28], [sflag:$0x1] =	stream.indirect_vreg.gather [hbm4b:s3+s4], $0x80, v4, vm0, $0xb8;
	[tilespmem:$0x18F00] =	vst v63  }
0x86: {  	_ = 	snop  }
0x87: {  	[tilespmem:s2], [sflag:$0x1] =	stream.indirect_vreg.gather [hbm4b:s3+s4], $0x80, v3, vm0, $0xb8;
	[tilespmem:$0x18F00] =	vst v63  }
0x88: {  	v3 =	vld [tilespmem:$0x27C0];
	_ =	sdelay $0x4  }
0x89: {  	v63 =	vshll.u32 v3, $0x1  }
0x8a: {  	v3 =	vand.u32 $0x7, v3;
	v4 =	vand.u32 $0xFFFFFFF0, v63  }
0x8b: {  	v3 =	vor.u32 v3, v4  }
0x8c: {  	v4 =	vperm.xlane v3, v0;
	_ =	sdelay $0x1  }
0x8d: {  	v3 =	vperm.xlane v3, v2;
	v4 =	vadd.s32 v1, v4  }
0x8e: {  	s8 =	simm.s32 $0x27F0;
	s7 =	simm.s32 $0x0  }
0x8f: {  	s9 =	simm.s32 $0x70;
	s15 =	simm.s32 $0x5700;
	s16 =	simm.s32 $0x5F00;
	v3 =	vadd.s32 v1, v3  }
0x90: {  	s17 =	simm.s32 $0x6700;
	s18 =	simm.s32 $0xE700;
	s19 =	simm.s32 $0x7700  }
0x91: {  	s20 =	simm.s32 $0x7F00;
	s21 =	simm.s32 $0x8700;
	s23 =	simm.s32 $0x8F00  }
0x92: {  	[tilespmem:s29], [sflag:$0x1] =	stream.indirect_vreg.gather [hbm4b:s3+s4], $0x80, v4, vm0, $0xb8;
	[tilespmem:$0x18F00] =	vst v63  }
0x93: {  	s24 =	simm.s32 $0x9700;
	s26 =	simm.s32 $0xAF00;
	s28 =	simm.s32 $0xB700  }
0x94: {  	[tilespmem:s30], [sflag:$0x1] =	stream.indirect_vreg.gather [hbm4b:s3+s4], $0x80, v3, vm0, $0xb8;
	[tilespmem:$0x18F00] =	vst v63  }
0x95: {  	s2 =	simm.s32 $0xDF00;
	s29 =	simm.s32 $0xBF00;
	s30 =	simm.s32 $0xC700  }
.LBB2_2:
0x96: {  	v3 =	vld [tilespmem:s9+$0xFFFFFFE0];
	_ =	sdelay $0x4  }
0x97: {  	v4 =	vshll.u32 v3, $0x1  }
0x98: {  	v3 =	vand.u32 $0x7, v3;
	v4 =	vand.u32 $0xFFFFFFF0, v4  }
0x99: {  	v3 =	vor.u32 v3, v4  }
0x9a: {  	v4 =	vperm.xlane v3, v0;
	_ =	sdelay $0x1  }
0x9b: {  	v3 =	vperm.xlane v3, v2;
	v4 =	vadd.s32 v1, v4;
	_ =	sdelay $0x1  }
0x9c: {  	v3 =	vadd.s32 v1, v3;
	_ =	sdelay $0x2  }
0x9d: {  	[tilespmem:s0], [sflag:$0x2] =	stream.indirect_vreg.gather [hbm4b:s1+s4], $0x80, v4, vm0, $0xb8;
	[tilespmem:$0x18F00] =	vst v63  }
0x9e: {  	s13 =	rddreg [dreg:$0x6]  }
0x9f: {  	[tilespmem:s13], [sflag:$0x2] =	stream.indirect_vreg.gather [hbm4b:s1+s4], $0x80, v3, vm0, $0xb8;
	[tilespmem:$0x18F00] =	vst v63  }
0xa0: {  	v3 =	vld [tilespmem:s9+$0xFFFFFFF0];
	_ =	sdelay $0x4  }
0xa1: {  	v45 =	vshll.u32 v3, $0x1  }
0xa2: {  	v3 =	vand.u32 $0x7, v3;
	v4 =	vand.u32 $0xFFFFFFF0, v45  }
0xa3: {  	v3 =	vor.u32 v3, v4  }
0xa4: {  	v4 =	vperm.xlane v3, v0;
	_ =	sdelay $0x1  }
0xa5: {  	v3 =	vperm.xlane v3, v2;
	v4 =	vadd.s32 v1, v4;
	_ =	sdelay $0x1  }
0xa6: {  	v3 =	vadd.s32 v1, v3;
	_ =	sdelay $0x1  }
0xa7: {  	s25 =	rddreg [dreg:$0x7]  }
0xa8: {  	[tilespmem:s25], [sflag:$0x2] =	stream.indirect_vreg.gather [hbm4b:s1+s4], $0x80, v4, vm0, $0xb8;
	[tilespmem:$0x18F00] =	vst v63  }
0xa9: {  	s14 =	rddreg [dreg:$0x8]  }
0xaa: {  	[tilespmem:s14], [sflag:$0x2] =	stream.indirect_vreg.gather [hbm4b:s1+s4], $0x80, v3, vm0, $0xb8;
	[tilespmem:$0x18F00] =	vst v63  }
0xab: {  	v3 =	vld [tilespmem:s9+$0x0];
	_ =	sdelay $0x4  }
0xac: {  	v46 =	vshll.u32 v3, $0x1  }
0xad: {  	v3 =	vand.u32 $0x7, v3;
	v4 =	vand.u32 $0xFFFFFFF0, v46  }
0xae: {  	v3 =	vor.u32 v3, v4  }
0xaf: {  	v4 =	vperm.xlane v3, v0;
	_ =	sdelay $0x1  }
0xb0: {  	v3 =	vperm.xlane v3, v2;
	v4 =	vadd.s32 v1, v4;
	_ =	sdelay $0x1  }
0xb1: {  	v3 =	vadd.s32 v1, v3;
	_ =	sdelay $0x1  }
0xb2: {  	s14 =	rddreg [dreg:$0x9]  }
0xb3: {  	[tilespmem:s14], [sflag:$0x2] =	stream.indirect_vreg.gather [hbm4b:s1+s4], $0x80, v4, vm0, $0xb8;
	[tilespmem:$0x18F00] =	vst v63  }
0xb4: {  	s25 =	rddreg [dreg:$0xa]  }
0xb5: {  	[tilespmem:s25], [sflag:$0x2] =	stream.indirect_vreg.gather [hbm4b:s1+s4], $0x80, v3, vm0, $0xb8;
	[tilespmem:$0x18F00] =	vst v63  }
0xb6: {  	v3 =	vld [tilespmem:s9+$0x10];
	_ =	sdelay $0x4  }
0xb7: {  	v47 =	vshll.u32 v3, $0x1  }
0xb8: {  	v3 =	vand.u32 $0x7, v3;
	v4 =	vand.u32 $0xFFFFFFF0, v47  }
0xb9: {  	v3 =	vor.u32 v3, v4  }
0xba: {  	v4 =	vperm.xlane v3, v0;
	_ =	sdelay $0x1  }
0xbb: {  	v3 =	vperm.xlane v3, v2;
	v4 =	vadd.s32 v1, v4;
	_ =	sdelay $0x1  }
0xbc: {  	v3 =	vadd.s32 v1, v3;
	_ =	sdelay $0x1  }
0xbd: {  	s14 =	rddreg [dreg:$0xb]  }
0xbe: {  	[tilespmem:s14], [sflag:$0x2] =	stream.indirect_vreg.gather [hbm4b:s1+s4], $0x80, v4, vm0, $0xb8;
	[tilespmem:$0x18F00] =	vst v63  }
0xbf: {  	s25 =	rddreg [dreg:$0xc]  }
0xc0: {  	[tilespmem:s25], [sflag:$0x2] =	stream.indirect_vreg.gather [hbm4b:s1+s4], $0x80, v3, vm0, $0xb8;
	[tilespmem:$0x18F00] =	vst v63  }
0xc1: {  	v3 =	vld [tilespmem:s9+$0x20];
	_ =	sdelay $0x4  }
0xc2: {  	v48 =	vshll.u32 v3, $0x1  }
0xc3: {  	v3 =	vand.u32 $0x7, v3;
	v4 =	vand.u32 $0xFFFFFFF0, v48  }
0xc4: {  	v3 =	vor.u32 v3, v4  }
0xc5: {  	v4 =	vperm.xlane v3, v0;
	_ =	sdelay $0x1  }
0xc6: {  	v3 =	vperm.xlane v3, v2;
	v4 =	vadd.s32 v1, v4;
	_ =	sdelay $0x1  }
0xc7: {  	v3 =	vadd.s32 v1, v3;
	_ =	sdelay $0x1  }
0xc8: {  	s14 =	rddreg [dreg:$0xd]  }
0xc9: {  	[tilespmem:s14], [sflag:$0x2] =	stream.indirect_vreg.gather [hbm4b:s1+s4], $0x80, v4, vm0, $0xb8;
	[tilespmem:$0x18F00] =	vst v63  }
0xca: {  	s25 =	rddreg [dreg:$0xe]  }
0xcb: {  	[tilespmem:s25], [sflag:$0x2] =	stream.indirect_vreg.gather [hbm4b:s1+s4], $0x80, v3, vm0, $0xb8;
	[tilespmem:$0x18F00] =	vst v63  }
0xcc: {  	v3 =	vld [tilespmem:s8+$0xFFFFFFE0];
	_ =	sdelay $0x4  }
0xcd: {  	v49 =	vshll.u32 v3, $0x1  }
0xce: {  	v3 =	vand.u32 $0x7, v3;
	v4 =	vand.u32 $0xFFFFFFF0, v49  }
0xcf: {  	v3 =	vor.u32 v3, v4  }
0xd0: {  	v4 =	vperm.xlane v3, v0;
	_ =	sdelay $0x1  }
0xd1: {  	v3 =	vperm.xlane v3, v2;
	v4 =	vadd.s32 v1, v4;
	_ =	sdelay $0x1  }
0xd2: {  	v3 =	vadd.s32 v1, v3;
	_ =	sdelay $0x2  }
0xd3: {  	[tilespmem:s11], [sflag:$0x2] =	stream.indirect_vreg.gather [hbm4b:s3+s4], $0x80, v4, vm0, $0xb8;
	[tilespmem:$0x18F00] =	vst v63  }
0xd4: {  	s25 =	rddreg [dreg:$0xf]  }
0xd5: {  	[tilespmem:s25], [sflag:$0x2] =	stream.indirect_vreg.gather [hbm4b:s3+s4], $0x80, v3, vm0, $0xb8;
	[tilespmem:$0x18F00] =	vst v63  }
0xd6: {  	v3 =	vld [tilespmem:s8+$0xFFFFFFF0];
	_ =	sdelay $0x4  }
0xd7: {  	v50 =	vshll.u32 v3, $0x1  }
0xd8: {  	v3 =	vand.u32 $0x7, v3;
	v4 =	vand.u32 $0xFFFFFFF0, v50  }
0xd9: {  	v3 =	vor.u32 v3, v4  }
0xda: {  	v4 =	vperm.xlane v3, v0;
	_ =	sdelay $0x1  }
0xdb: {  	v3 =	vperm.xlane v3, v2;
	v4 =	vadd.s32 v1, v4;
	_ =	sdelay $0x1  }
0xdc: {  	v3 =	vadd.s32 v1, v3;
	_ =	sdelay $0x1  }
0xdd: {  	s14 =	rddreg [dreg:$0x10]  }
0xde: {  	[tilespmem:s14], [sflag:$0x2] =	stream.indirect_vreg.gather [hbm4b:s3+s4], $0x80, v4, vm0, $0xb8;
	[tilespmem:$0x18F00] =	vst v63  }
0xdf: {  	s25 =	rddreg [dreg:$0x11]  }
0xe0: {  	[tilespmem:s25], [sflag:$0x2] =	stream.indirect_vreg.gather [hbm4b:s3+s4], $0x80, v3, vm0, $0xb8;
	[tilespmem:$0x18F00] =	vst v63  }
0xe1: {  	v3 =	vld [tilespmem:s8+$0x0];
	_ =	sdelay $0x4  }
0xe2: {  	v51 =	vshll.u32 v3, $0x1  }
0xe3: {  	v3 =	vand.u32 $0x7, v3;
	v4 =	vand.u32 $0xFFFFFFF0, v51  }
0xe4: {  	v3 =	vor.u32 v3, v4  }
0xe5: {  	v4 =	vperm.xlane v3, v0;
	_ =	sdelay $0x1  }
0xe6: {  	v3 =	vperm.xlane v3, v2;
	v4 =	vadd.s32 v1, v4;
	_ =	sdelay $0x1  }
0xe7: {  	v3 =	vadd.s32 v1, v3;
	_ =	sdelay $0x1  }
0xe8: {  	s14 =	rddreg [dreg:$0x12]  }
0xe9: {  	[tilespmem:s14], [sflag:$0x2] =	stream.indirect_vreg.gather [hbm4b:s3+s4], $0x80, v4, vm0, $0xb8;
	[tilespmem:$0x18F00] =	vst v63  }
0xea: {  	s25 =	rddreg [dreg:$0x13]  }
0xeb: {  	[tilespmem:s25], [sflag:$0x2] =	stream.indirect_vreg.gather [hbm4b:s3+s4], $0x80, v3, vm0, $0xb8;
	[tilespmem:$0x18F00] =	vst v63  }
0xec: {  	v3 =	vld [tilespmem:s8+$0x10];
	_ =	sdelay $0x4  }
0xed: {  	v52 =	vshll.u32 v3, $0x1  }
0xee: {  	v3 =	vand.u32 $0x7, v3;
	v4 =	vand.u32 $0xFFFFFFF0, v52  }
0xef: {  	v3 =	vor.u32 v3, v4  }
0xf0: {  	v4 =	vperm.xlane v3, v0;
	_ =	sdelay $0x1  }
0xf1: {  	v3 =	vperm.xlane v3, v2;
	v4 =	vadd.s32 v1, v4;
	_ =	sdelay $0x1  }
0xf2: {  	v3 =	vadd.s32 v1, v3;
	_ =	sdelay $0x1  }
0xf3: {  	s14 =	rddreg [dreg:$0x14]  }
0xf4: {  	[tilespmem:s14], [sflag:$0x2] =	stream.indirect_vreg.gather [hbm4b:s3+s4], $0x80, v4, vm0, $0xb8;
	[tilespmem:$0x18F00] =	vst v63  }
0xf5: {  	s25 =	rddreg [dreg:$0x15]  }
0xf6: {  	[tilespmem:s25], [sflag:$0x2] =	stream.indirect_vreg.gather [hbm4b:s3+s4], $0x80, v3, vm0, $0xb8;
	[tilespmem:$0x18F00] =	vst v63  }
0xf7: {  	v3 =	vld [tilespmem:s8+$0x20];
	_ =	sdelay $0x4  }
0xf8: {  	v53 =	vshll.u32 v3, $0x1  }
0xf9: {  	v3 =	vand.u32 $0x7, v3;
	v4 =	vand.u32 $0xFFFFFFF0, v53  }
0xfa: {  	v3 =	vor.u32 v3, v4  }
0xfb: {  	v4 =	vperm.xlane v3, v0;
	_ =	sdelay $0x1  }
0xfc: {  	v3 =	vperm.xlane v3, v2;
	v4 =	vadd.s32 v1, v4;
	_ =	sdelay $0x1  }
0xfd: {  	v3 =	vadd.s32 v1, v3;
	_ =	sdelay $0x1  }
0xfe: {  	s14 =	rddreg [dreg:$0x16]  }
0xff: {  	[tilespmem:s14], [sflag:$0x2] =	stream.indirect_vreg.gather [hbm4b:s3+s4], $0x80, v4, vm0, $0xb8;
	[tilespmem:$0x18F00] =	vst v63  }
0x100: {  	s25 =	rddreg [dreg:$0x17]  }
0x101: {  	[tilespmem:s25], [sflag:$0x2] =	stream.indirect_vreg.gather [hbm4b:s3+s4], $0x80, v3, vm0, $0xb8;
	[tilespmem:$0x18F00] =	vst v63  }
0x102: {  	_ =	swait.ge [sflag:s5], $0x5000  }
0x103: {  	[sflag:s5] =	ssyncset.done $0x0  }
0x104: {  	[sflag:s5] =	ssyncadd.s32 $0xFFFFB000  }
0x105: {  	_ =	swait.ge [sflag:s5], $0x5000  }
0x106: {  	s14 =	rddreg [dreg:$0x5];
	[sflag:s5] =	ssyncset.done $0x0  }
0x107: {  	[sflag:s5] =	ssyncadd.s32 $0xFFFFB000;
	s13 =	sadd.s32 s7, s14  }
0x108: {  	[hbm4b:s13+s4] =	stream.linear.scatter [tilespmem:s12], [sflag:$0x3], $0x5000, $0x38;
	[tilespmem:$0x18F00] =	vst v63  }
0x109: {  	_ =	swait.ge [sflag:s10], $0x5000  }
0x10a: {  	s25 =	rddreg [dreg:$0x4];
	[sflag:s10] =	ssyncset.done $0x0  }
0x10b: {  	[sflag:s10] =	ssyncadd.s32 $0xFFFFB000;
	s14 =	sadd.s32 s7, s25  }
0x10c: {  	[hbm4b:s14+s4] =	stream.linear.scatter [tilespmem:s22], [sflag:$0x3], $0x5000, $0x38;
	[tilespmem:$0x18F00] =	vst v63  }
0x10d: {  	_ =	swait.ge [sflag:s10], $0x5000  }
0x10e: {  	[sflag:s10] =	ssyncset.done $0x0  }
0x10f: {  	[sflag:s10] =	ssyncadd.s32 $0xFFFFB000  }
0x110: {  	v3 =	vld [tilespmem:s9+$0x30];
	_ =	sdelay $0x4  }
0x111: {  	v54 =	vshll.u32 v3, $0x1  }
0x112: {  	v3 =	vand.u32 $0x7, v3;
	v4 =	vand.u32 $0xFFFFFFF0, v54  }
0x113: {  	v3 =	vor.u32 v3, v4  }
0x114: {  	v4 =	vperm.xlane v3, v0;
	_ =	sdelay $0x1  }
0x115: {  	v3 =	vperm.xlane v3, v2;
	v4 =	vadd.s32 v1, v4;
	_ =	sdelay $0x1  }
0x116: {  	v3 =	vadd.s32 v1, v3;
	_ =	sdelay $0x2  }
0x117: {  	[tilespmem:s12], [sflag:$0x1] =	stream.indirect_vreg.gather [hbm4b:s1+s4], $0x80, v4, vm0, $0xb8;
	[tilespmem:$0x18F00] =	vst v63  }
0x118: {  	_ = 	snop  }
0x119: {  	[tilespmem:s15], [sflag:$0x1] =	stream.indirect_vreg.gather [hbm4b:s1+s4], $0x80, v3, vm0, $0xb8;
	[tilespmem:$0x18F00] =	vst v63  }
0x11a: {  	v3 =	vld [tilespmem:s9+$0x40];
	_ =	sdelay $0x4  }
0x11b: {  	v55 =	vshll.u32 v3, $0x1  }
0x11c: {  	v3 =	vand.u32 $0x7, v3;
	v4 =	vand.u32 $0xFFFFFFF0, v55  }
0x11d: {  	v3 =	vor.u32 v3, v4  }
0x11e: {  	v4 =	vperm.xlane v3, v0;
	_ =	sdelay $0x1  }
0x11f: {  	v3 =	vperm.xlane v3, v2;
	v4 =	vadd.s32 v1, v4;
	_ =	sdelay $0x1  }
0x120: {  	v3 =	vadd.s32 v1, v3;
	_ =	sdelay $0x2  }
0x121: {  	[tilespmem:s16], [sflag:$0x1] =	stream.indirect_vreg.gather [hbm4b:s1+s4], $0x80, v4, vm0, $0xb8;
	[tilespmem:$0x18F00] =	vst v63  }
0x122: {  	_ = 	snop  }
0x123: {  	[tilespmem:s17], [sflag:$0x1] =	stream.indirect_vreg.gather [hbm4b:s1+s4], $0x80, v3, vm0, $0xb8;
	[tilespmem:$0x18F00] =	vst v63  }
0x124: {  	v3 =	vld [tilespmem:s9+$0x50];
	_ =	sdelay $0x4  }
0x125: {  	v56 =	vshll.u32 v3, $0x1  }
0x126: {  	v3 =	vand.u32 $0x7, v3;
	v4 =	vand.u32 $0xFFFFFFF0, v56  }
0x127: {  	v3 =	vor.u32 v3, v4  }
0x128: {  	v4 =	vperm.xlane v3, v0;
	_ =	sdelay $0x1  }
0x129: {  	v3 =	vperm.xlane v3, v2;
	v4 =	vadd.s32 v1, v4;
	_ =	sdelay $0x1  }
0x12a: {  	v3 =	vadd.s32 v1, v3;
	_ =	sdelay $0x1  }
0x12b: {  	s25 =	simm.s32 $0x6F00  }
0x12c: {  	[tilespmem:s25], [sflag:$0x1] =	stream.indirect_vreg.gather [hbm4b:s1+s4], $0x80, v4, vm0, $0xb8;
	[tilespmem:$0x18F00] =	vst v63  }
0x12d: {  	_ = 	snop  }
0x12e: {  	[tilespmem:s19], [sflag:$0x1] =	stream.indirect_vreg.gather [hbm4b:s1+s4], $0x80, v3, vm0, $0xb8;
	[tilespmem:$0x18F00] =	vst v63  }
0x12f: {  	v3 =	vld [tilespmem:s9+$0x60];
	_ =	sdelay $0x4  }
0x130: {  	v57 =	vshll.u32 v3, $0x1  }
0x131: {  	v3 =	vand.u32 $0x7, v3;
	v4 =	vand.u32 $0xFFFFFFF0, v57  }
0x132: {  	v3 =	vor.u32 v3, v4  }
0x133: {  	v4 =	vperm.xlane v3, v0;
	_ =	sdelay $0x1  }
0x134: {  	v3 =	vperm.xlane v3, v2;
	v4 =	vadd.s32 v1, v4;
	_ =	sdelay $0x1  }
0x135: {  	v3 =	vadd.s32 v1, v3;
	_ =	sdelay $0x2  }
0x136: {  	[tilespmem:s20], [sflag:$0x1] =	stream.indirect_vreg.gather [hbm4b:s1+s4], $0x80, v4, vm0, $0xb8;
	[tilespmem:$0x18F00] =	vst v63  }
0x137: {  	_ = 	snop  }
0x138: {  	[tilespmem:s21], [sflag:$0x1] =	stream.indirect_vreg.gather [hbm4b:s1+s4], $0x80, v3, vm0, $0xb8;
	[tilespmem:$0x18F00] =	vst v63  }
0x139: {  	v3 =	vld [tilespmem:s9+$0x70];
	_ =	sdelay $0x4  }
0x13a: {  	v58 =	vshll.u32 v3, $0x1  }
0x13b: {  	v3 =	vand.u32 $0x7, v3;
	v4 =	vand.u32 $0xFFFFFFF0, v58  }
0x13c: {  	v3 =	vor.u32 v3, v4  }
0x13d: {  	v4 =	vperm.xlane v3, v0;
	_ =	sdelay $0x1  }
0x13e: {  	v3 =	vperm.xlane v3, v2;
	v4 =	vadd.s32 v1, v4;
	_ =	sdelay $0x1  }
0x13f: {  	v3 =	vadd.s32 v1, v3;
	_ =	sdelay $0x2  }
0x140: {  	[tilespmem:s23], [sflag:$0x1] =	stream.indirect_vreg.gather [hbm4b:s1+s4], $0x80, v4, vm0, $0xb8;
	[tilespmem:$0x18F00] =	vst v63  }
0x141: {  	_ = 	snop  }
0x142: {  	[tilespmem:s24], [sflag:$0x1] =	stream.indirect_vreg.gather [hbm4b:s1+s4], $0x80, v3, vm0, $0xb8;
	[tilespmem:$0x18F00] =	vst v63  }
0x143: {  	v3 =	vld [tilespmem:s8+$0x30];
	_ =	sdelay $0x4  }
0x144: {  	v59 =	vshll.u32 v3, $0x1  }
0x145: {  	v3 =	vand.u32 $0x7, v3;
	v4 =	vand.u32 $0xFFFFFFF0, v59  }
0x146: {  	v3 =	vor.u32 v3, v4  }
0x147: {  	v4 =	vperm.xlane v3, v0;
	_ =	sdelay $0x1  }
0x148: {  	v3 =	vperm.xlane v3, v2;
	v4 =	vadd.s32 v1, v4;
	_ =	sdelay $0x1  }
0x149: {  	v3 =	vadd.s32 v1, v3;
	_ =	sdelay $0x2  }
0x14a: {  	[tilespmem:s22], [sflag:$0x1] =	stream.indirect_vreg.gather [hbm4b:s3+s4], $0x80, v4, vm0, $0xb8;
	[tilespmem:$0x18F00] =	vst v63  }
0x14b: {  	s25 =	simm.s32 $0xA700  }
0x14c: {  	[tilespmem:s25], [sflag:$0x1] =	stream.indirect_vreg.gather [hbm4b:s3+s4], $0x80, v3, vm0, $0xb8;
	[tilespmem:$0x18F00] =	vst v63  }
0x14d: {  	v3 =	vld [tilespmem:s8+$0x40];
	_ =	sdelay $0x4  }
0x14e: {  	v60 =	vshll.u32 v3, $0x1  }
0x14f: {  	v3 =	vand.u32 $0x7, v3;
	v4 =	vand.u32 $0xFFFFFFF0, v60  }
0x150: {  	v3 =	vor.u32 v3, v4  }
0x151: {  	v4 =	vperm.xlane v3, v0;
	_ =	sdelay $0x1  }
0x152: {  	v3 =	vperm.xlane v3, v2;
	v4 =	vadd.s32 v1, v4;
	_ =	sdelay $0x1  }
0x153: {  	v3 =	vadd.s32 v1, v3;
	_ =	sdelay $0x2  }
0x154: {  	[tilespmem:s26], [sflag:$0x1] =	stream.indirect_vreg.gather [hbm4b:s3+s4], $0x80, v4, vm0, $0xb8;
	[tilespmem:$0x18F00] =	vst v63  }
0x155: {  	_ = 	snop  }
0x156: {  	[tilespmem:s28], [sflag:$0x1] =	stream.indirect_vreg.gather [hbm4b:s3+s4], $0x80, v3, vm0, $0xb8;
	[tilespmem:$0x18F00] =	vst v63  }
0x157: {  	v3 =	vld [tilespmem:s8+$0x50];
	_ =	sdelay $0x4  }
0x158: {  	v61 =	vshll.u32 v3, $0x1  }
0x159: {  	v3 =	vand.u32 $0x7, v3;
	v4 =	vand.u32 $0xFFFFFFF0, v61  }
0x15a: {  	v3 =	vor.u32 v3, v4  }
0x15b: {  	v4 =	vperm.xlane v3, v0;
	_ =	sdelay $0x1  }
0x15c: {  	v3 =	vperm.xlane v3, v2;
	v4 =	vadd.s32 v1, v4;
	_ =	sdelay $0x1  }
0x15d: {  	v3 =	vadd.s32 v1, v3;
	_ =	sdelay $0x2  }
0x15e: {  	[tilespmem:s29], [sflag:$0x1] =	stream.indirect_vreg.gather [hbm4b:s3+s4], $0x80, v4, vm0, $0xb8;
	[tilespmem:$0x18F00] =	vst v63  }
0x15f: {  	_ = 	snop  }
0x160: {  	[tilespmem:s30], [sflag:$0x1] =	stream.indirect_vreg.gather [hbm4b:s3+s4], $0x80, v3, vm0, $0xb8;
	[tilespmem:$0x18F00] =	vst v63  }
0x161: {  	v3 =	vld [tilespmem:s8+$0x60];
	_ =	sdelay $0x4  }
0x162: {  	v62 =	vshll.u32 v3, $0x1  }
0x163: {  	v3 =	vand.u32 $0x7, v3;
	v4 =	vand.u32 $0xFFFFFFF0, v62  }
0x164: {  	v3 =	vor.u32 v3, v4  }
0x165: {  	v4 =	vperm.xlane v3, v0;
	_ =	sdelay $0x1  }
0x166: {  	v3 =	vperm.xlane v3, v2;
	v4 =	vadd.s32 v1, v4;
	_ =	sdelay $0x1  }
0x167: {  	v3 =	vadd.s32 v1, v3;
	_ =	sdelay $0x2  }
0x168: {  	[tilespmem:s31], [sflag:$0x1] =	stream.indirect_vreg.gather [hbm4b:s3+s4], $0x80, v4, vm0, $0xb8;
	[tilespmem:$0x18F00] =	vst v63  }
0x169: {  	s25 =	simm.s32 $0xD700  }
0x16a: {  	[tilespmem:s25], [sflag:$0x1] =	stream.indirect_vreg.gather [hbm4b:s3+s4], $0x80, v3, vm0, $0xb8;
	[tilespmem:$0x18F00] =	vst v63  }
0x16b: {  	v3 =	vld [tilespmem:s8+$0x70];
	_ =	sdelay $0x4  }
0x16c: {  	v63 =	vshll.u32 v3, $0x1  }
0x16d: {  	v3 =	vand.u32 $0x7, v3;
	v4 =	vand.u32 $0xFFFFFFF0, v63  }
0x16e: {  	v3 =	vor.u32 v3, v4  }
0x16f: {  	v4 =	vperm.xlane v3, v0;
	_ =	sdelay $0x1  }
0x170: {  	v3 =	vperm.xlane v3, v2;
	v4 =	vadd.s32 v1, v4;
	_ =	sdelay $0x1  }
0x171: {  	v3 =	vadd.s32 v1, v3;
	_ =	sdelay $0x2  }
0x172: {  	[tilespmem:s2], [sflag:$0x1] =	stream.indirect_vreg.gather [hbm4b:s3+s4], $0x80, v4, vm0, $0xb8;
	[tilespmem:$0x18F00] =	vst v63  }
0x173: {  	_ = 	snop  }
0x174: {  	[tilespmem:s18], [sflag:$0x1] =	stream.indirect_vreg.gather [hbm4b:s3+s4], $0x80, v3, vm0, $0xb8;
	[tilespmem:$0x18F00] =	vst v63  }
0x175: {  	_ =	swait.ge [sflag:s6], $0x5000  }
0x176: {  	[sflag:s6] =	ssyncset.done $0x0  }
0x177: {  	[sflag:s6] =	ssyncadd.s32 $0xFFFFB000  }
0x178: {  	_ =	swait.ge [sflag:s6], $0x5000  }
0x179: {  	[sflag:s6] =	ssyncset.done $0x0  }
0x17a: {  	s13 =	sadd.s32 $0xA00, s13;
	[sflag:s6] =	ssyncadd.s32 $0xFFFFB000  }
0x17b: {  	[hbm4b:s13+s4] =	stream.linear.scatter [tilespmem:s0], [sflag:$0x3], $0x5000, $0x38;
	[tilespmem:$0x18F00] =	vst v63  }
0x17c: {  	_ =	swait.ge [sflag:s10], $0x5000  }
0x17d: {  	p0 =	sne.s32 s7, $0x4C400;
	[sflag:s10] =	ssyncset.done $0x0  }
.Ltmp0:
0x17e: {  	s25 =	sadd.s32 $0xA00, s14;
	[sflag:s10] =	ssyncadd.s32 $0xFFFFB000;
	(pc) =	sbr.rel @p0 .LBB2_2-.Ltmp0, $4  }
0x17f: {  	[hbm4b:s25+s4] =	stream.linear.scatter [tilespmem:s11], [sflag:$0x3], $0x5000, $0x38;
	[tilespmem:$0x18F00] =	vst v63  }
0x180: {  	_ =	swait.ge [sflag:s10], $0x5000  }
0x181: {  	s7 =	sadd.s32 $0x1400, s7;
	[sflag:s10] =	ssyncset.done $0x0  }
0x182: {  	s9 =	sadd.s32 $0xA0, s9;
	s8 =	sadd.s32 $0xA0, s8;
	[sflag:s10] =	ssyncadd.s32 $0xFFFFB000  }
0x183: {  	_ =	swait.ge [sflag:s5], $0x5000  }
0x184: {  	[sflag:s5] =	ssyncset.done $0x0  }
0x185: {  	[sflag:s5] =	ssyncadd.s32 $0xFFFFB000  }
0x186: {  	_ =	swait.ge [sflag:s5], $0x5000  }
0x187: {  	[sflag:s5] =	ssyncset.done $0x0  }
0x188: {  	s7 =	rddreg [dreg:$0x1a];
	[sflag:s5] =	ssyncadd.s32 $0xFFFFB000  }
0x189: {  	[hbm4b:s7+s4] =	stream.linear.scatter [tilespmem:s12], [sflag:$0x3], $0x5000, $0x38;
	[tilespmem:$0x18F00] =	vst v63  }
0x18a: {  	_ =	swait.ge [sflag:s10], $0x5000  }
0x18b: {  	[sflag:s10] =	ssyncset.done $0x0  }
0x18c: {  	s25 =	rddreg [dreg:$0x1b];
	[sflag:s10] =	ssyncadd.s32 $0xFFFFB000  }
0x18d: {  	[hbm4b:s25+s4] =	stream.linear.scatter [tilespmem:s22], [sflag:$0x3], $0x5000, $0x38;
	[tilespmem:$0x18F00] =	vst v63  }
0x18e: {  	s9 =	simm.s32 $0x5700;
	_ =	swait.ge [sflag:s10], $0x5000  }
0x18f: {  	s13 =	simm.s32 $0x5F00;
	s14 =	simm.s32 $0x6700;
	s8 =	rddreg [dreg:$0x1d]  }
0x190: {  	s15 =	simm.s32 $0x6F00;
	s26 =	rddreg [dreg:$0x1c];
	s8 =	sadd.s32 $0x1, s8  }
0x191: {  	s16 =	simm.s32 $0x7700;
	s17 =	simm.s32 $0x7F00;
	p0 =	sne.s32 s8, s26  }
.Ltmp1:
0x192: {  	s18 =	simm.s32 $0x8700;
	s19 =	simm.s32 $0x8F00;
	(pc) =	sbr.rel @p0 .LBB2_1-.Ltmp1, $4  }
0x193: {  	s20 =	simm.s32 $0x9700;
	s21 =	simm.s32 $0xA700;
	s23 =	simm.s32 $0xAF00  }
0x194: {  	s24 =	simm.s32 $0xB700;
	s28 =	simm.s32 $0xCF00;
	s2 =	simm.s32 $0xD700  }
0x195: {  	s29 =	simm.s32 $0xDF00;
	s30 =	simm.s32 $0xE700;
	[sflag:s10] =	ssyncset.done $0x0  }
0x196: {  	s25 =	simm.s32 $0xBF00;
	[sflag:s10] =	ssyncadd.s32 $0xFFFFB000;
	s26 =	simm.s32 $0xC700  }
0x197: {  	_ =	sfence.sel $0x180000  }
0x198: {  	[bflag:$0x0] =	sbarrier.arrive $0xFFFF  }
0x199: {  	_ =	strace $0x90000047  }
0x19a: {  	s0 =	stileid.u32;
	[bflag:$0x2] =	sbarrier.arrive $0xFFFF  }
0x19b: {  	p0 =	sne.s32 s0, $0x0;
	s0 =	rddreg [dreg:$0x3]  }
0x19c: {  	s0 =	sadd.s32 @!p0 $0x100000, s0  }
0x19d: {  	[sflag:s0] =	ssyncadd.tile.s32 @!p0 $0x1;
	_ =	shalt  }
.Lfunc_end2:
_tile_overlayer_lowered:
.L_overlay_start_2:
0x19e: {  	(tag) =	ssettag $0x2  }
0x19f: {  	s0 =	rddreg [dreg:$0x0];
	s2 =	stileid.u32  }
0x1a0: {  	s1 =	rddreg [dreg:$0x1];
	p0 =	sne.s32 s2, $0x0  }
0x1a1: {  	s3 =	rddreg [dreg:$0x2];
	[bflag:$0x3] =	sbarrier.arrive $0xFFFF;
	s2 =	simm.s32 @!p0 $0x1C03  }
0x1a2: {  	[timem:s3], [sflag:s2] =	dma.local @!p0 [hbm:s0], s1  }
0x1a3: {  	s0 =	simm.s32 @!p0 $0x3  }
0x1a4: {  	_ =	swait.ge @!p0 [sflag:s0], s1  }
0x1a5: {  	s1 =	ssub.s32 @!p0 $0x0, s1;
	[sflag:s0] =	ssyncset.done @!p0 $0x0  }
0x1a6: {  	[sflag:s0] =	ssyncadd.s32 @!p0 s1  }
0x1a7: {  	[bflag:$0x3] =	sbarrier.arrive $0xFFFF  }
0x1a8: {  	_ =	shalt  }

</sc_bundles>
